<compile_context>
chip_gen: v7x
topology: tpu7x:2x2x1
jax: 0.10.2.dev20260603
libtpu: 0.0.44.dev20260713+nightly
codegen_flags: <defaults>
</compile_context>

<pallas_src>
import functools

import jax
import jax.numpy as jnp
from jax import lax
from jax.experimental import pallas as pl
from jax.experimental.pallas import tpu as pltpu
from jax.experimental.pallas import tpu_sc as plsc

_B = 16384
_CB = 32768
_PG = 512
_Q = _PG // 4


def _pack2(a, b):
    return ((a + 0x8000) & jnp.uint32(0xFFFF0000)) | ((b + 0x8000) >> 16)


def _reformat_body(in_ref, out_ref):
    for j in range(_CB // _PG):
        t = jnp.transpose(in_ref[:, j * _PG : (j + 1) * _PG], (1, 0))
        u = lax.bitcast_convert_type(t, jnp.uint32)
        w0 = _pack2(u[:_Q], u[_Q : 2 * _Q])
        w1 = _pack2(u[2 * _Q : 3 * _Q], u[3 * _Q :])
        w = jnp.concatenate([w0, w1], axis=1)
        out_ref[j * _Q : (j + 1) * _Q, :] = lax.bitcast_convert_type(
            w, jnp.float32
        )


def _reformat(tv):
    k, n = tv.shape
    nblk = (n + _CB - 1) // _CB
    return pl.pallas_call(
        _reformat_body,
        grid=(nblk,),
        in_specs=[pl.BlockSpec((k, _CB), lambda i: (0, i))],
        out_specs=pl.BlockSpec((_CB // 4, 128), lambda i: (i, 0)),
        out_shape=jax.ShapeDtypeStruct((nblk * (_CB // 4), 128), jnp.float32),
    )(tv)


def _make_sc_gather(b):
    info = plsc.get_sparse_core_info()
    nc, ns = info.num_cores, info.num_subcores
    nw = nc * ns
    b_per_w = b // nw
    mesh = plsc.VectorSubcoreMesh(core_axis_name="c", subcore_axis_name="s")

    @functools.partial(
        pl.kernel,
        mesh=mesh,
        out_type=jax.ShapeDtypeStruct((b, 128), jnp.float32),
        scratch_types=[
            pltpu.VMEM((b_per_w,), jnp.int32),
            pltpu.VMEM((b_per_w,), jnp.int32),
            pltpu.VMEM((b_per_w, 128), jnp.float32),
            pltpu.SemaphoreType.DMA,
        ],
    )
    def gather_kernel(x_hbm, table_hbm, out_hbm, x_v, row_v, rows_v, sem):
        wid = lax.axis_index("s") * nc + lax.axis_index("c")
        base = wid * b_per_w
        pltpu.sync_copy(x_hbm.at[pl.ds(base, b_per_w)], x_v)

        def cvt(i, carry):
            xc = x_v[pl.ds(i * 16, 16)]
            row_v[pl.ds(i * 16, 16)] = (xc >> 9) * _Q + (xc & (_Q - 1))
            return carry

        lax.fori_loop(0, b_per_w // 16, cvt, 0)
        pltpu.async_copy(table_hbm.at[row_v], rows_v, sem).wait()
        pltpu.sync_copy(rows_v, out_hbm.at[pl.ds(base, b_per_w)])

    return gather_kernel


def _mm_body(pair_ref, sel_ref, w_ref, b_ref, out_ref):
    pair = pair_ref[...]
    sel = sel_ref[...]
    half = sel >= 2
    sub = sel & 1
    w64 = jnp.where(~half, pair[:, :64], pair[:, 64:])
    u = lax.bitcast_convert_type(w64, jnp.uint32)
    bits = jnp.where(sub == 0, u & jnp.uint32(0xFFFF0000), u << 16)
    emb = lax.bitcast_convert_type(bits, jnp.float32)
    out_ref[...] = (
        jnp.dot(emb, w_ref[...], preferred_element_type=jnp.float32) + b_ref[...]
    )


@jax.jit
def kernel(x, bank, W, b):
    x = jnp.squeeze(x).astype(jnp.int32)
    d = bank.shape[1]
    out_dim = W.shape[1]

    tv = jnp.transpose(bank)
    table = _reformat(tv)

    sel = ((x % _PG) // _Q).astype(jnp.int32)

    pair_rows = _make_sc_gather(_B)(x, table)

    blk = 4096
    out = pl.pallas_call(
        _mm_body,
        grid=(_B // blk,),
        in_specs=[
            pl.BlockSpec((blk, 2 * d), lambda i: (i, 0)),
            pl.BlockSpec((blk, 1), lambda i: (i, 0)),
            pl.BlockSpec((d, out_dim), lambda i: (0, 0)),
            pl.BlockSpec((1, out_dim), lambda i: (0, 0)),
        ],
        out_specs=pl.BlockSpec((blk, out_dim), lambda i: (i, 0)),
        out_shape=jax.ShapeDtypeStruct((_B, out_dim), jnp.float32),
    )(pair_rows, sel.reshape(_B, 1), W, b.reshape(1, out_dim))
    return out

# --- scband reference (transcript-rebuilt; emitter-appended) ---
"""Pipeline reference for scband-entity-embedder-1331439862228 (READ-ONLY COPY).

The authoritative reference and input builder live on the scoring server;
editing this copy changes nothing except your own understanding.
"""

import jax, jax.numpy as jnp
import numpy as np

B = 16384
VOCAB = 1000000
BANK_DIM = 64
OUT_DIM = 128


def setup_inputs(seed: int = 0) -> dict:
    key = jax.random.key(seed)
    k1, k2, k3 = jax.random.split(key, 3)
    x = jax.random.randint(k1, (B,), 0, VOCAB, dtype=jnp.int64 if jax.config.jax_enable_x64 else jnp.int32)
    bank = jax.random.normal(k2, (VOCAB, BANK_DIM), dtype=jnp.float32)
    # null-prepended convention: index 0 is a zero sentinel row
    bank = bank.at[0].set(0.0)
    # inner embedder modeled as a linear projection bank_dim -> out_dim
    W = jax.random.normal(k3, (BANK_DIM, OUT_DIM), dtype=jnp.float32) * 0.05
    b = jnp.zeros((OUT_DIM,), dtype=jnp.float32)
    return {"x": x, "bank": bank, "W": W, "b": b}


def reference(x, bank, W, b):
    # EntityEmbedder.__call__ with soft=False:
    #   x = jnp.squeeze(x)
    #   soft_hot = jax.nn.one_hot(x, bank.shape[0])
    #   emb = soft_hot @ bank
    # one_hot(x, K) @ bank is mathematically an embedding gather;
    # jnp.take maps to the SparseCore gather primitive.
    x = jnp.squeeze(x)
    emb = jnp.take(bank, x, axis=0)
    # inner embedder (linear)
    return emb @ W + b

if __name__ == "__main__":
    import jax
    _d = setup_inputs()
    print(jax.jit(kernel)(*tuple(_d.values())))

</pallas_src>

<mosaic_0001>
#map = affine_map<(d0, d1) -> (0)>
#map1 = affine_map<(d0, d1) -> (0, 0)>
module attributes {stable_mosaic.version = 14 : i64} {
  func.func @gather_kernel(%arg0: i32, %arg1: i32, %arg2: memref<16384xi32, #tpu.memory_space<hbm>>, %arg3: memref<253952x128xf32, #tpu.memory_space<hbm>>, %arg4: memref<16384x128xf32, #tpu.memory_space<hbm>>, %arg5: memref<512xi32, #tpu.memory_space<vmem>>, %arg6: memref<512xi32, #tpu.memory_space<vmem>>, %arg7: memref<512x128xf32, #tpu.memory_space<vmem>>, %arg8: memref<!tpu.dma_semaphore, #tpu.memory_space<semaphore_mem>>) attributes {dimension_semantics = [#tpu.dimension_semantics<core_parallel>, #tpu.dimension_semantics<subcore_parallel>], iteration_bounds = array<i64: 2, 16>, scalar_prefetch = 0 : i64, scratch_operands = 4 : i64, tpu.core_type = #tpu.core_type<sc_vector_subcore>, window_params = [{transform_indices = #map}, {transform_indices = #map1}, {transform_indices = #map1}]} {
    %mul3A = arith.constant 2 : i32
    %mul3A_0 = arith.muli %arg1, %mul3A : i32
    %add3A = arith.addi %mul3A_0, %arg0 : i32
    %mul3A_1 = arith.constant 512 : i32
    %mul3A_2 = arith.muli %add3A, %mul3A_1 : i32
    "tpu.region"() ({
      %run_scoped3A = tpu.sem_alloc : memref<!tpu.dma_semaphore, #tpu.memory_space<semaphore_mem>>
      %dma_start3A_12 = tpu.memref_slice %arg2[%mul3A_2] : memref<16384xi32, #tpu.memory_space<hbm>> -> memref<512xi32, #tpu.memory_space<hbm>>
      %dma_start3A_13 = tpu.memref_slice %arg2[%mul3A_2] : memref<16384xi32, #tpu.memory_space<hbm>> -> memref<512xi32, #tpu.memory_space<hbm>>
      tpu.enqueue_dma source(%dma_start3A_13 : memref<512xi32, #tpu.memory_space<hbm>>) target(%arg5 : memref<512xi32, #tpu.memory_space<vmem>>) target_semaphore(%run_scoped3A : memref<!tpu.dma_semaphore, #tpu.memory_space<semaphore_mem>>)
      %dma_wait3A_14 = tpu.memref_slice %arg2[%mul3A_2] : memref<16384xi32, #tpu.memory_space<hbm>> -> memref<512xi32, #tpu.memory_space<hbm>>
      %dma_wait3A_15 = tpu.memref_slice %arg2[%mul3A_2] : memref<16384xi32, #tpu.memory_space<hbm>> -> memref<512xi32, #tpu.memory_space<hbm>>
      tpu.wait_dma2 semaphore(%run_scoped3A : memref<!tpu.dma_semaphore, #tpu.memory_space<semaphore_mem>>) src(%dma_wait3A_15 : memref<512xi32, #tpu.memory_space<hbm>>) dst(%arg5 : memref<512xi32, #tpu.memory_space<vmem>>)
      tpu.yield
    }) : () -> ()
    %scan3A = arith.constant 0 : i32
    %scan3A_3 = arith.constant 0 : i32
    %scan3A_4 = arith.constant 32 : i32
    %scan3A_5 = arith.addi %scan3A_3, %scan3A_4 : i32
    %scan3A_6 = arith.constant 1 : i32
    scf.for %scan3A_12 = %scan3A_3 to %scan3A_5 step %scan3A_6  : i32 {
      %mul3A_13 = arith.constant 16 : i32
      %mul3A_14 = arith.muli %scan3A_12, %mul3A_13 : i32
      %get3A = arith.index_cast %mul3A_14 : i32 to index
      %get3A_15 = tpu.vector_load %arg5[%get3A] {strides = array<i32>} : memref<512xi32, #tpu.memory_space<vmem>>, vector<16xi32>,
      %get3A_16 = vector.shape_cast %get3A_15 : vector<16xi32> to vector<16xi32>
      %shift_right_arithmetic3A = arith.constant 9 : i32
      %shift_right_arithmetic3A_17 = vector.broadcast %shift_right_arithmetic3A : i32 to vector<16xi32>
      %shift_right_arithmetic3A_18 = arith.shrsi %get3A_16, %shift_right_arithmetic3A_17 : vector<16xi32>
      %mul3A_19 = arith.constant 128 : i32
      %mul3A_20 = vector.broadcast %mul3A_19 : i32 to vector<16xi32>
      %mul3A_21 = arith.muli %shift_right_arithmetic3A_18, %mul3A_20 : vector<16xi32>
      %and3A = arith.constant 127 : i32
      %and3A_22 = vector.broadcast %and3A : i32 to vector<16xi32>
      %and3A_23 = arith.andi %get3A_16, %and3A_22 : vector<16xi32>
      %add3A_24 = arith.addi %mul3A_21, %and3A_23 : vector<16xi32>
      %mul3A_25 = arith.constant 16 : i32
      %mul3A_26 = arith.muli %scan3A_12, %mul3A_25 : i32
      %swap3A = arith.index_cast %mul3A_26 : i32 to index
      %swap3A_27 = tpu.vector_load %arg6[%swap3A] {strides = array<i32>} : memref<512xi32, #tpu.memory_space<vmem>>, vector<16xi32>,
      %swap3A_28 = vector.shape_cast %swap3A_27 : vector<16xi32> to vector<16xi32>
      %swap3A_29 = vector.shape_cast %add3A_24 : vector<16xi32> to vector<16xi32>
      tpu.vector_store %arg6[%swap3A], %swap3A_29 {strides = array<i32>} : memref<512xi32, #tpu.memory_space<vmem>>, vector<16xi32>,
    }
    %scan3A_7 = arith.constant 32 : i32
    %dma_start3A = arith.constant 0 : i32
    %dma_start3A_8 = arith.constant 0 : i32
    %dma_start3A_9 = tpu.memref_slice %arg3[%dma_start3A, %dma_start3A_8] : memref<253952x128xf32, #tpu.memory_space<hbm>> -> memref<253952x128xf32, #tpu.memory_space<hbm>>
    tpu.enqueue_indirect_dma source(%dma_start3A_9 : memref<253952x128xf32, #tpu.memory_space<hbm>>) target(%arg7 : memref<512x128xf32, #tpu.memory_space<vmem>>) offsets(%arg6 : memref<512xi32, #tpu.memory_space<vmem>>) semaphore(%arg8 : memref<!tpu.dma_semaphore, #tpu.memory_space<semaphore_mem>>)
    %dma_wait3A = arith.constant 0 : i32
    %dma_wait3A_10 = arith.constant 0 : i32
    %dma_wait3A_11 = tpu.memref_slice %arg3[%dma_wait3A, %dma_wait3A_10] : memref<253952x128xf32, #tpu.memory_space<hbm>> -> memref<253952x128xf32, #tpu.memory_space<hbm>>
    tpu.wait_indirect_dma semaphore(%arg8 : memref<!tpu.dma_semaphore, #tpu.memory_space<semaphore_mem>>) src(%dma_wait3A_11 : memref<253952x128xf32, #tpu.memory_space<hbm>>) dst(%arg7 : memref<512x128xf32, #tpu.memory_space<vmem>>)
    "tpu.region"() ({
      %run_scoped3A = tpu.sem_alloc : memref<!tpu.dma_semaphore, #tpu.memory_space<semaphore_mem>>
      %dma_start3A_12 = arith.constant 0 : i32
      %dma_start3A_13 = tpu.memref_slice %arg4[%mul3A_2, %dma_start3A_12] : memref<16384x128xf32, #tpu.memory_space<hbm>> -> memref<512x128xf32, #tpu.memory_space<hbm>>
      %dma_start3A_14 = arith.constant 0 : i32
      %dma_start3A_15 = tpu.memref_slice %arg4[%mul3A_2, %dma_start3A_14] : memref<16384x128xf32, #tpu.memory_space<hbm>> -> memref<512x128xf32, #tpu.memory_space<hbm>>
      tpu.enqueue_dma source(%arg7 : memref<512x128xf32, #tpu.memory_space<vmem>>) target(%dma_start3A_15 : memref<512x128xf32, #tpu.memory_space<hbm>>) target_semaphore(%run_scoped3A : memref<!tpu.dma_semaphore, #tpu.memory_space<semaphore_mem>>)
      %dma_wait3A_16 = arith.constant 0 : i32
      %dma_wait3A_17 = tpu.memref_slice %arg4[%mul3A_2, %dma_wait3A_16] : memref<16384x128xf32, #tpu.memory_space<hbm>> -> memref<512x128xf32, #tpu.memory_space<hbm>>
      %dma_wait3A_18 = arith.constant 0 : i32
      %dma_wait3A_19 = tpu.memref_slice %arg4[%mul3A_2, %dma_wait3A_18] : memref<16384x128xf32, #tpu.memory_space<hbm>> -> memref<512x128xf32, #tpu.memory_space<hbm>>
      tpu.wait_dma2 semaphore(%run_scoped3A : memref<!tpu.dma_semaphore, #tpu.memory_space<semaphore_mem>>) src(%arg7 : memref<512x128xf32, #tpu.memory_space<vmem>>) dst(%dma_wait3A_19 : memref<512x128xf32, #tpu.memory_space<hbm>>)
      tpu.yield
    }) : () -> ()
    return
  }
}

module attributes {stable_mosaic.version = 14 : i64} {
  func.func @_mm_body(%arg0: i32, %arg1: memref<4096x128xf32, #tpu.memory_space<vmem>>, %arg2: memref<4096x1xi32, #tpu.memory_space<vmem>>, %arg3: memref<64x128xf32, #tpu.memory_space<vmem>>, %arg4: memref<1x128xf32, #tpu.memory_space<vmem>>, %arg5: memref<4096x128xf32, #tpu.memory_space<vmem>>) attributes {dimension_semantics = [#tpu.dimension_semantics<arbitrary>], iteration_bounds = array<i64: 4>, scalar_prefetch = 0 : i64, scratch_operands = 0 : i64, tpu.core_type = #tpu.core_type<tc>, window_params = [{transform_indices = @transform_0, window_bounds = array<i64: 4096, 128>}, {transform_indices = @transform_1, window_bounds = array<i64: 4096, 1>}, {pipeline_mode = #tpu.pipeline_mode<synchronous>, transform_indices = @transform_2, window_bounds = array<i64: 64, 128>}, {pipeline_mode = #tpu.pipeline_mode<synchronous>, transform_indices = @transform_3, window_bounds = array<i64: 1, 128>}, {transform_indices = @transform_4, window_bounds = array<i64: 4096, 128>}]} {
    %get3A = arith.constant 0 : index
    %get3A_0 = arith.constant 0 : index
    %get3A_1 = vector.load %arg1[%get3A, %get3A_0] : memref<4096x128xf32, #tpu.memory_space<vmem>>, vector<4096x128xf32>
    %get3A_2 = arith.constant 0 : index
    %get3A_3 = arith.constant 0 : index
    %get3A_4 = vector.load %arg2[%get3A_2, %get3A_3] : memref<4096x1xi32, #tpu.memory_space<vmem>>, vector<4096x1xi32>
    %ge3A = arith.constant 2 : i32
    %ge3A_5 = vector.broadcast %ge3A : i32 to vector<4096x1xi32>
    %ge3A_6 = arith.cmpi sge, %get3A_4, %ge3A_5 : vector<4096x1xi32>
    %and3A = arith.constant 1 : i32
    %and3A_7 = vector.broadcast %and3A : i32 to vector<4096x1xi32>
    %and3A_8 = arith.andi %get3A_4, %and3A_7 : vector<4096x1xi32>
    %not3A = arith.constant dense<true> : vector<4096x1xi1>
    %not3A_9 = arith.xori %ge3A_6, %not3A : vector<4096x1xi1>
    %slice3A = vector.extract_strided_slice %get3A_1 {offsets = [0, 0], sizes = [4096, 64], strides = [1, 1]} : vector<4096x128xf32> to vector<4096x64xf32>
    %slice3A_10 = vector.extract_strided_slice %get3A_1 {offsets = [0, 64], sizes = [4096, 64], strides = [1, 1]} : vector<4096x128xf32> to vector<4096x64xf32>
    %broadcast_in_dim3A = vector.shape_cast %not3A_9 : vector<4096x1xi1> to vector<4096x1xi1>
    %broadcast_in_dim3A_11 = vector.broadcast %broadcast_in_dim3A : vector<4096x1xi1> to vector<4096x64xi1>
    %select_n3A = arith.select %broadcast_in_dim3A_11, %slice3A, %slice3A_10 : vector<4096x64xi1>, vector<4096x64xf32>
    %bitcast_convert_type3A = tpu.bitcast %select_n3A : vector<4096x64xf32> -> vector<4096x64xi32>
    %eq3A = arith.constant 0 : i32
    %eq3A_12 = vector.broadcast %eq3A : i32 to vector<4096x1xi32>
    %eq3A_13 = arith.cmpi eq, %and3A_8, %eq3A_12 : vector<4096x1xi32>
    %and3A_14 = arith.constant -65536 : i32
    %and3A_15 = vector.broadcast %and3A_14 : i32 to vector<4096x64xi32>
    %and3A_16 = arith.andi %bitcast_convert_type3A, %and3A_15 : vector<4096x64xi32>
    %shift_left3A = arith.constant 16 : i32
    %shift_left3A_17 = vector.broadcast %shift_left3A : i32 to vector<4096x64xi32>
    %shift_left3A_18 = arith.shli %bitcast_convert_type3A, %shift_left3A_17 : vector<4096x64xi32>
    %broadcast_in_dim3A_19 = vector.shape_cast %eq3A_13 : vector<4096x1xi1> to vector<4096x1xi1>
    %broadcast_in_dim3A_20 = vector.broadcast %broadcast_in_dim3A_19 : vector<4096x1xi1> to vector<4096x64xi1>
    %select_n3A_21 = arith.select %broadcast_in_dim3A_20, %and3A_16, %shift_left3A_18 : vector<4096x64xi1>, vector<4096x64xi32>
    %bitcast_convert_type3A_22 = tpu.bitcast %select_n3A_21 : vector<4096x64xi32> -> vector<4096x64xf32>
    %get3A_23 = arith.constant 0 : index
    %get3A_24 = arith.constant 0 : index
    %get3A_25 = vector.load %arg3[%get3A_23, %get3A_24] : memref<64x128xf32, #tpu.memory_space<vmem>>, vector<64x128xf32>
    %dot_general3A = arith.constant dense<0.000000e+00> : vector<4096x128xf32>
    %dot_general3A_26 = tpu.matmul %bitcast_convert_type3A_22, %get3A_25, %dot_general3A {dimension_numbers = #tpu.dot_dimension_numbers<[1], [0], [0], [1], [0, 0, 1, 1], [], []>, transpose_lhs_hint = false} : vector<4096x64xf32>, vector<64x128xf32>, vector<4096x128xf32> -> vector<4096x128xf32>
    %get3A_27 = arith.constant 0 : index
    %get3A_28 = arith.constant 0 : index
    %get3A_29 = vector.load %arg4[%get3A_27, %get3A_28] : memref<1x128xf32, #tpu.memory_space<vmem>>, vector<1x128xf32>
    %add3A = vector.broadcast %get3A_29 : vector<1x128xf32> to vector<4096x128xf32>
    %add3A_30 = arith.addf %dot_general3A_26, %add3A : vector<4096x128xf32>
    %swap3A = arith.constant 0 : index
    %swap3A_31 = arith.constant 0 : index
    %swap3A_32 = vector.load %arg5[%swap3A, %swap3A_31] : memref<4096x128xf32, #tpu.memory_space<vmem>>, vector<4096x128xf32>
    tpu.vector_store %arg5[%swap3A, %swap3A_31], %add3A_30 {strides = array<i32>} : memref<4096x128xf32, #tpu.memory_space<vmem>>, vector<4096x128xf32>,
    return
  }
  func.func @transform_0(%arg0: i32) -> (i32, i32) {
    %c0_i32 = arith.constant 0 : i32
    %c0_i32_0 = arith.constant 0 : i32
    return %arg0, %c0_i32 : i32, i32
  }
  func.func @transform_1(%arg0: i32) -> (i32, i32) {
    %c0_i32 = arith.constant 0 : i32
    %c0_i32_0 = arith.constant 0 : i32
    return %arg0, %c0_i32 : i32, i32
  }
  func.func @transform_2(%arg0: i32) -> (i32, i32) {
    %c0_i32 = arith.constant 0 : i32
    %c0_i32_0 = arith.constant 0 : i32
    %c0_i32_1 = arith.constant 0 : i32
    return %c0_i32, %c0_i32_0 : i32, i32
  }
  func.func @transform_3(%arg0: i32) -> (i32, i32) {
    %c0_i32 = arith.constant 0 : i32
    %c0_i32_0 = arith.constant 0 : i32
    %c0_i32_1 = arith.constant 0 : i32
    return %c0_i32, %c0_i32_0 : i32, i32
  }
  func.func @transform_4(%arg0: i32) -> (i32, i32) {
    %c0_i32 = arith.constant 0 : i32
    %c0_i32_0 = arith.constant 0 : i32
    return %arg0, %c0_i32 : i32, i32
  }
}

module attributes {stable_mosaic.version = 14 : i64} {
  func.func @_reformat_body(%arg0: i32, %arg1: memref<64x32768xf32, #tpu.memory_space<vmem>>, %arg2: memref<8192x128xf32, #tpu.memory_space<vmem>>) attributes {dimension_semantics = [#tpu.dimension_semantics<arbitrary>], iteration_bounds = array<i64: 31>, scalar_prefetch = 0 : i64, scratch_operands = 0 : i64, tpu.core_type = #tpu.core_type<tc>, window_params = [{transform_indices = @transform_0, window_bounds = array<i64: 64, 32768>}, {transform_indices = @transform_1, window_bounds = array<i64: 8192, 128>}]} {
    %get3A = arith.constant 0 : index
    %get3A_0 = arith.constant 0 : index
    %get3A_1 = vector.load %arg1[%get3A, %get3A_0] : memref<64x32768xf32, #tpu.memory_space<vmem>>, vector<64x512xf32>
    %transpose3A = tpu.transpose %get3A_1, [1, 0] : vector<64x512xf32> -> vector<512x64xf32>
    %bitcast_convert_type3A = tpu.bitcast %transpose3A : vector<512x64xf32> -> vector<512x64xi32>
    %slice3A = vector.extract_strided_slice %bitcast_convert_type3A {offsets = [0, 0], sizes = [128, 64], strides = [1, 1]} : vector<512x64xi32> to vector<128x64xi32>
    %slice3A_2 = vector.extract_strided_slice %bitcast_convert_type3A {offsets = [128, 0], sizes = [128, 64], strides = [1, 1]} : vector<512x64xi32> to vector<128x64xi32>
    %add3A = arith.constant 32768 : i32
    %add3A_3 = vector.broadcast %add3A : i32 to vector<128x64xi32>
    %add3A_4 = arith.addi %slice3A, %add3A_3 : vector<128x64xi32>
    %and3A = arith.constant -65536 : i32
    %and3A_5 = vector.broadcast %and3A : i32 to vector<128x64xi32>
    %and3A_6 = arith.andi %add3A_4, %and3A_5 : vector<128x64xi32>
    %add3A_7 = arith.constant 32768 : i32
    %add3A_8 = vector.broadcast %add3A_7 : i32 to vector<128x64xi32>
    %add3A_9 = arith.addi %slice3A_2, %add3A_8 : vector<128x64xi32>
    %shift_right_logical3A = arith.constant 16 : i32
    %shift_right_logical3A_10 = vector.broadcast %shift_right_logical3A : i32 to vector<128x64xi32>
    %shift_right_logical3A_11 = arith.shrui %add3A_9, %shift_right_logical3A_10 : vector<128x64xi32>
    %or3A = arith.ori %and3A_6, %shift_right_logical3A_11 : vector<128x64xi32>
    %slice3A_12 = vector.extract_strided_slice %bitcast_convert_type3A {offsets = [256, 0], sizes = [128, 64], strides = [1, 1]} : vector<512x64xi32> to vector<128x64xi32>
    %slice3A_13 = vector.extract_strided_slice %bitcast_convert_type3A {offsets = [384, 0], sizes = [128, 64], strides = [1, 1]} : vector<512x64xi32> to vector<128x64xi32>
    %add3A_14 = arith.constant 32768 : i32
    %add3A_15 = vector.broadcast %add3A_14 : i32 to vector<128x64xi32>
    %add3A_16 = arith.addi %slice3A_12, %add3A_15 : vector<128x64xi32>
    %and3A_17 = arith.constant -65536 : i32
    %and3A_18 = vector.broadcast %and3A_17 : i32 to vector<128x64xi32>
    %and3A_19 = arith.andi %add3A_16, %and3A_18 : vector<128x64xi32>
    %add3A_20 = arith.constant 32768 : i32
    %add3A_21 = vector.broadcast %add3A_20 : i32 to vector<128x64xi32>
    %add3A_22 = arith.addi %slice3A_13, %add3A_21 : vector<128x64xi32>
    %shift_right_logical3A_23 = arith.constant 16 : i32
    %shift_right_logical3A_24 = vector.broadcast %shift_right_logical3A_23 : i32 to vector<128x64xi32>
    %shift_right_logical3A_25 = arith.shrui %add3A_22, %shift_right_logical3A_24 : vector<128x64xi32>
    %or3A_26 = arith.ori %and3A_19, %shift_right_logical3A_25 : vector<128x64xi32>
    %concatenate3A = tpu.concatenate %or3A, %or3A_26 in 1 : vector<128x64xi32>, vector<128x64xi32> -> vector<128x128xi32>
    %bitcast_convert_type3A_27 = tpu.bitcast %concatenate3A : vector<128x128xi32> -> vector<128x128xf32>
    %swap3A = arith.constant 0 : index
    %swap3A_28 = arith.constant 0 : index
    %swap3A_29 = vector.load %arg2[%swap3A, %swap3A_28] : memref<8192x128xf32, #tpu.memory_space<vmem>>, vector<128x128xf32>
    tpu.vector_store %arg2[%swap3A, %swap3A_28], %bitcast_convert_type3A_27 {strides = array<i32>} : memref<8192x128xf32, #tpu.memory_space<vmem>>, vector<128x128xf32>,
    %get3A_30 = arith.constant 0 : index
    %get3A_31 = arith.constant 512 : index
    %get3A_32 = vector.load %arg1[%get3A_30, %get3A_31] : memref<64x32768xf32, #tpu.memory_space<vmem>>, vector<64x512xf32>
    %transpose3A_33 = tpu.transpose %get3A_32, [1, 0] : vector<64x512xf32> -> vector<512x64xf32>
    %bitcast_convert_type3A_34 = tpu.bitcast %transpose3A_33 : vector<512x64xf32> -> vector<512x64xi32>
    %slice3A_35 = vector.extract_strided_slice %bitcast_convert_type3A_34 {offsets = [0, 0], sizes = [128, 64], strides = [1, 1]} : vector<512x64xi32> to vector<128x64xi32>
    %slice3A_36 = vector.extract_strided_slice %bitcast_convert_type3A_34 {offsets = [128, 0], sizes = [128, 64], strides = [1, 1]} : vector<512x64xi32> to vector<128x64xi32>
    %add3A_37 = arith.constant 32768 : i32
    %add3A_38 = vector.broadcast %add3A_37 : i32 to vector<128x64xi32>
    %add3A_39 = arith.addi %slice3A_35, %add3A_38 : vector<128x64xi32>
    %and3A_40 = arith.constant -65536 : i32
    %and3A_41 = vector.broadcast %and3A_40 : i32 to vector<128x64xi32>
    %and3A_42 = arith.andi %add3A_39, %and3A_41 : vector<128x64xi32>
    %add3A_43 = arith.constant 32768 : i32
    %add3A_44 = vector.broadcast %add3A_43 : i32 to vector<128x64xi32>
    %add3A_45 = arith.addi %slice3A_36, %add3A_44 : vector<128x64xi32>
    %shift_right_logical3A_46 = arith.constant 16 : i32
    %shift_right_logical3A_47 = vector.broadcast %shift_right_logical3A_46 : i32 to vector<128x64xi32>
    %shift_right_logical3A_48 = arith.shrui %add3A_45, %shift_right_logical3A_47 : vector<128x64xi32>
    %or3A_49 = arith.ori %and3A_42, %shift_right_logical3A_48 : vector<128x64xi32>
    %slice3A_50 = vector.extract_strided_slice %bitcast_convert_type3A_34 {offsets = [256, 0], sizes = [128, 64], strides = [1, 1]} : vector<512x64xi32> to vector<128x64xi32>
    %slice3A_51 = vector.extract_strided_slice %bitcast_convert_type3A_34 {offsets = [384, 0], sizes = [128, 64], strides = [1, 1]} : vector<512x64xi32> to vector<128x64xi32>
    %add3A_52 = arith.constant 32768 : i32
    %add3A_53 = vector.broadcast %add3A_52 : i32 to vector<128x64xi32>
    %add3A_54 = arith.addi %slice3A_50, %add3A_53 : vector<128x64xi32>
    %and3A_55 = arith.constant -65536 : i32
    %and3A_56 = vector.broadcast %and3A_55 : i32 to vector<128x64xi32>
    %and3A_57 = arith.andi %add3A_54, %and3A_56 : vector<128x64xi32>
    %add3A_58 = arith.constant 32768 : i32
    %add3A_59 = vector.broadcast %add3A_58 : i32 to vector<128x64xi32>
    %add3A_60 = arith.addi %slice3A_51, %add3A_59 : vector<128x64xi32>
    %shift_right_logical3A_61 = arith.constant 16 : i32
    %shift_right_logical3A_62 = vector.broadcast %shift_right_logical3A_61 : i32 to vector<128x64xi32>
    %shift_right_logical3A_63 = arith.shrui %add3A_60, %shift_right_logical3A_62 : vector<128x64xi32>
    %or3A_64 = arith.ori %and3A_57, %shift_right_logical3A_63 : vector<128x64xi32>
    %concatenate3A_65 = tpu.concatenate %or3A_49, %or3A_64 in 1 : vector<128x64xi32>, vector<128x64xi32> -> vector<128x128xi32>
    %bitcast_convert_type3A_66 = tpu.bitcast %concatenate3A_65 : vector<128x128xi32> -> vector<128x128xf32>
    %swap3A_67 = arith.constant 128 : index
    %swap3A_68 = arith.constant 0 : index
    %swap3A_69 = vector.load %arg2[%swap3A_67, %swap3A_68] : memref<8192x128xf32, #tpu.memory_space<vmem>>, vector<128x128xf32>
    tpu.vector_store %arg2[%swap3A_67, %swap3A_68], %bitcast_convert_type3A_66 {strides = array<i32>} : memref<8192x128xf32, #tpu.memory_space<vmem>>, vector<128x128xf32>,
    %get3A_70 = arith.constant 0 : index
    %get3A_71 = arith.constant 1024 : index
    %get3A_72 = vector.load %arg1[%get3A_70, %get3A_71] : memref<64x32768xf32, #tpu.memory_space<vmem>>, vector<64x512xf32>
    %transpose3A_73 = tpu.transpose %get3A_72, [1, 0] : vector<64x512xf32> -> vector<512x64xf32>
    %bitcast_convert_type3A_74 = tpu.bitcast %transpose3A_73 : vector<512x64xf32> -> vector<512x64xi32>
    %slice3A_75 = vector.extract_strided_slice %bitcast_convert_type3A_74 {offsets = [0, 0], sizes = [128, 64], strides = [1, 1]} : vector<512x64xi32> to vector<128x64xi32>
    %slice3A_76 = vector.extract_strided_slice %bitcast_convert_type3A_74 {offsets = [128, 0], sizes = [128, 64], strides = [1, 1]} : vector<512x64xi32> to vector<128x64xi32>
    %add3A_77 = arith.constant 32768 : i32
    %add3A_78 = vector.broadcast %add3A_77 : i32 to vector<128x64xi32>
    %add3A_79 = arith.addi %slice3A_75, %add3A_78 : vector<128x64xi32>
    %and3A_80 = arith.constant -65536 : i32
    %and3A_81 = vector.broadcast %and3A_80 : i32 to vector<128x64xi32>
    %and3A_82 = arith.andi %add3A_79, %and3A_81 : vector<128x64xi32>
    %add3A_83 = arith.constant 32768 : i32
    %add3A_84 = vector.broadcast %add3A_83 : i32 to vector<128x64xi32>
    %add3A_85 = arith.addi %slice3A_76, %add3A_84 : vector<128x64xi32>
    %shift_right_logical3A_86 = arith.constant 16 : i32
    %shift_right_logical3A_87 = vector.broadcast %shift_right_logical3A_86 : i32 to vector<128x64xi32>
    %shift_right_logical3A_88 = arith.shrui %add3A_85, %shift_right_logical3A_87 : vector<128x64xi32>
    %or3A_89 = arith.ori %and3A_82, %shift_right_logical3A_88 : vector<128x64xi32>
    %slice3A_90 = vector.extract_strided_slice %bitcast_convert_type3A_74 {offsets = [256, 0], sizes = [128, 64], strides = [1, 1]} : vector<512x64xi32> to vector<128x64xi32>
    %slice3A_91 = vector.extract_strided_slice %bitcast_convert_type3A_74 {offsets = [384, 0], sizes = [128, 64], strides = [1, 1]} : vector<512x64xi32> to vector<128x64xi32>
    %add3A_92 = arith.constant 32768 : i32
    %add3A_93 = vector.broadcast %add3A_92 : i32 to vector<128x64xi32>
    %add3A_94 = arith.addi %slice3A_90, %add3A_93 : vector<128x64xi32>
    %and3A_95 = arith.constant -65536 : i32
    %and3A_96 = vector.broadcast %and3A_95 : i32 to vector<128x64xi32>
    %and3A_97 = arith.andi %add3A_94, %and3A_96 : vector<128x64xi32>
    %add3A_98 = arith.constant 32768 : i32
    %add3A_99 = vector.broadcast %add3A_98 : i32 to vector<128x64xi32>
    %add3A_100 = arith.addi %slice3A_91, %add3A_99 : vector<128x64xi32>
    %shift_right_logical3A_101 = arith.constant 16 : i32
    %shift_right_logical3A_102 = vector.broadcast %shift_right_logical3A_101 : i32 to vector<128x64xi32>
    %shift_right_logical3A_103 = arith.shrui %add3A_100, %shift_right_logical3A_102 : vector<128x64xi32>
    %or3A_104 = arith.ori %and3A_97, %shift_right_logical3A_103 : vector<128x64xi32>
    %concatenate3A_105 = tpu.concatenate %or3A_89, %or3A_104 in 1 : vector<128x64xi32>, vector<128x64xi32> -> vector<128x128xi32>
    %bitcast_convert_type3A_106 = tpu.bitcast %concatenate3A_105 : vector<128x128xi32> -> vector<128x128xf32>
    %swap3A_107 = arith.constant 256 : index
    %swap3A_108 = arith.constant 0 : index
    %swap3A_109 = vector.load %arg2[%swap3A_107, %swap3A_108] : memref<8192x128xf32, #tpu.memory_space<vmem>>, vector<128x128xf32>
    tpu.vector_store %arg2[%swap3A_107, %swap3A_108], %bitcast_convert_type3A_106 {strides = array<i32>} : memref<8192x128xf32, #tpu.memory_space<vmem>>, vector<128x128xf32>,
    %get3A_110 = arith.constant 0 : index
    %get3A_111 = arith.constant 1536 : index
    %get3A_112 = vector.load %arg1[%get3A_110, %get3A_111] : memref<64x32768xf32, #tpu.memory_space<vmem>>, vector<64x512xf32>
    %transpose3A_113 = tpu.transpose %get3A_112, [1, 0] : vector<64x512xf32> -> vector<512x64xf32>
    %bitcast_convert_type3A_114 = tpu.bitcast %transpose3A_113 : vector<512x64xf32> -> vector<512x64xi32>
    %slice3A_115 = vector.extract_strided_slice %bitcast_convert_type3A_114 {offsets = [0, 0], sizes = [128, 64], strides = [1, 1]} : vector<512x64xi32> to vector<128x64xi32>
    %slice3A_116 = vector.extract_strided_slice %bitcast_convert_type3A_114 {offsets = [128, 0], sizes = [128, 64], strides = [1, 1]} : vector<512x64xi32> to vector<128x64xi32>
    %add3A_117 = arith.constant 32768 : i32
    %add3A_118 = vector.broadcast %add3A_117 : i32 to vector<128x64xi32>
    %add3A_119 = arith.addi %slice3A_115, %add3A_118 : vector<128x64xi32>
    %and3A_120 = arith.constant -65536 : i32
    %and3A_121 = vector.broadcast %and3A_120 : i32 to vector<128x64xi32>
    %and3A_122 = arith.andi %add3A_119, %and3A_121 : vector<128x64xi32>
    %add3A_123 = arith.constant 32768 : i32
    %add3A_124 = vector.broadcast %add3A_123 : i32 to vector<128x64xi32>
    %add3A_125 = arith.addi %slice3A_116, %add3A_124 : vector<128x64xi32>
    %shift_right_logical3A_126 = arith.constant 16 : i32
    %shift_right_logical3A_127 = vector.broadcast %shift_right_logical3A_126 : i32 to vector<128x64xi32>
    %shift_right_logical3A_128 = arith.shrui %add3A_125, %shift_right_logical3A_127 : vector<128x64xi32>
    %or3A_129 = arith.ori %and3A_122, %shift_right_logical3A_128 : vector<128x64xi32>
    %slice3A_130 = vector.extract_strided_slice %bitcast_convert_type3A_114 {offsets = [256, 0], sizes = [128, 64], strides = [1, 1]} : vector<512x64xi32> to vector<128x64xi32>
    %slice3A_131 = vector.extract_strided_slice %bitcast_convert_type3A_114 {offsets = [384, 0], sizes = [128, 64], strides = [1, 1]} : vector<512x64xi32> to vector<128x64xi32>
    %add3A_132 = arith.constant 32768 : i32
    %add3A_133 = vector.broadcast %add3A_132 : i32 to vector<128x64xi32>
    %add3A_134 = arith.addi %slice3A_130, %add3A_133 : vector<128x64xi32>
    %and3A_135 = arith.constant -65536 : i32
    %and3A_136 = vector.broadcast %and3A_135 : i32 to vector<128x64xi32>
    %and3A_137 = arith.andi %add3A_134, %and3A_136 : vector<128x64xi32>
    %add3A_138 = arith.constant 32768 : i32
    %add3A_139 = vector.broadcast %add3A_138 : i32 to vector<128x64xi32>
    %add3A_140 = arith.addi %slice3A_131, %add3A_139 : vector<128x64xi32>
    %shift_right_logical3A_141 = arith.constant 16 : i32
    %shift_right_logical3A_142 = vector.broadcast %shift_right_logical3A_141 : i32 to vector<128x64xi32>
    %shift_right_logical3A_143 = arith.shrui %add3A_140, %shift_right_logical3A_142 : vector<128x64xi32>
    %or3A_144 = arith.ori %and3A_137, %shift_right_logical3A_143 : vector<128x64xi32>
    %concatenate3A_145 = tpu.concatenate %or3A_129, %or3A_144 in 1 : vector<128x64xi32>, vector<128x64xi32> -> vector<128x128xi32>
    %bitcast_convert_type3A_146 = tpu.bitcast %concatenate3A_145 : vector<128x128xi32> -> vector<128x128xf32>
    %swap3A_147 = arith.constant 384 : index
    %swap3A_148 = arith.constant 0 : index
    %swap3A_149 = vector.load %arg2[%swap3A_147, %swap3A_148] : memref<8192x128xf32, #tpu.memory_space<vmem>>, vector<128x128xf32>
    tpu.vector_store %arg2[%swap3A_147, %swap3A_148], %bitcast_convert_type3A_146 {strides = array<i32>} : memref<8192x128xf32, #tpu.memory_space<vmem>>, vector<128x128xf32>,
    %get3A_150 = arith.constant 0 : index
    %get3A_151 = arith.constant 2048 : index
    %get3A_152 = vector.load %arg1[%get3A_150, %get3A_151] : memref<64x32768xf32, #tpu.memory_space<vmem>>, vector<64x512xf32>
    %transpose3A_153 = tpu.transpose %get3A_152, [1, 0] : vector<64x512xf32> -> vector<512x64xf32>
    %bitcast_convert_type3A_154 = tpu.bitcast %transpose3A_153 : vector<512x64xf32> -> vector<512x64xi32>
    %slice3A_155 = vector.extract_strided_slice %bitcast_convert_type3A_154 {offsets = [0, 0], sizes = [128, 64], strides = [1, 1]} : vector<512x64xi32> to vector<128x64xi32>
    %slice3A_156 = vector.extract_strided_slice %bitcast_convert_type3A_154 {offsets = [128, 0], sizes = [128, 64], strides = [1, 1]} : vector<512x64xi32> to vector<128x64xi32>
    %add3A_157 = arith.constant 32768 : i32
    %add3A_158 = vector.broadcast %add3A_157 : i32 to vector<128x64xi32>
    %add3A_159 = arith.addi %slice3A_155, %add3A_158 : vector<128x64xi32>
    %and3A_160 = arith.constant -65536 : i32
    %and3A_161 = vector.broadcast %and3A_160 : i32 to vector<128x64xi32>
    %and3A_162 = arith.andi %add3A_159, %and3A_161 : vector<128x64xi32>
    %add3A_163 = arith.constant 32768 : i32
    %add3A_164 = vector.broadcast %add3A_163 : i32 to vector<128x64xi32>
    %add3A_165 = arith.addi %slice3A_156, %add3A_164 : vector<128x64xi32>
    %shift_right_logical3A_166 = arith.constant 16 : i32
    %shift_right_logical3A_167 = vector.broadcast %shift_right_logical3A_166 : i32 to vector<128x64xi32>
    %shift_right_logical3A_168 = arith.shrui %add3A_165, %shift_right_logical3A_167 : vector<128x64xi32>
    %or3A_169 = arith.ori %and3A_162, %shift_right_logical3A_168 : vector<128x64xi32>
    %slice3A_170 = vector.extract_strided_slice %bitcast_convert_type3A_154 {offsets = [256, 0], sizes = [128, 64], strides = [1, 1]} : vector<512x64xi32> to vector<128x64xi32>
    %slice3A_171 = vector.extract_strided_slice %bitcast_convert_type3A_154 {offsets = [384, 0], sizes = [128, 64], strides = [1, 1]} : vector<512x64xi32> to vector<128x64xi32>
    %add3A_172 = arith.constant 32768 : i32
    %add3A_173 = vector.broadcast %add3A_172 : i32 to vector<128x64xi32>
    %add3A_174 = arith.addi %slice3A_170, %add3A_173 : vector<128x64xi32>
    %and3A_175 = arith.constant -65536 : i32
    %and3A_176 = vector.broadcast %and3A_175 : i32 to vector<128x64xi32>
    %and3A_177 = arith.andi %add3A_174, %and3A_176 : vector<128x64xi32>
    %add3A_178 = arith.constant 32768 : i32
    %add3A_179 = vector.broadcast %add3A_178 : i32 to vector<128x64xi32>
    %add3A_180 = arith.addi %slice3A_171, %add3A_179 : vector<128x64xi32>
    %shift_right_logical3A_181 = arith.constant 16 : i32
    %shift_right_logical3A_182 = vector.broadcast %shift_right_logical3A_181 : i32 to vector<128x64xi32>
    %shift_right_logical3A_183 = arith.shrui %add3A_180, %shift_right_logical3A_182 : vector<128x64xi32>
    %or3A_184 = arith.ori %and3A_177, %shift_right_logical3A_183 : vector<128x64xi32>
    %concatenate3A_185 = tpu.concatenate %or3A_169, %or3A_184 in 1 : vector<128x64xi32>, vector<128x64xi32> -> vector<128x128xi32>
    %bitcast_convert_type3A_186 = tpu.bitcast %concatenate3A_185 : vector<128x128xi32> -> vector<128x128xf32>
    %swap3A_187 = arith.constant 512 : index
    %swap3A_188 = arith.constant 0 : index
    %swap3A_189 = vector.load %arg2[%swap3A_187, %swap3A_188] : memref<8192x128xf32, #tpu.memory_space<vmem>>, vector<128x128xf32>
    tpu.vector_store %arg2[%swap3A_187, %swap3A_188], %bitcast_convert_type3A_186 {strides = array<i32>} : memref<8192x128xf32, #tpu.memory_space<vmem>>, vector<128x128xf32>,
    %get3A_190 = arith.constant 0 : index
    %get3A_191 = arith.constant 2560 : index
    %get3A_192 = vector.load %arg1[%get3A_190, %get3A_191] : memref<64x32768xf32, #tpu.memory_space<vmem>>, vector<64x512xf32>
    %transpose3A_193 = tpu.transpose %get3A_192, [1, 0] : vector<64x512xf32> -> vector<512x64xf32>
    %bitcast_convert_type3A_194 = tpu.bitcast %transpose3A_193 : vector<512x64xf32> -> vector<512x64xi32>
    %slice3A_195 = vector.extract_strided_slice %bitcast_convert_type3A_194 {offsets = [0, 0], sizes = [128, 64], strides = [1, 1]} : vector<512x64xi32> to vector<128x64xi32>
    %slice3A_196 = vector.extract_strided_slice %bitcast_convert_type3A_194 {offsets = [128, 0], sizes = [128, 64], strides = [1, 1]} : vector<512x64xi32> to vector<128x64xi32>
    %add3A_197 = arith.constant 32768 : i32
    %add3A_198 = vector.broadcast %add3A_197 : i32 to vector<128x64xi32>
    %add3A_199 = arith.addi %slice3A_195, %add3A_198 : vector<128x64xi32>
    %and3A_200 = arith.constant -65536 : i32
    %and3A_201 = vector.broadcast %and3A_200 : i32 to vector<128x64xi32>
    %and3A_202 = arith.andi %add3A_199, %and3A_201 : vector<128x64xi32>
    %add3A_203 = arith.constant 32768 : i32
    %add3A_204 = vector.broadcast %add3A_203 : i32 to vector<128x64xi32>
    %add3A_205 = arith.addi %slice3A_196, %add3A_204 : vector<128x64xi32>
    %shift_right_logical3A_206 = arith.constant 16 : i32
    %shift_right_logical3A_207 = vector.broadcast %shift_right_logical3A_206 : i32 to vector<128x64xi32>
    %shift_right_logical3A_208 = arith.shrui %add3A_205, %shift_right_logical3A_207 : vector<128x64xi32>
    %or3A_209 = arith.ori %and3A_202, %shift_right_logical3A_208 : vector<128x64xi32>
    %slice3A_210 = vector.extract_strided_slice %bitcast_convert_type3A_194 {offsets = [256, 0], sizes = [128, 64], strides = [1, 1]} : vector<512x64xi32> to vector<128x64xi32>
    %slice3A_211 = vector.extract_strided_slice %bitcast_convert_type3A_194 {offsets = [384, 0], sizes = [128, 64], strides = [1, 1]} : vector<512x64xi32> to vector<128x64xi32>
    %add3A_212 = arith.constant 32768 : i32
    %add3A_213 = vector.broadcast %add3A_212 : i32 to vector<128x64xi32>
    %add3A_214 = arith.addi %slice3A_210, %add3A_213 : vector<128x64xi32>
    %and3A_215 = arith.constant -65536 : i32
    %and3A_216 = vector.broadcast %and3A_215 : i32 to vector<128x64xi32>
    %and3A_217 = arith.andi %add3A_214, %and3A_216 : vector<128x64xi32>
    %add3A_218 = arith.constant 32768 : i32
    %add3A_219 = vector.broadcast %add3A_218 : i32 to vector<128x64xi32>
    %add3A_220 = arith.addi %slice3A_211, %add3A_219 : vector<128x64xi32>
    %shift_right_logical3A_221 = arith.constant 16 : i32
    %shift_right_logical3A_222 = vector.broadcast %shift_right_logical3A_221 : i32 to vector<128x64xi32>
    %shift_right_logical3A_223 = arith.shrui %add3A_220, %shift_right_logical3A_222 : vector<128x64xi32>
    %or3A_224 = arith.ori %and3A_217, %shift_right_logical3A_223 : vector<128x64xi32>
    %concatenate3A_225 = tpu.concatenate %or3A_209, %or3A_224 in 1 : vector<128x64xi32>, vector<128x64xi32> -> vector<128x128xi32>
    %bitcast_convert_type3A_226 = tpu.bitcast %concatenate3A_225 : vector<128x128xi32> -> vector<128x128xf32>
    %swap3A_227 = arith.constant 640 : index
    %swap3A_228 = arith.constant 0 : index
    %swap3A_229 = vector.load %arg2[%swap3A_227, %swap3A_228] : memref<8192x128xf32, #tpu.memory_space<vmem>>, vector<128x128xf32>
    tpu.vector_store %arg2[%swap3A_227, %swap3A_228], %bitcast_convert_type3A_226 {strides = array<i32>} : memref<8192x128xf32, #tpu.memory_space<vmem>>, vector<128x128xf32>,
    %get3A_230 = arith.constant 0 : index
    %get3A_231 = arith.constant 3072 : index
    %get3A_232 = vector.load %arg1[%get3A_230, %get3A_231] : memref<64x32768xf32, #tpu.memory_space<vmem>>, vector<64x512xf32>
    %transpose3A_233 = tpu.transpose %get3A_232, [1, 0] : vector<64x512xf32> -> vector<512x64xf32>
    %bitcast_convert_type3A_234 = tpu.bitcast %transpose3A_233 : vector<512x64xf32> -> vector<512x64xi32>
    %slice3A_235 = vector.extract_strided_slice %bitcast_convert_type3A_234 {offsets = [0, 0], sizes = [128, 64], strides = [1, 1]} : vector<512x64xi32> to vector<128x64xi32>
    %slice3A_236 = vector.extract_strided_slice %bitcast_convert_type3A_234 {offsets = [128, 0], sizes = [128, 64], strides = [1, 1]} : vector<512x64xi32> to vector<128x64xi32>
    %add3A_237 = arith.constant 32768 : i32
    %add3A_238 = vector.broadcast %add3A_237 : i32 to vector<128x64xi32>
    %add3A_239 = arith.addi %slice3A_235, %add3A_238 : vector<128x64xi32>
    %and3A_240 = arith.constant -65536 : i32
    %and3A_241 = vector.broadcast %and3A_240 : i32 to vector<128x64xi32>
    %and3A_242 = arith.andi %add3A_239, %and3A_241 : vector<128x64xi32>
    %add3A_243 = arith.constant 32768 : i32
    %add3A_244 = vector.broadcast %add3A_243 : i32 to vector<128x64xi32>
    %add3A_245 = arith.addi %slice3A_236, %add3A_244 : vector<128x64xi32>
    %shift_right_logical3A_246 = arith.constant 16 : i32
    %shift_right_logical3A_247 = vector.broadcast %shift_right_logical3A_246 : i32 to vector<128x64xi32>
    %shift_right_logical3A_248 = arith.shrui %add3A_245, %shift_right_logical3A_247 : vector<128x64xi32>
    %or3A_249 = arith.ori %and3A_242, %shift_right_logical3A_248 : vector<128x64xi32>
    %slice3A_250 = vector.extract_strided_slice %bitcast_convert_type3A_234 {offsets = [256, 0], sizes = [128, 64], strides = [1, 1]} : vector<512x64xi32> to vector<128x64xi32>
    %slice3A_251 = vector.extract_strided_slice %bitcast_convert_type3A_234 {offsets = [384, 0], sizes = [128, 64], strides = [1, 1]} : vector<512x64xi32> to vector<128x64xi32>
    %add3A_252 = arith.constant 32768 : i32
    %add3A_253 = vector.broadcast %add3A_252 : i32 to vector<128x64xi32>
    %add3A_254 = arith.addi %slice3A_250, %add3A_253 : vector<128x64xi32>
    %and3A_255 = arith.constant -65536 : i32
    %and3A_256 = vector.broadcast %and3A_255 : i32 to vector<128x64xi32>
    %and3A_257 = arith.andi %add3A_254, %and3A_256 : vector<128x64xi32>
    %add3A_258 = arith.constant 32768 : i32
    %add3A_259 = vector.broadcast %add3A_258 : i32 to vector<128x64xi32>
    %add3A_260 = arith.addi %slice3A_251, %add3A_259 : vector<128x64xi32>
    %shift_right_logical3A_261 = arith.constant 16 : i32
    %shift_right_logical3A_262 = vector.broadcast %shift_right_logical3A_261 : i32 to vector<128x64xi32>
    %shift_right_logical3A_263 = arith.shrui %add3A_260, %shift_right_logical3A_262 : vector<128x64xi32>
    %or3A_264 = arith.ori %and3A_257, %shift_right_logical3A_263 : vector<128x64xi32>
    %concatenate3A_265 = tpu.concatenate %or3A_249, %or3A_264 in 1 : vector<128x64xi32>, vector<128x64xi32> -> vector<128x128xi32>
    %bitcast_convert_type3A_266 = tpu.bitcast %concatenate3A_265 : vector<128x128xi32> -> vector<128x128xf32>
    %swap3A_267 = arith.constant 768 : index
    %swap3A_268 = arith.constant 0 : index
    %swap3A_269 = vector.load %arg2[%swap3A_267, %swap3A_268] : memref<8192x128xf32, #tpu.memory_space<vmem>>, vector<128x128xf32>
    tpu.vector_store %arg2[%swap3A_267, %swap3A_268], %bitcast_convert_type3A_266 {strides = array<i32>} : memref<8192x128xf32, #tpu.memory_space<vmem>>, vector<128x128xf32>,
    %get3A_270 = arith.constant 0 : index
    %get3A_271 = arith.constant 3584 : index
    %get3A_272 = vector.load %arg1[%get3A_270, %get3A_271] : memref<64x32768xf32, #tpu.memory_space<vmem>>, vector<64x512xf32>
    %transpose3A_273 = tpu.transpose %get3A_272, [1, 0] : vector<64x512xf32> -> vector<512x64xf32>
    %bitcast_convert_type3A_274 = tpu.bitcast %transpose3A_273 : vector<512x64xf32> -> vector<512x64xi32>
    %slice3A_275 = vector.extract_strided_slice %bitcast_convert_type3A_274 {offsets = [0, 0], sizes = [128, 64], strides = [1, 1]} : vector<512x64xi32> to vector<128x64xi32>
    %slice3A_276 = vector.extract_strided_slice %bitcast_convert_type3A_274 {offsets = [128, 0], sizes = [128, 64], strides = [1, 1]} : vector<512x64xi32> to vector<128x64xi32>
    %add3A_277 = arith.constant 32768 : i32
    %add3A_278 = vector.broadcast %add3A_277 : i32 to vector<128x64xi32>
    %add3A_279 = arith.addi %slice3A_275, %add3A_278 : vector<128x64xi32>
    %and3A_280 = arith.constant -65536 : i32
    %and3A_281 = vector.broadcast %and3A_280 : i32 to vector<128x64xi32>
    %and3A_282 = arith.andi %add3A_279, %and3A_281 : vector<128x64xi32>
    %add3A_283 = arith.constant 32768 : i32
    %add3A_284 = vector.broadcast %add3A_283 : i32 to vector<128x64xi32>
    %add3A_285 = arith.addi %slice3A_276, %add3A_284 : vector<128x64xi32>
    %shift_right_logical3A_286 = arith.constant 16 : i32
    %shift_right_logical3A_287 = vector.broadcast %shift_right_logical3A_286 : i32 to vector<128x64xi32>
    %shift_right_logical3A_288 = arith.shrui %add3A_285, %shift_right_logical3A_287 : vector<128x64xi32>
    %or3A_289 = arith.ori %and3A_282, %shift_right_logical3A_288 : vector<128x64xi32>
    %slice3A_290 = vector.extract_strided_slice %bitcast_convert_type3A_274 {offsets = [256, 0], sizes = [128, 64], strides = [1, 1]} : vector<512x64xi32> to vector<128x64xi32>
    %slice3A_291 = vector.extract_strided_slice %bitcast_convert_type3A_274 {offsets = [384, 0], sizes = [128, 64], strides = [1, 1]} : vector<512x64xi32> to vector<128x64xi32>
    %add3A_292 = arith.constant 32768 : i32
    %add3A_293 = vector.broadcast %add3A_292 : i32 to vector<128x64xi32>
    %add3A_294 = arith.addi %slice3A_290, %add3A_293 : vector<128x64xi32>
    %and3A_295 = arith.constant -65536 : i32
    %and3A_296 = vector.broadcast %and3A_295 : i32 to vector<128x64xi32>
    %and3A_297 = arith.andi %add3A_294, %and3A_296 : vector<128x64xi32>
    %add3A_298 = arith.constant 32768 : i32
    %add3A_299 = vector.broadcast %add3A_298 : i32 to vector<128x64xi32>
    %add3A_300 = arith.addi %slice3A_291, %add3A_299 : vector<128x64xi32>
    %shift_right_logical3A_301 = arith.constant 16 : i32
    %shift_right_logical3A_302 = vector.broadcast %shift_right_logical3A_301 : i32 to vector<128x64xi32>
    %shift_right_logical3A_303 = arith.shrui %add3A_300, %shift_right_logical3A_302 : vector<128x64xi32>
    %or3A_304 = arith.ori %and3A_297, %shift_right_logical3A_303 : vector<128x64xi32>
    %concatenate3A_305 = tpu.concatenate %or3A_289, %or3A_304 in 1 : vector<128x64xi32>, vector<128x64xi32> -> vector<128x128xi32>
    %bitcast_convert_type3A_306 = tpu.bitcast %concatenate3A_305 : vector<128x128xi32> -> vector<128x128xf32>
    %swap3A_307 = arith.constant 896 : index
    %swap3A_308 = arith.constant 0 : index
    %swap3A_309 = vector.load %arg2[%swap3A_307, %swap3A_308] : memref<8192x128xf32, #tpu.memory_space<vmem>>, vector<128x128xf32>
    tpu.vector_store %arg2[%swap3A_307, %swap3A_308], %bitcast_convert_type3A_306 {strides = array<i32>} : memref<8192x128xf32, #tpu.memory_space<vmem>>, vector<128x128xf32>,
    %get3A_310 = arith.constant 0 : index
    %get3A_311 = arith.constant 4096 : index
    %get3A_312 = vector.load %arg1[%get3A_310, %get3A_311] : memref<64x32768xf32, #tpu.memory_space<vmem>>, vector<64x512xf32>
    %transpose3A_313 = tpu.transpose %get3A_312, [1, 0] : vector<64x512xf32> -> vector<512x64xf32>
    %bitcast_convert_type3A_314 = tpu.bitcast %transpose3A_313 : vector<512x64xf32> -> vector<512x64xi32>
    %slice3A_315 = vector.extract_strided_slice %bitcast_convert_type3A_314 {offsets = [0, 0], sizes = [128, 64], strides = [1, 1]} : vector<512x64xi32> to vector<128x64xi32>
    %slice3A_316 = vector.extract_strided_slice %bitcast_convert_type3A_314 {offsets = [128, 0], sizes = [128, 64], strides = [1, 1]} : vector<512x64xi32> to vector<128x64xi32>
    %add3A_317 = arith.constant 32768 : i32
    %add3A_318 = vector.broadcast %add3A_317 : i32 to vector<128x64xi32>
    %add3A_319 = arith.addi %slice3A_315, %add3A_318 : vector<128x64xi32>
    %and3A_320 = arith.constant -65536 : i32
    %and3A_321 = vector.broadcast %and3A_320 : i32 to vector<128x64xi32>
    %and3A_322 = arith.andi %add3A_319, %and3A_321 : vector<128x64xi32>
    %add3A_323 = arith.constant 32768 : i32
    %add3A_324 = vector.broadcast %add3A_323 : i32 to vector<128x64xi32>
    %add3A_325 = arith.addi %slice3A_316, %add3A_324 : vector<128x64xi32>
    %shift_right_logical3A_326 = arith.constant 16 : i32
    %shift_right_logical3A_327 = vector.broadcast %shift_right_logical3A_326 : i32 to vector<128x64xi32>
    %shift_right_logical3A_328 = arith.shrui %add3A_325, %shift_right_logical3A_327 : vector<128x64xi32>
    %or3A_329 = arith.ori %and3A_322, %shift_right_logical3A_328 : vector<128x64xi32>
    %slice3A_330 = vector.extract_strided_slice %bitcast_convert_type3A_314 {offsets = [256, 0], sizes = [128, 64], strides = [1, 1]} : vector<512x64xi32> to vector<128x64xi32>
    %slice3A_331 = vector.extract_strided_slice %bitcast_convert_type3A_314 {offsets = [384, 0], sizes = [128, 64], strides = [1, 1]} : vector<512x64xi32> to vector<128x64xi32>
    %add3A_332 = arith.constant 32768 : i32
    %add3A_333 = vector.broadcast %add3A_332 : i32 to vector<128x64xi32>
    %add3A_334 = arith.addi %slice3A_330, %add3A_333 : vector<128x64xi32>
    %and3A_335 = arith.constant -65536 : i32
    %and3A_336 = vector.broadcast %and3A_335 : i32 to vector<128x64xi32>
    %and3A_337 = arith.andi %add3A_334, %and3A_336 : vector<128x64xi32>
    %add3A_338 = arith.constant 32768 : i32
    %add3A_339 = vector.broadcast %add3A_338 : i32 to vector<128x64xi32>
    %add3A_340 = arith.addi %slice3A_331, %add3A_339 : vector<128x64xi32>
    %shift_right_logical3A_341 = arith.constant 16 : i32
    %shift_right_logical3A_342 = vector.broadcast %shift_right_logical3A_341 : i32 to vector<128x64xi32>
    %shift_right_logical3A_343 = arith.shrui %add3A_340, %shift_right_logical3A_342 : vector<128x64xi32>
    %or3A_344 = arith.ori %and3A_337, %shift_right_logical3A_343 : vector<128x64xi32>
    %concatenate3A_345 = tpu.concatenate %or3A_329, %or3A_344 in 1 : vector<128x64xi32>, vector<128x64xi32> -> vector<128x128xi32>
    %bitcast_convert_type3A_346 = tpu.bitcast %concatenate3A_345 : vector<128x128xi32> -> vector<128x128xf32>
    %swap3A_347 = arith.constant 1024 : index
    %swap3A_348 = arith.constant 0 : index
    %swap3A_349 = vector.load %arg2[%swap3A_347, %swap3A_348] : memref<8192x128xf32, #tpu.memory_space<vmem>>, vector<128x128xf32>
    tpu.vector_store %arg2[%swap3A_347, %swap3A_348], %bitcast_convert_type3A_346 {strides = array<i32>} : memref<8192x128xf32, #tpu.memory_space<vmem>>, vector<128x128xf32>,
    %get3A_350 = arith.constant 0 : index
    %get3A_351 = arith.constant 4608 : index
    %get3A_352 = vector.load %arg1[%get3A_350, %get3A_351] : memref<64x32768xf32, #tpu.memory_space<vmem>>, vector<64x512xf32>
    %transpose3A_353 = tpu.transpose %get3A_352, [1, 0] : vector<64x512xf32> -> vector<512x64xf32>
    %bitcast_convert_type3A_354 = tpu.bitcast %transpose3A_353 : vector<512x64xf32> -> vector<512x64xi32>
    %slice3A_355 = vector.extract_strided_slice %bitcast_convert_type3A_354 {offsets = [0, 0], sizes = [128, 64], strides = [1, 1]} : vector<512x64xi32> to vector<128x64xi32>
    %slice3A_356 = vector.extract_strided_slice %bitcast_convert_type3A_354 {offsets = [128, 0], sizes = [128, 64], strides = [1, 1]} : vector<512x64xi32> to vector<128x64xi32>
    %add3A_357 = arith.constant 32768 : i32
    %add3A_358 = vector.broadcast %add3A_357 : i32 to vector<128x64xi32>
    %add3A_359 = arith.addi %slice3A_355, %add3A_358 : vector<128x64xi32>
    %and3A_360 = arith.constant -65536 : i32
    %and3A_361 = vector.broadcast %and3A_360 : i32 to vector<128x64xi32>
    %and3A_362 = arith.andi %add3A_359, %and3A_361 : vector<128x64xi32>
    %add3A_363 = arith.constant 32768 : i32
    %add3A_364 = vector.broadcast %add3A_363 : i32 to vector<128x64xi32>
    %add3A_365 = arith.addi %slice3A_356, %add3A_364 : vector<128x64xi32>
    %shift_right_logical3A_366 = arith.constant 16 : i32
    %shift_right_logical3A_367 = vector.broadcast %shift_right_logical3A_366 : i32 to vector<128x64xi32>
    %shift_right_logical3A_368 = arith.shrui %add3A_365, %shift_right_logical3A_367 : vector<128x64xi32>
    %or3A_369 = arith.ori %and3A_362, %shift_right_logical3A_368 : vector<128x64xi32>
    %slice3A_370 = vector.extract_strided_slice %bitcast_convert_type3A_354 {offsets = [256, 0], sizes = [128, 64], strides = [1, 1]} : vector<512x64xi32> to vector<128x64xi32>
    %slice3A_371 = vector.extract_strided_slice %bitcast_convert_type3A_354 {offsets = [384, 0], sizes = [128, 64], strides = [1, 1]} : vector<512x64xi32> to vector<128x64xi32>
    %add3A_372 = arith.constant 32768 : i32
    %add3A_373 = vector.broadcast %add3A_372 : i32 to vector<128x64xi32>
    %add3A_374 = arith.addi %slice3A_370, %add3A_373 : vector<128x64xi32>
    %and3A_375 = arith.constant -65536 : i32
    %and3A_376 = vector.broadcast %and3A_375 : i32 to vector<128x64xi32>
    %and3A_377 = arith.andi %add3A_374, %and3A_376 : vector<128x64xi32>
    %add3A_378 = arith.constant 32768 : i32
    %add3A_379 = vector.broadcast %add3A_378 : i32 to vector<128x64xi32>
    %add3A_380 = arith.addi %slice3A_371, %add3A_379 : vector<128x64xi32>
    %shift_right_logical3A_381 = arith.constant 16 : i32
    %shift_right_logical3A_382 = vector.broadcast %shift_right_logical3A_381 : i32 to vector<128x64xi32>
    %shift_right_logical3A_383 = arith.shrui %add3A_380, %shift_right_logical3A_382 : vector<128x64xi32>
    %or3A_384 = arith.ori %and3A_377, %shift_right_logical3A_383 : vector<128x64xi32>
    %concatenate3A_385 = tpu.concatenate %or3A_369, %or3A_384 in 1 : vector<128x64xi32>, vector<128x64xi32> -> vector<128x128xi32>
    %bitcast_convert_type3A_386 = tpu.bitcast %concatenate3A_385 : vector<128x128xi32> -> vector<128x128xf32>
    %swap3A_387 = arith.constant 1152 : index
    %swap3A_388 = arith.constant 0 : index
    %swap3A_389 = vector.load %arg2[%swap3A_387, %swap3A_388] : memref<8192x128xf32, #tpu.memory_space<vmem>>, vector<128x128xf32>
    tpu.vector_store %arg2[%swap3A_387, %swap3A_388], %bitcast_convert_type3A_386 {strides = array<i32>} : memref<8192x128xf32, #tpu.memory_space<vmem>>, vector<128x128xf32>,
    %get3A_390 = arith.constant 0 : index
    %get3A_391 = arith.constant 5120 : index
    %get3A_392 = vector.load %arg1[%get3A_390, %get3A_391] : memref<64x32768xf32, #tpu.memory_space<vmem>>, vector<64x512xf32>
    %transpose3A_393 = tpu.transpose %get3A_392, [1, 0] : vector<64x512xf32> -> vector<512x64xf32>
    %bitcast_convert_type3A_394 = tpu.bitcast %transpose3A_393 : vector<512x64xf32> -> vector<512x64xi32>
    %slice3A_395 = vector.extract_strided_slice %bitcast_convert_type3A_394 {offsets = [0, 0], sizes = [128, 64], strides = [1, 1]} : vector<512x64xi32> to vector<128x64xi32>
    %slice3A_396 = vector.extract_strided_slice %bitcast_convert_type3A_394 {offsets = [128, 0], sizes = [128, 64], strides = [1, 1]} : vector<512x64xi32> to vector<128x64xi32>
    %add3A_397 = arith.constant 32768 : i32
    %add3A_398 = vector.broadcast %add3A_397 : i32 to vector<128x64xi32>
    %add3A_399 = arith.addi %slice3A_395, %add3A_398 : vector<128x64xi32>
    %and3A_400 = arith.constant -65536 : i32
    %and3A_401 = vector.broadcast %and3A_400 : i32 to vector<128x64xi32>
    %and3A_402 = arith.andi %add3A_399, %and3A_401 : vector<128x64xi32>
    %add3A_403 = arith.constant 32768 : i32
    %add3A_404 = vector.broadcast %add3A_403 : i32 to vector<128x64xi32>
    %add3A_405 = arith.addi %slice3A_396, %add3A_404 : vector<128x64xi32>
    %shift_right_logical3A_406 = arith.constant 16 : i32
    %shift_right_logical3A_407 = vector.broadcast %shift_right_logical3A_406 : i32 to vector<128x64xi32>
    %shift_right_logical3A_408 = arith.shrui %add3A_405, %shift_right_logical3A_407 : vector<128x64xi32>
    %or3A_409 = arith.ori %and3A_402, %shift_right_logical3A_408 : vector<128x64xi32>
    %slice3A_410 = vector.extract_strided_slice %bitcast_convert_type3A_394 {offsets = [256, 0], sizes = [128, 64], strides = [1, 1]} : vector<512x64xi32> to vector<128x64xi32>
    %slice3A_411 = vector.extract_strided_slice %bitcast_convert_type3A_394 {offsets = [384, 0], sizes = [128, 64], strides = [1, 1]} : vector<512x64xi32> to vector<128x64xi32>
    %add3A_412 = arith.constant 32768 : i32
    %add3A_413 = vector.broadcast %add3A_412 : i32 to vector<128x64xi32>
    %add3A_414 = arith.addi %slice3A_410, %add3A_413 : vector<128x64xi32>
    %and3A_415 = arith.constant -65536 : i32
    %and3A_416 = vector.broadcast %and3A_415 : i32 to vector<128x64xi32>
    %and3A_417 = arith.andi %add3A_414, %and3A_416 : vector<128x64xi32>
    %add3A_418 = arith.constant 32768 : i32
    %add3A_419 = vector.broadcast %add3A_418 : i32 to vector<128x64xi32>
    %add3A_420 = arith.addi %slice3A_411, %add3A_419 : vector<128x64xi32>
    %shift_right_logical3A_421 = arith.constant 16 : i32
    %shift_right_logical3A_422 = vector.broadcast %shift_right_logical3A_421 : i32 to vector<128x64xi32>
    %shift_right_logical3A_423 = arith.shrui %add3A_420, %shift_right_logical3A_422 : vector<128x64xi32>
    %or3A_424 = arith.ori %and3A_417, %shift_right_logical3A_423 : vector<128x64xi32>
    %concatenate3A_425 = tpu.concatenate %or3A_409, %or3A_424 in 1 : vector<128x64xi32>, vector<128x64xi32> -> vector<128x128xi32>
    %bitcast_convert_type3A_426 = tpu.bitcast %concatenate3A_425 : vector<128x128xi32> -> vector<128x128xf32>
    %swap3A_427 = arith.constant 1280 : index
    %swap3A_428 = arith.constant 0 : index
    %swap3A_429 = vector.load %arg2[%swap3A_427, %swap3A_428] : memref<8192x128xf32, #tpu.memory_space<vmem>>, vector<128x128xf32>
    tpu.vector_store %arg2[%swap3A_427, %swap3A_428], %bitcast_convert_type3A_426 {strides = array<i32>} : memref<8192x128xf32, #tpu.memory_space<vmem>>, vector<128x128xf32>,
    %get3A_430 = arith.constant 0 : index
    %get3A_431 = arith.constant 5632 : index
    %get3A_432 = vector.load %arg1[%get3A_430, %get3A_431] : memref<64x32768xf32, #tpu.memory_space<vmem>>, vector<64x512xf32>
    %transpose3A_433 = tpu.transpose %get3A_432, [1, 0] : vector<64x512xf32> -> vector<512x64xf32>
    %bitcast_convert_type3A_434 = tpu.bitcast %transpose3A_433 : vector<512x64xf32> -> vector<512x64xi32>
    %slice3A_435 = vector.extract_strided_slice %bitcast_convert_type3A_434 {offsets = [0, 0], sizes = [128, 64], strides = [1, 1]} : vector<512x64xi32> to vector<128x64xi32>
    %slice3A_436 = vector.extract_strided_slice %bitcast_convert_type3A_434 {offsets = [128, 0], sizes = [128, 64], strides = [1, 1]} : vector<512x64xi32> to vector<128x64xi32>
    %add3A_437 = arith.constant 32768 : i32
    %add3A_438 = vector.broadcast %add3A_437 : i32 to vector<128x64xi32>
    %add3A_439 = arith.addi %slice3A_435, %add3A_438 : vector<128x64xi32>
    %and3A_440 = arith.constant -65536 : i32
    %and3A_441 = vector.broadcast %and3A_440 : i32 to vector<128x64xi32>
    %and3A_442 = arith.andi %add3A_439, %and3A_441 : vector<128x64xi32>
    %add3A_443 = arith.constant 32768 : i32
    %add3A_444 = vector.broadcast %add3A_443 : i32 to vector<128x64xi32>
    %add3A_445 = arith.addi %slice3A_436, %add3A_444 : vector<128x64xi32>
    %shift_right_logical3A_446 = arith.constant 16 : i32
    %shift_right_logical3A_447 = vector.broadcast %shift_right_logical3A_446 : i32 to vector<128x64xi32>
    %shift_right_logical3A_448 = arith.shrui %add3A_445, %shift_right_logical3A_447 : vector<128x64xi32>
    %or3A_449 = arith.ori %and3A_442, %shift_right_logical3A_448 : vector<128x64xi32>
    %slice3A_450 = vector.extract_strided_slice %bitcast_convert_type3A_434 {offsets = [256, 0], sizes = [128, 64], strides = [1, 1]} : vector<512x64xi32> to vector<128x64xi32>
    %slice3A_451 = vector.extract_strided_slice %bitcast_convert_type3A_434 {offsets = [384, 0], sizes = [128, 64], strides = [1, 1]} : vector<512x64xi32> to vector<128x64xi32>
    %add3A_452 = arith.constant 32768 : i32
    %add3A_453 = vector.broadcast %add3A_452 : i32 to vector<128x64xi32>
    %add3A_454 = arith.addi %slice3A_450, %add3A_453 : vector<128x64xi32>
    %and3A_455 = arith.constant -65536 : i32
    %and3A_456 = vector.broadcast %and3A_455 : i32 to vector<128x64xi32>
    %and3A_457 = arith.andi %add3A_454, %and3A_456 : vector<128x64xi32>
    %add3A_458 = arith.constant 32768 : i32
    %add3A_459 = vector.broadcast %add3A_458 : i32 to vector<128x64xi32>
    %add3A_460 = arith.addi %slice3A_451, %add3A_459 : vector<128x64xi32>
    %shift_right_logical3A_461 = arith.constant 16 : i32
    %shift_right_logical3A_462 = vector.broadcast %shift_right_logical3A_461 : i32 to vector<128x64xi32>
    %shift_right_logical3A_463 = arith.shrui %add3A_460, %shift_right_logical3A_462 : vector<128x64xi32>
    %or3A_464 = arith.ori %and3A_457, %shift_right_logical3A_463 : vector<128x64xi32>
    %concatenate3A_465 = tpu.concatenate %or3A_449, %or3A_464 in 1 : vector<128x64xi32>, vector<128x64xi32> -> vector<128x128xi32>
    %bitcast_convert_type3A_466 = tpu.bitcast %concatenate3A_465 : vector<128x128xi32> -> vector<128x128xf32>
    %swap3A_467 = arith.constant 1408 : index
    %swap3A_468 = arith.constant 0 : index
    %swap3A_469 = vector.load %arg2[%swap3A_467, %swap3A_468] : memref<8192x128xf32, #tpu.memory_space<vmem>>, vector<128x128xf32>
    tpu.vector_store %arg2[%swap3A_467, %swap3A_468], %bitcast_convert_type3A_466 {strides = array<i32>} : memref<8192x128xf32, #tpu.memory_space<vmem>>, vector<128x128xf32>,
    %get3A_470 = arith.constant 0 : index
    %get3A_471 = arith.constant 6144 : index
    %get3A_472 = vector.load %arg1[%get3A_470, %get3A_471] : memref<64x32768xf32, #tpu.memory_space<vmem>>, vector<64x512xf32>
    %transpose3A_473 = tpu.transpose %get3A_472, [1, 0] : vector<64x512xf32> -> vector<512x64xf32>
    %bitcast_convert_type3A_474 = tpu.bitcast %transpose3A_473 : vector<512x64xf32> -> vector<512x64xi32>
    %slice3A_475 = vector.extract_strided_slice %bitcast_convert_type3A_474 {offsets = [0, 0], sizes = [128, 64], strides = [1, 1]} : vector<512x64xi32> to vector<128x64xi32>
    %slice3A_476 = vector.extract_strided_slice %bitcast_convert_type3A_474 {offsets = [128, 0], sizes = [128, 64], strides = [1, 1]} : vector<512x64xi32> to vector<128x64xi32>
    %add3A_477 = arith.constant 32768 : i32
    %add3A_478 = vector.broadcast %add3A_477 : i32 to vector<128x64xi32>
    %add3A_479 = arith.addi %slice3A_475, %add3A_478 : vector<128x64xi32>
    %and3A_480 = arith.constant -65536 : i32
    %and3A_481 = vector.broadcast %and3A_480 : i32 to vector<128x64xi32>
    %and3A_482 = arith.andi %add3A_479, %and3A_481 : vector<128x64xi32>
    %add3A_483 = arith.constant 32768 : i32
    %add3A_484 = vector.broadcast %add3A_483 : i32 to vector<128x64xi32>
    %add3A_485 = arith.addi %slice3A_476, %add3A_484 : vector<128x64xi32>
    %shift_right_logical3A_486 = arith.constant 16 : i32
    %shift_right_logical3A_487 = vector.broadcast %shift_right_logical3A_486 : i32 to vector<128x64xi32>
    %shift_right_logical3A_488 = arith.shrui %add3A_485, %shift_right_logical3A_487 : vector<128x64xi32>
    %or3A_489 = arith.ori %and3A_482, %shift_right_logical3A_488 : vector<128x64xi32>
    %slice3A_490 = vector.extract_strided_slice %bitcast_convert_type3A_474 {offsets = [256, 0], sizes = [128, 64], strides = [1, 1]} : vector<512x64xi32> to vector<128x64xi32>
    %slice3A_491 = vector.extract_strided_slice %bitcast_convert_type3A_474 {offsets = [384, 0], sizes = [128, 64], strides = [1, 1]} : vector<512x64xi32> to vector<128x64xi32>
    %add3A_492 = arith.constant 32768 : i32
    %add3A_493 = vector.broadcast %add3A_492 : i32 to vector<128x64xi32>
    %add3A_494 = arith.addi %slice3A_490, %add3A_493 : vector<128x64xi32>
    %and3A_495 = arith.constant -65536 : i32
    %and3A_496 = vector.broadcast %and3A_495 : i32 to vector<128x64xi32>
    %and3A_497 = arith.andi %add3A_494, %and3A_496 : vector<128x64xi32>
    %add3A_498 = arith.constant 32768 : i32
    %add3A_499 = vector.broadcast %add3A_498 : i32 to vector<128x64xi32>
    %add3A_500 = arith.addi %slice3A_491, %add3A_499 : vector<128x64xi32>
    %shift_right_logical3A_501 = arith.constant 16 : i32
    %shift_right_logical3A_502 = vector.broadcast %shift_right_logical3A_501 : i32 to vector<128x64xi32>
    %shift_right_logical3A_503 = arith.shrui %add3A_500, %shift_right_logical3A_502 : vector<128x64xi32>
    %or3A_504 = arith.ori %and3A_497, %shift_right_logical3A_503 : vector<128x64xi32>
    %concatenate3A_505 = tpu.concatenate %or3A_489, %or3A_504 in 1 : vector<128x64xi32>, vector<128x64xi32> -> vector<128x128xi32>
    %bitcast_convert_type3A_506 = tpu.bitcast %concatenate3A_505 : vector<128x128xi32> -> vector<128x128xf32>
    %swap3A_507 = arith.constant 1536 : index
    %swap3A_508 = arith.constant 0 : index
    %swap3A_509 = vector.load %arg2[%swap3A_507, %swap3A_508] : memref<8192x128xf32, #tpu.memory_space<vmem>>, vector<128x128xf32>
    tpu.vector_store %arg2[%swap3A_507, %swap3A_508], %bitcast_convert_type3A_506 {strides = array<i32>} : memref<8192x128xf32, #tpu.memory_space<vmem>>, vector<128x128xf32>,
    %get3A_510 = arith.constant 0 : index
    %get3A_511 = arith.constant 6656 : index
    %get3A_512 = vector.load %arg1[%get3A_510, %get3A_511] : memref<64x32768xf32, #tpu.memory_space<vmem>>, vector<64x512xf32>
    %transpose3A_513 = tpu.transpose %get3A_512, [1, 0] : vector<64x512xf32> -> vector<512x64xf32>
    %bitcast_convert_type3A_514 = tpu.bitcast %transpose3A_513 : vector<512x64xf32> -> vector<512x64xi32>
    %slice3A_515 = vector.extract_strided_slice %bitcast_convert_type3A_514 {offsets = [0, 0], sizes = [128, 64], strides = [1, 1]} : vector<512x64xi32> to vector<128x64xi32>
    %slice3A_516 = vector.extract_strided_slice %bitcast_convert_type3A_514 {offsets = [128, 0], sizes = [128, 64], strides = [1, 1]} : vector<512x64xi32> to vector<128x64xi32>
    %add3A_517 = arith.constant 32768 : i32
    %add3A_518 = vector.broadcast %add3A_517 : i32 to vector<128x64xi32>
    %add3A_519 = arith.addi %slice3A_515, %add3A_518 : vector<128x64xi32>
    %and3A_520 = arith.constant -65536 : i32
    %and3A_521 = vector.broadcast %and3A_520 : i32 to vector<128x64xi32>
    %and3A_522 = arith.andi %add3A_519, %and3A_521 : vector<128x64xi32>
    %add3A_523 = arith.constant 32768 : i32
    %add3A_524 = vector.broadcast %add3A_523 : i32 to vector<128x64xi32>
    %add3A_525 = arith.addi %slice3A_516, %add3A_524 : vector<128x64xi32>
    %shift_right_logical3A_526 = arith.constant 16 : i32
    %shift_right_logical3A_527 = vector.broadcast %shift_right_logical3A_526 : i32 to vector<128x64xi32>
    %shift_right_logical3A_528 = arith.shrui %add3A_525, %shift_right_logical3A_527 : vector<128x64xi32>
    %or3A_529 = arith.ori %and3A_522, %shift_right_logical3A_528 : vector<128x64xi32>
    %slice3A_530 = vector.extract_strided_slice %bitcast_convert_type3A_514 {offsets = [256, 0], sizes = [128, 64], strides = [1, 1]} : vector<512x64xi32> to vector<128x64xi32>
    %slice3A_531 = vector.extract_strided_slice %bitcast_convert_type3A_514 {offsets = [384, 0], sizes = [128, 64], strides = [1, 1]} : vector<512x64xi32> to vector<128x64xi32>
    %add3A_532 = arith.constant 32768 : i32
    %add3A_533 = vector.broadcast %add3A_532 : i32 to vector<128x64xi32>
    %add3A_534 = arith.addi %slice3A_530, %add3A_533 : vector<128x64xi32>
    %and3A_535 = arith.constant -65536 : i32
    %and3A_536 = vector.broadcast %and3A_535 : i32 to vector<128x64xi32>
    %and3A_537 = arith.andi %add3A_534, %and3A_536 : vector<128x64xi32>
    %add3A_538 = arith.constant 32768 : i32
    %add3A_539 = vector.broadcast %add3A_538 : i32 to vector<128x64xi32>
    %add3A_540 = arith.addi %slice3A_531, %add3A_539 : vector<128x64xi32>
    %shift_right_logical3A_541 = arith.constant 16 : i32
    %shift_right_logical3A_542 = vector.broadcast %shift_right_logical3A_541 : i32 to vector<128x64xi32>
    %shift_right_logical3A_543 = arith.shrui %add3A_540, %shift_right_logical3A_542 : vector<128x64xi32>
    %or3A_544 = arith.ori %and3A_537, %shift_right_logical3A_543 : vector<128x64xi32>
    %concatenate3A_545 = tpu.concatenate %or3A_529, %or3A_544 in 1 : vector<128x64xi32>, vector<128x64xi32> -> vector<128x128xi32>
    %bitcast_convert_type3A_546 = tpu.bitcast %concatenate3A_545 : vector<128x128xi32> -> vector<128x128xf32>
    %swap3A_547 = arith.constant 1664 : index
    %swap3A_548 = arith.constant 0 : index
    %swap3A_549 = vector.load %arg2[%swap3A_547, %swap3A_548] : memref<8192x128xf32, #tpu.memory_space<vmem>>, vector<128x128xf32>
    tpu.vector_store %arg2[%swap3A_547, %swap3A_548], %bitcast_convert_type3A_546 {strides = array<i32>} : memref<8192x128xf32, #tpu.memory_space<vmem>>, vector<128x128xf32>,
    %get3A_550 = arith.constant 0 : index
    %get3A_551 = arith.constant 7168 : index
    %get3A_552 = vector.load %arg1[%get3A_550, %get3A_551] : memref<64x32768xf32, #tpu.memory_space<vmem>>, vector<64x512xf32>
    %transpose3A_553 = tpu.transpose %get3A_552, [1, 0] : vector<64x512xf32> -> vector<512x64xf32>
    %bitcast_convert_type3A_554 = tpu.bitcast %transpose3A_553 : vector<512x64xf32> -> vector<512x64xi32>
    %slice3A_555 = vector.extract_strided_slice %bitcast_convert_type3A_554 {offsets = [0, 0], sizes = [128, 64], strides = [1, 1]} : vector<512x64xi32> to vector<128x64xi32>
    %slice3A_556 = vector.extract_strided_slice %bitcast_convert_type3A_554 {offsets = [128, 0], sizes = [128, 64], strides = [1, 1]} : vector<512x64xi32> to vector<128x64xi32>
    %add3A_557 = arith.constant 32768 : i32
    %add3A_558 = vector.broadcast %add3A_557 : i32 to vector<128x64xi32>
    %add3A_559 = arith.addi %slice3A_555, %add3A_558 : vector<128x64xi32>
    %and3A_560 = arith.constant -65536 : i32
    %and3A_561 = vector.broadcast %and3A_560 : i32 to vector<128x64xi32>
    %and3A_562 = arith.andi %add3A_559, %and3A_561 : vector<128x64xi32>
    %add3A_563 = arith.constant 32768 : i32
    %add3A_564 = vector.broadcast %add3A_563 : i32 to vector<128x64xi32>
    %add3A_565 = arith.addi %slice3A_556, %add3A_564 : vector<128x64xi32>
    %shift_right_logical3A_566 = arith.constant 16 : i32
    %shift_right_logical3A_567 = vector.broadcast %shift_right_logical3A_566 : i32 to vector<128x64xi32>
    %shift_right_logical3A_568 = arith.shrui %add3A_565, %shift_right_logical3A_567 : vector<128x64xi32>
    %or3A_569 = arith.ori %and3A_562, %shift_right_logical3A_568 : vector<128x64xi32>
    %slice3A_570 = vector.extract_strided_slice %bitcast_convert_type3A_554 {offsets = [256, 0], sizes = [128, 64], strides = [1, 1]} : vector<512x64xi32> to vector<128x64xi32>
    %slice3A_571 = vector.extract_strided_slice %bitcast_convert_type3A_554 {offsets = [384, 0], sizes = [128, 64], strides = [1, 1]} : vector<512x64xi32> to vector<128x64xi32>
    %add3A_572 = arith.constant 32768 : i32
    %add3A_573 = vector.broadcast %add3A_572 : i32 to vector<128x64xi32>
    %add3A_574 = arith.addi %slice3A_570, %add3A_573 : vector<128x64xi32>
    %and3A_575 = arith.constant -65536 : i32
    %and3A_576 = vector.broadcast %and3A_575 : i32 to vector<128x64xi32>
    %and3A_577 = arith.andi %add3A_574, %and3A_576 : vector<128x64xi32>
    %add3A_578 = arith.constant 32768 : i32
    %add3A_579 = vector.broadcast %add3A_578 : i32 to vector<128x64xi32>
    %add3A_580 = arith.addi %slice3A_571, %add3A_579 : vector<128x64xi32>
    %shift_right_logical3A_581 = arith.constant 16 : i32
    %shift_right_logical3A_582 = vector.broadcast %shift_right_logical3A_581 : i32 to vector<128x64xi32>
    %shift_right_logical3A_583 = arith.shrui %add3A_580, %shift_right_logical3A_582 : vector<128x64xi32>
    %or3A_584 = arith.ori %and3A_577, %shift_right_logical3A_583 : vector<128x64xi32>
    %concatenate3A_585 = tpu.concatenate %or3A_569, %or3A_584 in 1 : vector<128x64xi32>, vector<128x64xi32> -> vector<128x128xi32>
    %bitcast_convert_type3A_586 = tpu.bitcast %concatenate3A_585 : vector<128x128xi32> -> vector<128x128xf32>
    %swap3A_587 = arith.constant 1792 : index
    %swap3A_588 = arith.constant 0 : index
    %swap3A_589 = vector.load %arg2[%swap3A_587, %swap3A_588] : memref<8192x128xf32, #tpu.memory_space<vmem>>, vector<128x128xf32>
    tpu.vector_store %arg2[%swap3A_587, %swap3A_588], %bitcast_convert_type3A_586 {strides = array<i32>} : memref<8192x128xf32, #tpu.memory_space<vmem>>, vector<128x128xf32>,
    %get3A_590 = arith.constant 0 : index
    %get3A_591 = arith.constant 7680 : index
    %get3A_592 = vector.load %arg1[%get3A_590, %get3A_591] : memref<64x32768xf32, #tpu.memory_space<vmem>>, vector<64x512xf32>
    %transpose3A_593 = tpu.transpose %get3A_592, [1, 0] : vector<64x512xf32> -> vector<512x64xf32>
    %bitcast_convert_type3A_594 = tpu.bitcast %transpose3A_593 : vector<512x64xf32> -> vector<512x64xi32>
    %slice3A_595 = vector.extract_strided_slice %bitcast_convert_type3A_594 {offsets = [0, 0], sizes = [128, 64], strides = [1, 1]} : vector<512x64xi32> to vector<128x64xi32>
    %slice3A_596 = vector.extract_strided_slice %bitcast_convert_type3A_594 {offsets = [128, 0], sizes = [128, 64], strides = [1, 1]} : vector<512x64xi32> to vector<128x64xi32>
    %add3A_597 = arith.constant 32768 : i32
    %add3A_598 = vector.broadcast %add3A_597 : i32 to vector<128x64xi32>
    %add3A_599 = arith.addi %slice3A_595, %add3A_598 : vector<128x64xi32>
    %and3A_600 = arith.constant -65536 : i32
    %and3A_601 = vector.broadcast %and3A_600 : i32 to vector<128x64xi32>
    %and3A_602 = arith.andi %add3A_599, %and3A_601 : vector<128x64xi32>
    %add3A_603 = arith.constant 32768 : i32
    %add3A_604 = vector.broadcast %add3A_603 : i32 to vector<128x64xi32>
    %add3A_605 = arith.addi %slice3A_596, %add3A_604 : vector<128x64xi32>
    %shift_right_logical3A_606 = arith.constant 16 : i32
    %shift_right_logical3A_607 = vector.broadcast %shift_right_logical3A_606 : i32 to vector<128x64xi32>
    %shift_right_logical3A_608 = arith.shrui %add3A_605, %shift_right_logical3A_607 : vector<128x64xi32>
    %or3A_609 = arith.ori %and3A_602, %shift_right_logical3A_608 : vector<128x64xi32>
    %slice3A_610 = vector.extract_strided_slice %bitcast_convert_type3A_594 {offsets = [256, 0], sizes = [128, 64], strides = [1, 1]} : vector<512x64xi32> to vector<128x64xi32>
    %slice3A_611 = vector.extract_strided_slice %bitcast_convert_type3A_594 {offsets = [384, 0], sizes = [128, 64], strides = [1, 1]} : vector<512x64xi32> to vector<128x64xi32>
    %add3A_612 = arith.constant 32768 : i32
    %add3A_613 = vector.broadcast %add3A_612 : i32 to vector<128x64xi32>
    %add3A_614 = arith.addi %slice3A_610, %add3A_613 : vector<128x64xi32>
    %and3A_615 = arith.constant -65536 : i32
    %and3A_616 = vector.broadcast %and3A_615 : i32 to vector<128x64xi32>
    %and3A_617 = arith.andi %add3A_614, %and3A_616 : vector<128x64xi32>
    %add3A_618 = arith.constant 32768 : i32
    %add3A_619 = vector.broadcast %add3A_618 : i32 to vector<128x64xi32>
    %add3A_620 = arith.addi %slice3A_611, %add3A_619 : vector<128x64xi32>
    %shift_right_logical3A_621 = arith.constant 16 : i32
    %shift_right_logical3A_622 = vector.broadcast %shift_right_logical3A_621 : i32 to vector<128x64xi32>
    %shift_right_logical3A_623 = arith.shrui %add3A_620, %shift_right_logical3A_622 : vector<128x64xi32>
    %or3A_624 = arith.ori %and3A_617, %shift_right_logical3A_623 : vector<128x64xi32>
    %concatenate3A_625 = tpu.concatenate %or3A_609, %or3A_624 in 1 : vector<128x64xi32>, vector<128x64xi32> -> vector<128x128xi32>
    %bitcast_convert_type3A_626 = tpu.bitcast %concatenate3A_625 : vector<128x128xi32> -> vector<128x128xf32>
    %swap3A_627 = arith.constant 1920 : index
    %swap3A_628 = arith.constant 0 : index
    %swap3A_629 = vector.load %arg2[%swap3A_627, %swap3A_628] : memref<8192x128xf32, #tpu.memory_space<vmem>>, vector<128x128xf32>
    tpu.vector_store %arg2[%swap3A_627, %swap3A_628], %bitcast_convert_type3A_626 {strides = array<i32>} : memref<8192x128xf32, #tpu.memory_space<vmem>>, vector<128x128xf32>,
    %get3A_630 = arith.constant 0 : index
    %get3A_631 = arith.constant 8192 : index
    %get3A_632 = vector.load %arg1[%get3A_630, %get3A_631] : memref<64x32768xf32, #tpu.memory_space<vmem>>, vector<64x512xf32>
    %transpose3A_633 = tpu.transpose %get3A_632, [1, 0] : vector<64x512xf32> -> vector<512x64xf32>
    %bitcast_convert_type3A_634 = tpu.bitcast %transpose3A_633 : vector<512x64xf32> -> vector<512x64xi32>
    %slice3A_635 = vector.extract_strided_slice %bitcast_convert_type3A_634 {offsets = [0, 0], sizes = [128, 64], strides = [1, 1]} : vector<512x64xi32> to vector<128x64xi32>
    %slice3A_636 = vector.extract_strided_slice %bitcast_convert_type3A_634 {offsets = [128, 0], sizes = [128, 64], strides = [1, 1]} : vector<512x64xi32> to vector<128x64xi32>
    %add3A_637 = arith.constant 32768 : i32
    %add3A_638 = vector.broadcast %add3A_637 : i32 to vector<128x64xi32>
    %add3A_639 = arith.addi %slice3A_635, %add3A_638 : vector<128x64xi32>
    %and3A_640 = arith.constant -65536 : i32
    %and3A_641 = vector.broadcast %and3A_640 : i32 to vector<128x64xi32>
    %and3A_642 = arith.andi %add3A_639, %and3A_641 : vector<128x64xi32>
    %add3A_643 = arith.constant 32768 : i32
    %add3A_644 = vector.broadcast %add3A_643 : i32 to vector<128x64xi32>
    %add3A_645 = arith.addi %slice3A_636, %add3A_644 : vector<128x64xi32>
    %shift_right_logical3A_646 = arith.constant 16 : i32
    %shift_right_logical3A_647 = vector.broadcast %shift_right_logical3A_646 : i32 to vector<128x64xi32>
    %shift_right_logical3A_648 = arith.shrui %add3A_645, %shift_right_logical3A_647 : vector<128x64xi32>
    %or3A_649 = arith.ori %and3A_642, %shift_right_logical3A_648 : vector<128x64xi32>
    %slice3A_650 = vector.extract_strided_slice %bitcast_convert_type3A_634 {offsets = [256, 0], sizes = [128, 64], strides = [1, 1]} : vector<512x64xi32> to vector<128x64xi32>
    %slice3A_651 = vector.extract_strided_slice %bitcast_convert_type3A_634 {offsets = [384, 0], sizes = [128, 64], strides = [1, 1]} : vector<512x64xi32> to vector<128x64xi32>
    %add3A_652 = arith.constant 32768 : i32
    %add3A_653 = vector.broadcast %add3A_652 : i32 to vector<128x64xi32>
    %add3A_654 = arith.addi %slice3A_650, %add3A_653 : vector<128x64xi32>
    %and3A_655 = arith.constant -65536 : i32
    %and3A_656 = vector.broadcast %and3A_655 : i32 to vector<128x64xi32>
    %and3A_657 = arith.andi %add3A_654, %and3A_656 : vector<128x64xi32>
    %add3A_658 = arith.constant 32768 : i32
    %add3A_659 = vector.broadcast %add3A_658 : i32 to vector<128x64xi32>
    %add3A_660 = arith.addi %slice3A_651, %add3A_659 : vector<128x64xi32>
    %shift_right_logical3A_661 = arith.constant 16 : i32
    %shift_right_logical3A_662 = vector.broadcast %shift_right_logical3A_661 : i32 to vector<128x64xi32>
    %shift_right_logical3A_663 = arith.shrui %add3A_660, %shift_right_logical3A_662 : vector<128x64xi32>
    %or3A_664 = arith.ori %and3A_657, %shift_right_logical3A_663 : vector<128x64xi32>
    %concatenate3A_665 = tpu.concatenate %or3A_649, %or3A_664 in 1 : vector<128x64xi32>, vector<128x64xi32> -> vector<128x128xi32>
    %bitcast_convert_type3A_666 = tpu.bitcast %concatenate3A_665 : vector<128x128xi32> -> vector<128x128xf32>
    %swap3A_667 = arith.constant 2048 : index
    %swap3A_668 = arith.constant 0 : index
    %swap3A_669 = vector.load %arg2[%swap3A_667, %swap3A_668] : memref<8192x128xf32, #tpu.memory_space<vmem>>, vector<128x128xf32>
    tpu.vector_store %arg2[%swap3A_667, %swap3A_668], %bitcast_convert_type3A_666 {strides = array<i32>} : memref<8192x128xf32, #tpu.memory_space<vmem>>, vector<128x128xf32>,
    %get3A_670 = arith.constant 0 : index
    %get3A_671 = arith.constant 8704 : index
    %get3A_672 = vector.load %arg1[%get3A_670, %get3A_671] : memref<64x32768xf32, #tpu.memory_space<vmem>>, vector<64x512xf32>
    %transpose3A_673 = tpu.transpose %get3A_672, [1, 0] : vector<64x512xf32> -> vector<512x64xf32>
    %bitcast_convert_type3A_674 = tpu.bitcast %transpose3A_673 : vector<512x64xf32> -> vector<512x64xi32>
    %slice3A_675 = vector.extract_strided_slice %bitcast_convert_type3A_674 {offsets = [0, 0], sizes = [128, 64], strides = [1, 1]} : vector<512x64xi32> to vector<128x64xi32>
    %slice3A_676 = vector.extract_strided_slice %bitcast_convert_type3A_674 {offsets = [128, 0], sizes = [128, 64], strides = [1, 1]} : vector<512x64xi32> to vector<128x64xi32>
    %add3A_677 = arith.constant 32768 : i32
    %add3A_678 = vector.broadcast %add3A_677 : i32 to vector<128x64xi32>
    %add3A_679 = arith.addi %slice3A_675, %add3A_678 : vector<128x64xi32>
    %and3A_680 = arith.constant -65536 : i32
    %and3A_681 = vector.broadcast %and3A_680 : i32 to vector<128x64xi32>
    %and3A_682 = arith.andi %add3A_679, %and3A_681 : vector<128x64xi32>
    %add3A_683 = arith.constant 32768 : i32
    %add3A_684 = vector.broadcast %add3A_683 : i32 to vector<128x64xi32>
    %add3A_685 = arith.addi %slice3A_676, %add3A_684 : vector<128x64xi32>
    %shift_right_logical3A_686 = arith.constant 16 : i32
    %shift_right_logical3A_687 = vector.broadcast %shift_right_logical3A_686 : i32 to vector<128x64xi32>
    %shift_right_logical3A_688 = arith.shrui %add3A_685, %shift_right_logical3A_687 : vector<128x64xi32>
    %or3A_689 = arith.ori %and3A_682, %shift_right_logical3A_688 : vector<128x64xi32>
    %slice3A_690 = vector.extract_strided_slice %bitcast_convert_type3A_674 {offsets = [256, 0], sizes = [128, 64], strides = [1, 1]} : vector<512x64xi32> to vector<128x64xi32>
    %slice3A_691 = vector.extract_strided_slice %bitcast_convert_type3A_674 {offsets = [384, 0], sizes = [128, 64], strides = [1, 1]} : vector<512x64xi32> to vector<128x64xi32>
    %add3A_692 = arith.constant 32768 : i32
    %add3A_693 = vector.broadcast %add3A_692 : i32 to vector<128x64xi32>
    %add3A_694 = arith.addi %slice3A_690, %add3A_693 : vector<128x64xi32>
    %and3A_695 = arith.constant -65536 : i32
    %and3A_696 = vector.broadcast %and3A_695 : i32 to vector<128x64xi32>
    %and3A_697 = arith.andi %add3A_694, %and3A_696 : vector<128x64xi32>
    %add3A_698 = arith.constant 32768 : i32
    %add3A_699 = vector.broadcast %add3A_698 : i32 to vector<128x64xi32>
    %add3A_700 = arith.addi %slice3A_691, %add3A_699 : vector<128x64xi32>
    %shift_right_logical3A_701 = arith.constant 16 : i32
    %shift_right_logical3A_702 = vector.broadcast %shift_right_logical3A_701 : i32 to vector<128x64xi32>
    %shift_right_logical3A_703 = arith.shrui %add3A_700, %shift_right_logical3A_702 : vector<128x64xi32>
    %or3A_704 = arith.ori %and3A_697, %shift_right_logical3A_703 : vector<128x64xi32>
    %concatenate3A_705 = tpu.concatenate %or3A_689, %or3A_704 in 1 : vector<128x64xi32>, vector<128x64xi32> -> vector<128x128xi32>
    %bitcast_convert_type3A_706 = tpu.bitcast %concatenate3A_705 : vector<128x128xi32> -> vector<128x128xf32>
    %swap3A_707 = arith.constant 2176 : index
    %swap3A_708 = arith.constant 0 : index
    %swap3A_709 = vector.load %arg2[%swap3A_707, %swap3A_708] : memref<8192x128xf32, #tpu.memory_space<vmem>>, vector<128x128xf32>
    tpu.vector_store %arg2[%swap3A_707, %swap3A_708], %bitcast_convert_type3A_706 {strides = array<i32>} : memref<8192x128xf32, #tpu.memory_space<vmem>>, vector<128x128xf32>,
    %get3A_710 = arith.constant 0 : index
    %get3A_711 = arith.constant 9216 : index
    %get3A_712 = vector.load %arg1[%get3A_710, %get3A_711] : memref<64x32768xf32, #tpu.memory_space<vmem>>, vector<64x512xf32>
    %transpose3A_713 = tpu.transpose %get3A_712, [1, 0] : vector<64x512xf32> -> vector<512x64xf32>
    %bitcast_convert_type3A_714 = tpu.bitcast %transpose3A_713 : vector<512x64xf32> -> vector<512x64xi32>
    %slice3A_715 = vector.extract_strided_slice %bitcast_convert_type3A_714 {offsets = [0, 0], sizes = [128, 64], strides = [1, 1]} : vector<512x64xi32> to vector<128x64xi32>
    %slice3A_716 = vector.extract_strided_slice %bitcast_convert_type3A_714 {offsets = [128, 0], sizes = [128, 64], strides = [1, 1]} : vector<512x64xi32> to vector<128x64xi32>
    %add3A_717 = arith.constant 32768 : i32
    %add3A_718 = vector.broadcast %add3A_717 : i32 to vector<128x64xi32>
    %add3A_719 = arith.addi %slice3A_715, %add3A_718 : vector<128x64xi32>
    %and3A_720 = arith.constant -65536 : i32
    %and3A_721 = vector.broadcast %and3A_720 : i32 to vector<128x64xi32>
    %and3A_722 = arith.andi %add3A_719, %and3A_721 : vector<128x64xi32>
    %add3A_723 = arith.constant 32768 : i32
    %add3A_724 = vector.broadcast %add3A_723 : i32 to vector<128x64xi32>
    %add3A_725 = arith.addi %slice3A_716, %add3A_724 : vector<128x64xi32>
    %shift_right_logical3A_726 = arith.constant 16 : i32
    %shift_right_logical3A_727 = vector.broadcast %shift_right_logical3A_726 : i32 to vector<128x64xi32>
    %shift_right_logical3A_728 = arith.shrui %add3A_725, %shift_right_logical3A_727 : vector<128x64xi32>
    %or3A_729 = arith.ori %and3A_722, %shift_right_logical3A_728 : vector<128x64xi32>
    %slice3A_730 = vector.extract_strided_slice %bitcast_convert_type3A_714 {offsets = [256, 0], sizes = [128, 64], strides = [1, 1]} : vector<512x64xi32> to vector<128x64xi32>
    %slice3A_731 = vector.extract_strided_slice %bitcast_convert_type3A_714 {offsets = [384, 0], sizes = [128, 64], strides = [1, 1]} : vector<512x64xi32> to vector<128x64xi32>
    %add3A_732 = arith.constant 32768 : i32
    %add3A_733 = vector.broadcast %add3A_732 : i32 to vector<128x64xi32>
    %add3A_734 = arith.addi %slice3A_730, %add3A_733 : vector<128x64xi32>
    %and3A_735 = arith.constant -65536 : i32
    %and3A_736 = vector.broadcast %and3A_735 : i32 to vector<128x64xi32>
    %and3A_737 = arith.andi %add3A_734, %and3A_736 : vector<128x64xi32>
    %add3A_738 = arith.constant 32768 : i32
    %add3A_739 = vector.broadcast %add3A_738 : i32 to vector<128x64xi32>
    %add3A_740 = arith.addi %slice3A_731, %add3A_739 : vector<128x64xi32>
    %shift_right_logical3A_741 = arith.constant 16 : i32
    %shift_right_logical3A_742 = vector.broadcast %shift_right_logical3A_741 : i32 to vector<128x64xi32>
    %shift_right_logical3A_743 = arith.shrui %add3A_740, %shift_right_logical3A_742 : vector<128x64xi32>
    %or3A_744 = arith.ori %and3A_737, %shift_right_logical3A_743 : vector<128x64xi32>
    %concatenate3A_745 = tpu.concatenate %or3A_729, %or3A_744 in 1 : vector<128x64xi32>, vector<128x64xi32> -> vector<128x128xi32>
    %bitcast_convert_type3A_746 = tpu.bitcast %concatenate3A_745 : vector<128x128xi32> -> vector<128x128xf32>
    %swap3A_747 = arith.constant 2304 : index
    %swap3A_748 = arith.constant 0 : index
    %swap3A_749 = vector.load %arg2[%swap3A_747, %swap3A_748] : memref<8192x128xf32, #tpu.memory_space<vmem>>, vector<128x128xf32>
    tpu.vector_store %arg2[%swap3A_747, %swap3A_748], %bitcast_convert_type3A_746 {strides = array<i32>} : memref<8192x128xf32, #tpu.memory_space<vmem>>, vector<128x128xf32>,
    %get3A_750 = arith.constant 0 : index
    %get3A_751 = arith.constant 9728 : index
    %get3A_752 = vector.load %arg1[%get3A_750, %get3A_751] : memref<64x32768xf32, #tpu.memory_space<vmem>>, vector<64x512xf32>
    %transpose3A_753 = tpu.transpose %get3A_752, [1, 0] : vector<64x512xf32> -> vector<512x64xf32>
    %bitcast_convert_type3A_754 = tpu.bitcast %transpose3A_753 : vector<512x64xf32> -> vector<512x64xi32>
    %slice3A_755 = vector.extract_strided_slice %bitcast_convert_type3A_754 {offsets = [0, 0], sizes = [128, 64], strides = [1, 1]} : vector<512x64xi32> to vector<128x64xi32>
    %slice3A_756 = vector.extract_strided_slice %bitcast_convert_type3A_754 {offsets = [128, 0], sizes = [128, 64], strides = [1, 1]} : vector<512x64xi32> to vector<128x64xi32>
    %add3A_757 = arith.constant 32768 : i32
    %add3A_758 = vector.broadcast %add3A_757 : i32 to vector<128x64xi32>
    %add3A_759 = arith.addi %slice3A_755, %add3A_758 : vector<128x64xi32>
    %and3A_760 = arith.constant -65536 : i32
    %and3A_761 = vector.broadcast %and3A_760 : i32 to vector<128x64xi32>
    %and3A_762 = arith.andi %add3A_759, %and3A_761 : vector<128x64xi32>
    %add3A_763 = arith.constant 32768 : i32
    %add3A_764 = vector.broadcast %add3A_763 : i32 to vector<128x64xi32>
    %add3A_765 = arith.addi %slice3A_756, %add3A_764 : vector<128x64xi32>
    %shift_right_logical3A_766 = arith.constant 16 : i32
    %shift_right_logical3A_767 = vector.broadcast %shift_right_logical3A_766 : i32 to vector<128x64xi32>
    %shift_right_logical3A_768 = arith.shrui %add3A_765, %shift_right_logical3A_767 : vector<128x64xi32>
    %or3A_769 = arith.ori %and3A_762, %shift_right_logical3A_768 : vector<128x64xi32>
    %slice3A_770 = vector.extract_strided_slice %bitcast_convert_type3A_754 {offsets = [256, 0], sizes = [128, 64], strides = [1, 1]} : vector<512x64xi32> to vector<128x64xi32>
    %slice3A_771 = vector.extract_strided_slice %bitcast_convert_type3A_754 {offsets = [384, 0], sizes = [128, 64], strides = [1, 1]} : vector<512x64xi32> to vector<128x64xi32>
    %add3A_772 = arith.constant 32768 : i32
    %add3A_773 = vector.broadcast %add3A_772 : i32 to vector<128x64xi32>
    %add3A_774 = arith.addi %slice3A_770, %add3A_773 : vector<128x64xi32>
    %and3A_775 = arith.constant -65536 : i32
    %and3A_776 = vector.broadcast %and3A_775 : i32 to vector<128x64xi32>
    %and3A_777 = arith.andi %add3A_774, %and3A_776 : vector<128x64xi32>
    %add3A_778 = arith.constant 32768 : i32
    %add3A_779 = vector.broadcast %add3A_778 : i32 to vector<128x64xi32>
    %add3A_780 = arith.addi %slice3A_771, %add3A_779 : vector<128x64xi32>
    %shift_right_logical3A_781 = arith.constant 16 : i32
    %shift_right_logical3A_782 = vector.broadcast %shift_right_logical3A_781 : i32 to vector<128x64xi32>
    %shift_right_logical3A_783 = arith.shrui %add3A_780, %shift_right_logical3A_782 : vector<128x64xi32>
    %or3A_784 = arith.ori %and3A_777, %shift_right_logical3A_783 : vector<128x64xi32>
    %concatenate3A_785 = tpu.concatenate %or3A_769, %or3A_784 in 1 : vector<128x64xi32>, vector<128x64xi32> -> vector<128x128xi32>
    %bitcast_convert_type3A_786 = tpu.bitcast %concatenate3A_785 : vector<128x128xi32> -> vector<128x128xf32>
    %swap3A_787 = arith.constant 2432 : index
    %swap3A_788 = arith.constant 0 : index
    %swap3A_789 = vector.load %arg2[%swap3A_787, %swap3A_788] : memref<8192x128xf32, #tpu.memory_space<vmem>>, vector<128x128xf32>
    tpu.vector_store %arg2[%swap3A_787, %swap3A_788], %bitcast_convert_type3A_786 {strides = array<i32>} : memref<8192x128xf32, #tpu.memory_space<vmem>>, vector<128x128xf32>,
    %get3A_790 = arith.constant 0 : index
    %get3A_791 = arith.constant 10240 : index
    %get3A_792 = vector.load %arg1[%get3A_790, %get3A_791] : memref<64x32768xf32, #tpu.memory_space<vmem>>, vector<64x512xf32>
    %transpose3A_793 = tpu.transpose %get3A_792, [1, 0] : vector<64x512xf32> -> vector<512x64xf32>
    %bitcast_convert_type3A_794 = tpu.bitcast %transpose3A_793 : vector<512x64xf32> -> vector<512x64xi32>
    %slice3A_795 = vector.extract_strided_slice %bitcast_convert_type3A_794 {offsets = [0, 0], sizes = [128, 64], strides = [1, 1]} : vector<512x64xi32> to vector<128x64xi32>
    %slice3A_796 = vector.extract_strided_slice %bitcast_convert_type3A_794 {offsets = [128, 0], sizes = [128, 64], strides = [1, 1]} : vector<512x64xi32> to vector<128x64xi32>
    %add3A_797 = arith.constant 32768 : i32
    %add3A_798 = vector.broadcast %add3A_797 : i32 to vector<128x64xi32>
    %add3A_799 = arith.addi %slice3A_795, %add3A_798 : vector<128x64xi32>
    %and3A_800 = arith.constant -65536 : i32
    %and3A_801 = vector.broadcast %and3A_800 : i32 to vector<128x64xi32>
    %and3A_802 = arith.andi %add3A_799, %and3A_801 : vector<128x64xi32>
    %add3A_803 = arith.constant 32768 : i32
    %add3A_804 = vector.broadcast %add3A_803 : i32 to vector<128x64xi32>
    %add3A_805 = arith.addi %slice3A_796, %add3A_804 : vector<128x64xi32>
    %shift_right_logical3A_806 = arith.constant 16 : i32
    %shift_right_logical3A_807 = vector.broadcast %shift_right_logical3A_806 : i32 to vector<128x64xi32>
    %shift_right_logical3A_808 = arith.shrui %add3A_805, %shift_right_logical3A_807 : vector<128x64xi32>
    %or3A_809 = arith.ori %and3A_802, %shift_right_logical3A_808 : vector<128x64xi32>
    %slice3A_810 = vector.extract_strided_slice %bitcast_convert_type3A_794 {offsets = [256, 0], sizes = [128, 64], strides = [1, 1]} : vector<512x64xi32> to vector<128x64xi32>
    %slice3A_811 = vector.extract_strided_slice %bitcast_convert_type3A_794 {offsets = [384, 0], sizes = [128, 64], strides = [1, 1]} : vector<512x64xi32> to vector<128x64xi32>
    %add3A_812 = arith.constant 32768 : i32
    %add3A_813 = vector.broadcast %add3A_812 : i32 to vector<128x64xi32>
    %add3A_814 = arith.addi %slice3A_810, %add3A_813 : vector<128x64xi32>
    %and3A_815 = arith.constant -65536 : i32
    %and3A_816 = vector.broadcast %and3A_815 : i32 to vector<128x64xi32>
    %and3A_817 = arith.andi %add3A_814, %and3A_816 : vector<128x64xi32>
    %add3A_818 = arith.constant 32768 : i32
    %add3A_819 = vector.broadcast %add3A_818 : i32 to vector<128x64xi32>
    %add3A_820 = arith.addi %slice3A_811, %add3A_819 : vector<128x64xi32>
    %shift_right_logical3A_821 = arith.constant 16 : i32
    %shift_right_logical3A_822 = vector.broadcast %shift_right_logical3A_821 : i32 to vector<128x64xi32>
    %shift_right_logical3A_823 = arith.shrui %add3A_820, %shift_right_logical3A_822 : vector<128x64xi32>
    %or3A_824 = arith.ori %and3A_817, %shift_right_logical3A_823 : vector<128x64xi32>
    %concatenate3A_825 = tpu.concatenate %or3A_809, %or3A_824 in 1 : vector<128x64xi32>, vector<128x64xi32> -> vector<128x128xi32>
    %bitcast_convert_type3A_826 = tpu.bitcast %concatenate3A_825 : vector<128x128xi32> -> vector<128x128xf32>
    %swap3A_827 = arith.constant 2560 : index
    %swap3A_828 = arith.constant 0 : index
    %swap3A_829 = vector.load %arg2[%swap3A_827, %swap3A_828] : memref<8192x128xf32, #tpu.memory_space<vmem>>, vector<128x128xf32>
    tpu.vector_store %arg2[%swap3A_827, %swap3A_828], %bitcast_convert_type3A_826 {strides = array<i32>} : memref<8192x128xf32, #tpu.memory_space<vmem>>, vector<128x128xf32>,
    %get3A_830 = arith.constant 0 : index
    %get3A_831 = arith.constant 10752 : index
    %get3A_832 = vector.load %arg1[%get3A_830, %get3A_831] : memref<64x32768xf32, #tpu.memory_space<vmem>>, vector<64x512xf32>
    %transpose3A_833 = tpu.transpose %get3A_832, [1, 0] : vector<64x512xf32> -> vector<512x64xf32>
    %bitcast_convert_type3A_834 = tpu.bitcast %transpose3A_833 : vector<512x64xf32> -> vector<512x64xi32>
    %slice3A_835 = vector.extract_strided_slice %bitcast_convert_type3A_834 {offsets = [0, 0], sizes = [128, 64], strides = [1, 1]} : vector<512x64xi32> to vector<128x64xi32>
    %slice3A_836 = vector.extract_strided_slice %bitcast_convert_type3A_834 {offsets = [128, 0], sizes = [128, 64], strides = [1, 1]} : vector<512x64xi32> to vector<128x64xi32>
    %add3A_837 = arith.constant 32768 : i32
    %add3A_838 = vector.broadcast %add3A_837 : i32 to vector<128x64xi32>
    %add3A_839 = arith.addi %slice3A_835, %add3A_838 : vector<128x64xi32>
    %and3A_840 = arith.constant -65536 : i32
    %and3A_841 = vector.broadcast %and3A_840 : i32 to vector<128x64xi32>
    %and3A_842 = arith.andi %add3A_839, %and3A_841 : vector<128x64xi32>
    %add3A_843 = arith.constant 32768 : i32
    %add3A_844 = vector.broadcast %add3A_843 : i32 to vector<128x64xi32>
    %add3A_845 = arith.addi %slice3A_836, %add3A_844 : vector<128x64xi32>
    %shift_right_logical3A_846 = arith.constant 16 : i32
    %shift_right_logical3A_847 = vector.broadcast %shift_right_logical3A_846 : i32 to vector<128x64xi32>
    %shift_right_logical3A_848 = arith.shrui %add3A_845, %shift_right_logical3A_847 : vector<128x64xi32>
    %or3A_849 = arith.ori %and3A_842, %shift_right_logical3A_848 : vector<128x64xi32>
    %slice3A_850 = vector.extract_strided_slice %bitcast_convert_type3A_834 {offsets = [256, 0], sizes = [128, 64], strides = [1, 1]} : vector<512x64xi32> to vector<128x64xi32>
    %slice3A_851 = vector.extract_strided_slice %bitcast_convert_type3A_834 {offsets = [384, 0], sizes = [128, 64], strides = [1, 1]} : vector<512x64xi32> to vector<128x64xi32>
    %add3A_852 = arith.constant 32768 : i32
    %add3A_853 = vector.broadcast %add3A_852 : i32 to vector<128x64xi32>
    %add3A_854 = arith.addi %slice3A_850, %add3A_853 : vector<128x64xi32>
    %and3A_855 = arith.constant -65536 : i32
    %and3A_856 = vector.broadcast %and3A_855 : i32 to vector<128x64xi32>
    %and3A_857 = arith.andi %add3A_854, %and3A_856 : vector<128x64xi32>
    %add3A_858 = arith.constant 32768 : i32
    %add3A_859 = vector.broadcast %add3A_858 : i32 to vector<128x64xi32>
    %add3A_860 = arith.addi %slice3A_851, %add3A_859 : vector<128x64xi32>
    %shift_right_logical3A_861 = arith.constant 16 : i32
    %shift_right_logical3A_862 = vector.broadcast %shift_right_logical3A_861 : i32 to vector<128x64xi32>
    %shift_right_logical3A_863 = arith.shrui %add3A_860, %shift_right_logical3A_862 : vector<128x64xi32>
    %or3A_864 = arith.ori %and3A_857, %shift_right_logical3A_863 : vector<128x64xi32>
    %concatenate3A_865 = tpu.concatenate %or3A_849, %or3A_864 in 1 : vector<128x64xi32>, vector<128x64xi32> -> vector<128x128xi32>
    %bitcast_convert_type3A_866 = tpu.bitcast %concatenate3A_865 : vector<128x128xi32> -> vector<128x128xf32>
    %swap3A_867 = arith.constant 2688 : index
    %swap3A_868 = arith.constant 0 : index
    %swap3A_869 = vector.load %arg2[%swap3A_867, %swap3A_868] : memref<8192x128xf32, #tpu.memory_space<vmem>>, vector<128x128xf32>
    tpu.vector_store %arg2[%swap3A_867, %swap3A_868], %bitcast_convert_type3A_866 {strides = array<i32>} : memref<8192x128xf32, #tpu.memory_space<vmem>>, vector<128x128xf32>,
    %get3A_870 = arith.constant 0 : index
    %get3A_871 = arith.constant 11264 : index
    %get3A_872 = vector.load %arg1[%get3A_870, %get3A_871] : memref<64x32768xf32, #tpu.memory_space<vmem>>, vector<64x512xf32>
    %transpose3A_873 = tpu.transpose %get3A_872, [1, 0] : vector<64x512xf32> -> vector<512x64xf32>
    %bitcast_convert_type3A_874 = tpu.bitcast %transpose3A_873 : vector<512x64xf32> -> vector<512x64xi32>
    %slice3A_875 = vector.extract_strided_slice %bitcast_convert_type3A_874 {offsets = [0, 0], sizes = [128, 64], strides = [1, 1]} : vector<512x64xi32> to vector<128x64xi32>
    %slice3A_876 = vector.extract_strided_slice %bitcast_convert_type3A_874 {offsets = [128, 0], sizes = [128, 64], strides = [1, 1]} : vector<512x64xi32> to vector<128x64xi32>
    %add3A_877 = arith.constant 32768 : i32
    %add3A_878 = vector.broadcast %add3A_877 : i32 to vector<128x64xi32>
    %add3A_879 = arith.addi %slice3A_875, %add3A_878 : vector<128x64xi32>
    %and3A_880 = arith.constant -65536 : i32
    %and3A_881 = vector.broadcast %and3A_880 : i32 to vector<128x64xi32>
    %and3A_882 = arith.andi %add3A_879, %and3A_881 : vector<128x64xi32>
    %add3A_883 = arith.constant 32768 : i32
    %add3A_884 = vector.broadcast %add3A_883 : i32 to vector<128x64xi32>
    %add3A_885 = arith.addi %slice3A_876, %add3A_884 : vector<128x64xi32>
    %shift_right_logical3A_886 = arith.constant 16 : i32
    %shift_right_logical3A_887 = vector.broadcast %shift_right_logical3A_886 : i32 to vector<128x64xi32>
    %shift_right_logical3A_888 = arith.shrui %add3A_885, %shift_right_logical3A_887 : vector<128x64xi32>
    %or3A_889 = arith.ori %and3A_882, %shift_right_logical3A_888 : vector<128x64xi32>
    %slice3A_890 = vector.extract_strided_slice %bitcast_convert_type3A_874 {offsets = [256, 0], sizes = [128, 64], strides = [1, 1]} : vector<512x64xi32> to vector<128x64xi32>
    %slice3A_891 = vector.extract_strided_slice %bitcast_convert_type3A_874 {offsets = [384, 0], sizes = [128, 64], strides = [1, 1]} : vector<512x64xi32> to vector<128x64xi32>
    %add3A_892 = arith.constant 32768 : i32
    %add3A_893 = vector.broadcast %add3A_892 : i32 to vector<128x64xi32>
    %add3A_894 = arith.addi %slice3A_890, %add3A_893 : vector<128x64xi32>
    %and3A_895 = arith.constant -65536 : i32
    %and3A_896 = vector.broadcast %and3A_895 : i32 to vector<128x64xi32>
    %and3A_897 = arith.andi %add3A_894, %and3A_896 : vector<128x64xi32>
    %add3A_898 = arith.constant 32768 : i32
    %add3A_899 = vector.broadcast %add3A_898 : i32 to vector<128x64xi32>
    %add3A_900 = arith.addi %slice3A_891, %add3A_899 : vector<128x64xi32>
    %shift_right_logical3A_901 = arith.constant 16 : i32
    %shift_right_logical3A_902 = vector.broadcast %shift_right_logical3A_901 : i32 to vector<128x64xi32>
    %shift_right_logical3A_903 = arith.shrui %add3A_900, %shift_right_logical3A_902 : vector<128x64xi32>
    %or3A_904 = arith.ori %and3A_897, %shift_right_logical3A_903 : vector<128x64xi32>
    %concatenate3A_905 = tpu.concatenate %or3A_889, %or3A_904 in 1 : vector<128x64xi32>, vector<128x64xi32> -> vector<128x128xi32>
    %bitcast_convert_type3A_906 = tpu.bitcast %concatenate3A_905 : vector<128x128xi32> -> vector<128x128xf32>
    %swap3A_907 = arith.constant 2816 : index
    %swap3A_908 = arith.constant 0 : index
    %swap3A_909 = vector.load %arg2[%swap3A_907, %swap3A_908] : memref<8192x128xf32, #tpu.memory_space<vmem>>, vector<128x128xf32>
    tpu.vector_store %arg2[%swap3A_907, %swap3A_908], %bitcast_convert_type3A_906 {strides = array<i32>} : memref<8192x128xf32, #tpu.memory_space<vmem>>, vector<128x128xf32>,
    %get3A_910 = arith.constant 0 : index
    %get3A_911 = arith.constant 11776 : index
    %get3A_912 = vector.load %arg1[%get3A_910, %get3A_911] : memref<64x32768xf32, #tpu.memory_space<vmem>>, vector<64x512xf32>
    %transpose3A_913 = tpu.transpose %get3A_912, [1, 0] : vector<64x512xf32> -> vector<512x64xf32>
    %bitcast_convert_type3A_914 = tpu.bitcast %transpose3A_913 : vector<512x64xf32> -> vector<512x64xi32>
    %slice3A_915 = vector.extract_strided_slice %bitcast_convert_type3A_914 {offsets = [0, 0], sizes = [128, 64], strides = [1, 1]} : vector<512x64xi32> to vector<128x64xi32>
    %slice3A_916 = vector.extract_strided_slice %bitcast_convert_type3A_914 {offsets = [128, 0], sizes = [128, 64], strides = [1, 1]} : vector<512x64xi32> to vector<128x64xi32>
    %add3A_917 = arith.constant 32768 : i32
    %add3A_918 = vector.broadcast %add3A_917 : i32 to vector<128x64xi32>
    %add3A_919 = arith.addi %slice3A_915, %add3A_918 : vector<128x64xi32>
    %and3A_920 = arith.constant -65536 : i32
    %and3A_921 = vector.broadcast %and3A_920 : i32 to vector<128x64xi32>
    %and3A_922 = arith.andi %add3A_919, %and3A_921 : vector<128x64xi32>
    %add3A_923 = arith.constant 32768 : i32
    %add3A_924 = vector.broadcast %add3A_923 : i32 to vector<128x64xi32>
    %add3A_925 = arith.addi %slice3A_916, %add3A_924 : vector<128x64xi32>
    %shift_right_logical3A_926 = arith.constant 16 : i32
    %shift_right_logical3A_927 = vector.broadcast %shift_right_logical3A_926 : i32 to vector<128x64xi32>
    %shift_right_logical3A_928 = arith.shrui %add3A_925, %shift_right_logical3A_927 : vector<128x64xi32>
    %or3A_929 = arith.ori %and3A_922, %shift_right_logical3A_928 : vector<128x64xi32>
    %slice3A_930 = vector.extract_strided_slice %bitcast_convert_type3A_914 {offsets = [256, 0], sizes = [128, 64], strides = [1, 1]} : vector<512x64xi32> to vector<128x64xi32>
    %slice3A_931 = vector.extract_strided_slice %bitcast_convert_type3A_914 {offsets = [384, 0], sizes = [128, 64], strides = [1, 1]} : vector<512x64xi32> to vector<128x64xi32>
    %add3A_932 = arith.constant 32768 : i32
    %add3A_933 = vector.broadcast %add3A_932 : i32 to vector<128x64xi32>
    %add3A_934 = arith.addi %slice3A_930, %add3A_933 : vector<128x64xi32>
    %and3A_935 = arith.constant -65536 : i32
    %and3A_936 = vector.broadcast %and3A_935 : i32 to vector<128x64xi32>
    %and3A_937 = arith.andi %add3A_934, %and3A_936 : vector<128x64xi32>
    %add3A_938 = arith.constant 32768 : i32
    %add3A_939 = vector.broadcast %add3A_938 : i32 to vector<128x64xi32>
    %add3A_940 = arith.addi %slice3A_931, %add3A_939 : vector<128x64xi32>
    %shift_right_logical3A_941 = arith.constant 16 : i32
    %shift_right_logical3A_942 = vector.broadcast %shift_right_logical3A_941 : i32 to vector<128x64xi32>
    %shift_right_logical3A_943 = arith.shrui %add3A_940, %shift_right_logical3A_942 : vector<128x64xi32>
    %or3A_944 = arith.ori %and3A_937, %shift_right_logical3A_943 : vector<128x64xi32>
    %concatenate3A_945 = tpu.concatenate %or3A_929, %or3A_944 in 1 : vector<128x64xi32>, vector<128x64xi32> -> vector<128x128xi32>
    %bitcast_convert_type3A_946 = tpu.bitcast %concatenate3A_945 : vector<128x128xi32> -> vector<128x128xf32>
    %swap3A_947 = arith.constant 2944 : index
    %swap3A_948 = arith.constant 0 : index
    %swap3A_949 = vector.load %arg2[%swap3A_947, %swap3A_948] : memref<8192x128xf32, #tpu.memory_space<vmem>>, vector<128x128xf32>
    tpu.vector_store %arg2[%swap3A_947, %swap3A_948], %bitcast_convert_type3A_946 {strides = array<i32>} : memref<8192x128xf32, #tpu.memory_space<vmem>>, vector<128x128xf32>,
    %get3A_950 = arith.constant 0 : index
    %get3A_951 = arith.constant 12288 : index
    %get3A_952 = vector.load %arg1[%get3A_950, %get3A_951] : memref<64x32768xf32, #tpu.memory_space<vmem>>, vector<64x512xf32>
    %transpose3A_953 = tpu.transpose %get3A_952, [1, 0] : vector<64x512xf32> -> vector<512x64xf32>
    %bitcast_convert_type3A_954 = tpu.bitcast %transpose3A_953 : vector<512x64xf32> -> vector<512x64xi32>
    %slice3A_955 = vector.extract_strided_slice %bitcast_convert_type3A_954 {offsets = [0, 0], sizes = [128, 64], strides = [1, 1]} : vector<512x64xi32> to vector<128x64xi32>
    %slice3A_956 = vector.extract_strided_slice %bitcast_convert_type3A_954 {offsets = [128, 0], sizes = [128, 64], strides = [1, 1]} : vector<512x64xi32> to vector<128x64xi32>
    %add3A_957 = arith.constant 32768 : i32
    %add3A_958 = vector.broadcast %add3A_957 : i32 to vector<128x64xi32>
    %add3A_959 = arith.addi %slice3A_955, %add3A_958 : vector<128x64xi32>
    %and3A_960 = arith.constant -65536 : i32
    %and3A_961 = vector.broadcast %and3A_960 : i32 to vector<128x64xi32>
    %and3A_962 = arith.andi %add3A_959, %and3A_961 : vector<128x64xi32>
    %add3A_963 = arith.constant 32768 : i32
    %add3A_964 = vector.broadcast %add3A_963 : i32 to vector<128x64xi32>
    %add3A_965 = arith.addi %slice3A_956, %add3A_964 : vector<128x64xi32>
    %shift_right_logical3A_966 = arith.constant 16 : i32
    %shift_right_logical3A_967 = vector.broadcast %shift_right_logical3A_966 : i32 to vector<128x64xi32>
    %shift_right_logical3A_968 = arith.shrui %add3A_965, %shift_right_logical3A_967 : vector<128x64xi32>
    %or3A_969 = arith.ori %and3A_962, %shift_right_logical3A_968 : vector<128x64xi32>
    %slice3A_970 = vector.extract_strided_slice %bitcast_convert_type3A_954 {offsets = [256, 0], sizes = [128, 64], strides = [1, 1]} : vector<512x64xi32> to vector<128x64xi32>
    %slice3A_971 = vector.extract_strided_slice %bitcast_convert_type3A_954 {offsets = [384, 0], sizes = [128, 64], strides = [1, 1]} : vector<512x64xi32> to vector<128x64xi32>
    %add3A_972 = arith.constant 32768 : i32
    %add3A_973 = vector.broadcast %add3A_972 : i32 to vector<128x64xi32>
    %add3A_974 = arith.addi %slice3A_970, %add3A_973 : vector<128x64xi32>
    %and3A_975 = arith.constant -65536 : i32
    %and3A_976 = vector.broadcast %and3A_975 : i32 to vector<128x64xi32>
    %and3A_977 = arith.andi %add3A_974, %and3A_976 : vector<128x64xi32>
    %add3A_978 = arith.constant 32768 : i32
    %add3A_979 = vector.broadcast %add3A_978 : i32 to vector<128x64xi32>
    %add3A_980 = arith.addi %slice3A_971, %add3A_979 : vector<128x64xi32>
    %shift_right_logical3A_981 = arith.constant 16 : i32
    %shift_right_logical3A_982 = vector.broadcast %shift_right_logical3A_981 : i32 to vector<128x64xi32>
    %shift_right_logical3A_983 = arith.shrui %add3A_980, %shift_right_logical3A_982 : vector<128x64xi32>
    %or3A_984 = arith.ori %and3A_977, %shift_right_logical3A_983 : vector<128x64xi32>
    %concatenate3A_985 = tpu.concatenate %or3A_969, %or3A_984 in 1 : vector<128x64xi32>, vector<128x64xi32> -> vector<128x128xi32>
    %bitcast_convert_type3A_986 = tpu.bitcast %concatenate3A_985 : vector<128x128xi32> -> vector<128x128xf32>
    %swap3A_987 = arith.constant 3072 : index
    %swap3A_988 = arith.constant 0 : index
    %swap3A_989 = vector.load %arg2[%swap3A_987, %swap3A_988] : memref<8192x128xf32, #tpu.memory_space<vmem>>, vector<128x128xf32>
    tpu.vector_store %arg2[%swap3A_987, %swap3A_988], %bitcast_convert_type3A_986 {strides = array<i32>} : memref<8192x128xf32, #tpu.memory_space<vmem>>, vector<128x128xf32>,
    %get3A_990 = arith.constant 0 : index
    %get3A_991 = arith.constant 12800 : index
    %get3A_992 = vector.load %arg1[%get3A_990, %get3A_991] : memref<64x32768xf32, #tpu.memory_space<vmem>>, vector<64x512xf32>
    %transpose3A_993 = tpu.transpose %get3A_992, [1, 0] : vector<64x512xf32> -> vector<512x64xf32>
    %bitcast_convert_type3A_994 = tpu.bitcast %transpose3A_993 : vector<512x64xf32> -> vector<512x64xi32>
    %slice3A_995 = vector.extract_strided_slice %bitcast_convert_type3A_994 {offsets = [0, 0], sizes = [128, 64], strides = [1, 1]} : vector<512x64xi32> to vector<128x64xi32>
    %slice3A_996 = vector.extract_strided_slice %bitcast_convert_type3A_994 {offsets = [128, 0], sizes = [128, 64], strides = [1, 1]} : vector<512x64xi32> to vector<128x64xi32>
    %add3A_997 = arith.constant 32768 : i32
    %add3A_998 = vector.broadcast %add3A_997 : i32 to vector<128x64xi32>
    %add3A_999 = arith.addi %slice3A_995, %add3A_998 : vector<128x64xi32>
    %and3A_1000 = arith.constant -65536 : i32
    %and3A_1001 = vector.broadcast %and3A_1000 : i32 to vector<128x64xi32>
    %and3A_1002 = arith.andi %add3A_999, %and3A_1001 : vector<128x64xi32>
    %add3A_1003 = arith.constant 32768 : i32
    %add3A_1004 = vector.broadcast %add3A_1003 : i32 to vector<128x64xi32>
    %add3A_1005 = arith.addi %slice3A_996, %add3A_1004 : vector<128x64xi32>
    %shift_right_logical3A_1006 = arith.constant 16 : i32
    %shift_right_logical3A_1007 = vector.broadcast %shift_right_logical3A_1006 : i32 to vector<128x64xi32>
    %shift_right_logical3A_1008 = arith.shrui %add3A_1005, %shift_right_logical3A_1007 : vector<128x64xi32>
    %or3A_1009 = arith.ori %and3A_1002, %shift_right_logical3A_1008 : vector<128x64xi32>
    %slice3A_1010 = vector.extract_strided_slice %bitcast_convert_type3A_994 {offsets = [256, 0], sizes = [128, 64], strides = [1, 1]} : vector<512x64xi32> to vector<128x64xi32>
    %slice3A_1011 = vector.extract_strided_slice %bitcast_convert_type3A_994 {offsets = [384, 0], sizes = [128, 64], strides = [1, 1]} : vector<512x64xi32> to vector<128x64xi32>
    %add3A_1012 = arith.constant 32768 : i32
    %add3A_1013 = vector.broadcast %add3A_1012 : i32 to vector<128x64xi32>
    %add3A_1014 = arith.addi %slice3A_1010, %add3A_1013 : vector<128x64xi32>
    %and3A_1015 = arith.constant -65536 : i32
    %and3A_1016 = vector.broadcast %and3A_1015 : i32 to vector<128x64xi32>
    %and3A_1017 = arith.andi %add3A_1014, %and3A_1016 : vector<128x64xi32>
    %add3A_1018 = arith.constant 32768 : i32
    %add3A_1019 = vector.broadcast %add3A_1018 : i32 to vector<128x64xi32>
    %add3A_1020 = arith.addi %slice3A_1011, %add3A_1019 : vector<128x64xi32>
    %shift_right_logical3A_1021 = arith.constant 16 : i32
    %shift_right_logical3A_1022 = vector.broadcast %shift_right_logical3A_1021 : i32 to vector<128x64xi32>
    %shift_right_logical3A_1023 = arith.shrui %add3A_1020, %shift_right_logical3A_1022 : vector<128x64xi32>
    %or3A_1024 = arith.ori %and3A_1017, %shift_right_logical3A_1023 : vector<128x64xi32>
    %concatenate3A_1025 = tpu.concatenate %or3A_1009, %or3A_1024 in 1 : vector<128x64xi32>, vector<128x64xi32> -> vector<128x128xi32>
    %bitcast_convert_type3A_1026 = tpu.bitcast %concatenate3A_1025 : vector<128x128xi32> -> vector<128x128xf32>
    %swap3A_1027 = arith.constant 3200 : index
    %swap3A_1028 = arith.constant 0 : index
    %swap3A_1029 = vector.load %arg2[%swap3A_1027, %swap3A_1028] : memref<8192x128xf32, #tpu.memory_space<vmem>>, vector<128x128xf32>
    tpu.vector_store %arg2[%swap3A_1027, %swap3A_1028], %bitcast_convert_type3A_1026 {strides = array<i32>} : memref<8192x128xf32, #tpu.memory_space<vmem>>, vector<128x128xf32>,
    %get3A_1030 = arith.constant 0 : index
    %get3A_1031 = arith.constant 13312 : index
    %get3A_1032 = vector.load %arg1[%get3A_1030, %get3A_1031] : memref<64x32768xf32, #tpu.memory_space<vmem>>, vector<64x512xf32>
    %transpose3A_1033 = tpu.transpose %get3A_1032, [1, 0] : vector<64x512xf32> -> vector<512x64xf32>
    %bitcast_convert_type3A_1034 = tpu.bitcast %transpose3A_1033 : vector<512x64xf32> -> vector<512x64xi32>
    %slice3A_1035 = vector.extract_strided_slice %bitcast_convert_type3A_1034 {offsets = [0, 0], sizes = [128, 64], strides = [1, 1]} : vector<512x64xi32> to vector<128x64xi32>
    %slice3A_1036 = vector.extract_strided_slice %bitcast_convert_type3A_1034 {offsets = [128, 0], sizes = [128, 64], strides = [1, 1]} : vector<512x64xi32> to vector<128x64xi32>
    %add3A_1037 = arith.constant 32768 : i32
    %add3A_1038 = vector.broadcast %add3A_1037 : i32 to vector<128x64xi32>
    %add3A_1039 = arith.addi %slice3A_1035, %add3A_1038 : vector<128x64xi32>
    %and3A_1040 = arith.constant -65536 : i32
    %and3A_1041 = vector.broadcast %and3A_1040 : i32 to vector<128x64xi32>
    %and3A_1042 = arith.andi %add3A_1039, %and3A_1041 : vector<128x64xi32>
    %add3A_1043 = arith.constant 32768 : i32
    %add3A_1044 = vector.broadcast %add3A_1043 : i32 to vector<128x64xi32>
    %add3A_1045 = arith.addi %slice3A_1036, %add3A_1044 : vector<128x64xi32>
    %shift_right_logical3A_1046 = arith.constant 16 : i32
    %shift_right_logical3A_1047 = vector.broadcast %shift_right_logical3A_1046 : i32 to vector<128x64xi32>
    %shift_right_logical3A_1048 = arith.shrui %add3A_1045, %shift_right_logical3A_1047 : vector<128x64xi32>
    %or3A_1049 = arith.ori %and3A_1042, %shift_right_logical3A_1048 : vector<128x64xi32>
    %slice3A_1050 = vector.extract_strided_slice %bitcast_convert_type3A_1034 {offsets = [256, 0], sizes = [128, 64], strides = [1, 1]} : vector<512x64xi32> to vector<128x64xi32>
    %slice3A_1051 = vector.extract_strided_slice %bitcast_convert_type3A_1034 {offsets = [384, 0], sizes = [128, 64], strides = [1, 1]} : vector<512x64xi32> to vector<128x64xi32>
    %add3A_1052 = arith.constant 32768 : i32
    %add3A_1053 = vector.broadcast %add3A_1052 : i32 to vector<128x64xi32>
    %add3A_1054 = arith.addi %slice3A_1050, %add3A_1053 : vector<128x64xi32>
    %and3A_1055 = arith.constant -65536 : i32
    %and3A_1056 = vector.broadcast %and3A_1055 : i32 to vector<128x64xi32>
    %and3A_1057 = arith.andi %add3A_1054, %and3A_1056 : vector<128x64xi32>
    %add3A_1058 = arith.constant 32768 : i32
    %add3A_1059 = vector.broadcast %add3A_1058 : i32 to vector<128x64xi32>
    %add3A_1060 = arith.addi %slice3A_1051, %add3A_1059 : vector<128x64xi32>
    %shift_right_logical3A_1061 = arith.constant 16 : i32
    %shift_right_logical3A_1062 = vector.broadcast %shift_right_logical3A_1061 : i32 to vector<128x64xi32>
    %shift_right_logical3A_1063 = arith.shrui %add3A_1060, %shift_right_logical3A_1062 : vector<128x64xi32>
    %or3A_1064 = arith.ori %and3A_1057, %shift_right_logical3A_1063 : vector<128x64xi32>
    %concatenate3A_1065 = tpu.concatenate %or3A_1049, %or3A_1064 in 1 : vector<128x64xi32>, vector<128x64xi32> -> vector<128x128xi32>
    %bitcast_convert_type3A_1066 = tpu.bitcast %concatenate3A_1065 : vector<128x128xi32> -> vector<128x128xf32>
    %swap3A_1067 = arith.constant 3328 : index
    %swap3A_1068 = arith.constant 0 : index
    %swap3A_1069 = vector.load %arg2[%swap3A_1067, %swap3A_1068] : memref<8192x128xf32, #tpu.memory_space<vmem>>, vector<128x128xf32>
    tpu.vector_store %arg2[%swap3A_1067, %swap3A_1068], %bitcast_convert_type3A_1066 {strides = array<i32>} : memref<8192x128xf32, #tpu.memory_space<vmem>>, vector<128x128xf32>,
    %get3A_1070 = arith.constant 0 : index
    %get3A_1071 = arith.constant 13824 : index
    %get3A_1072 = vector.load %arg1[%get3A_1070, %get3A_1071] : memref<64x32768xf32, #tpu.memory_space<vmem>>, vector<64x512xf32>
    %transpose3A_1073 = tpu.transpose %get3A_1072, [1, 0] : vector<64x512xf32> -> vector<512x64xf32>
    %bitcast_convert_type3A_1074 = tpu.bitcast %transpose3A_1073 : vector<512x64xf32> -> vector<512x64xi32>
    %slice3A_1075 = vector.extract_strided_slice %bitcast_convert_type3A_1074 {offsets = [0, 0], sizes = [128, 64], strides = [1, 1]} : vector<512x64xi32> to vector<128x64xi32>
    %slice3A_1076 = vector.extract_strided_slice %bitcast_convert_type3A_1074 {offsets = [128, 0], sizes = [128, 64], strides = [1, 1]} : vector<512x64xi32> to vector<128x64xi32>
    %add3A_1077 = arith.constant 32768 : i32
    %add3A_1078 = vector.broadcast %add3A_1077 : i32 to vector<128x64xi32>
    %add3A_1079 = arith.addi %slice3A_1075, %add3A_1078 : vector<128x64xi32>
    %and3A_1080 = arith.constant -65536 : i32
    %and3A_1081 = vector.broadcast %and3A_1080 : i32 to vector<128x64xi32>
    %and3A_1082 = arith.andi %add3A_1079, %and3A_1081 : vector<128x64xi32>
    %add3A_1083 = arith.constant 32768 : i32
    %add3A_1084 = vector.broadcast %add3A_1083 : i32 to vector<128x64xi32>
    %add3A_1085 = arith.addi %slice3A_1076, %add3A_1084 : vector<128x64xi32>
    %shift_right_logical3A_1086 = arith.constant 16 : i32
    %shift_right_logical3A_1087 = vector.broadcast %shift_right_logical3A_1086 : i32 to vector<128x64xi32>
    %shift_right_logical3A_1088 = arith.shrui %add3A_1085, %shift_right_logical3A_1087 : vector<128x64xi32>
    %or3A_1089 = arith.ori %and3A_1082, %shift_right_logical3A_1088 : vector<128x64xi32>
    %slice3A_1090 = vector.extract_strided_slice %bitcast_convert_type3A_1074 {offsets = [256, 0], sizes = [128, 64], strides = [1, 1]} : vector<512x64xi32> to vector<128x64xi32>
    %slice3A_1091 = vector.extract_strided_slice %bitcast_convert_type3A_1074 {offsets = [384, 0], sizes = [128, 64], strides = [1, 1]} : vector<512x64xi32> to vector<128x64xi32>
    %add3A_1092 = arith.constant 32768 : i32
    %add3A_1093 = vector.broadcast %add3A_1092 : i32 to vector<128x64xi32>
    %add3A_1094 = arith.addi %slice3A_1090, %add3A_1093 : vector<128x64xi32>
    %and3A_1095 = arith.constant -65536 : i32
    %and3A_1096 = vector.broadcast %and3A_1095 : i32 to vector<128x64xi32>
    %and3A_1097 = arith.andi %add3A_1094, %and3A_1096 : vector<128x64xi32>
    %add3A_1098 = arith.constant 32768 : i32
    %add3A_1099 = vector.broadcast %add3A_1098 : i32 to vector<128x64xi32>
    %add3A_1100 = arith.addi %slice3A_1091, %add3A_1099 : vector<128x64xi32>
    %shift_right_logical3A_1101 = arith.constant 16 : i32
    %shift_right_logical3A_1102 = vector.broadcast %shift_right_logical3A_1101 : i32 to vector<128x64xi32>
    %shift_right_logical3A_1103 = arith.shrui %add3A_1100, %shift_right_logical3A_1102 : vector<128x64xi32>
    %or3A_1104 = arith.ori %and3A_1097, %shift_right_logical3A_1103 : vector<128x64xi32>
    %concatenate3A_1105 = tpu.concatenate %or3A_1089, %or3A_1104 in 1 : vector<128x64xi32>, vector<128x64xi32> -> vector<128x128xi32>
    %bitcast_convert_type3A_1106 = tpu.bitcast %concatenate3A_1105 : vector<128x128xi32> -> vector<128x128xf32>
    %swap3A_1107 = arith.constant 3456 : index
    %swap3A_1108 = arith.constant 0 : index
    %swap3A_1109 = vector.load %arg2[%swap3A_1107, %swap3A_1108] : memref<8192x128xf32, #tpu.memory_space<vmem>>, vector<128x128xf32>
    tpu.vector_store %arg2[%swap3A_1107, %swap3A_1108], %bitcast_convert_type3A_1106 {strides = array<i32>} : memref<8192x128xf32, #tpu.memory_space<vmem>>, vector<128x128xf32>,
    %get3A_1110 = arith.constant 0 : index
    %get3A_1111 = arith.constant 14336 : index
    %get3A_1112 = vector.load %arg1[%get3A_1110, %get3A_1111] : memref<64x32768xf32, #tpu.memory_space<vmem>>, vector<64x512xf32>
    %transpose3A_1113 = tpu.transpose %get3A_1112, [1, 0] : vector<64x512xf32> -> vector<512x64xf32>
    %bitcast_convert_type3A_1114 = tpu.bitcast %transpose3A_1113 : vector<512x64xf32> -> vector<512x64xi32>
    %slice3A_1115 = vector.extract_strided_slice %bitcast_convert_type3A_1114 {offsets = [0, 0], sizes = [128, 64], strides = [1, 1]} : vector<512x64xi32> to vector<128x64xi32>
    %slice3A_1116 = vector.extract_strided_slice %bitcast_convert_type3A_1114 {offsets = [128, 0], sizes = [128, 64], strides = [1, 1]} : vector<512x64xi32> to vector<128x64xi32>
    %add3A_1117 = arith.constant 32768 : i32
    %add3A_1118 = vector.broadcast %add3A_1117 : i32 to vector<128x64xi32>
    %add3A_1119 = arith.addi %slice3A_1115, %add3A_1118 : vector<128x64xi32>
    %and3A_1120 = arith.constant -65536 : i32
    %and3A_1121 = vector.broadcast %and3A_1120 : i32 to vector<128x64xi32>
    %and3A_1122 = arith.andi %add3A_1119, %and3A_1121 : vector<128x64xi32>
    %add3A_1123 = arith.constant 32768 : i32
    %add3A_1124 = vector.broadcast %add3A_1123 : i32 to vector<128x64xi32>
    %add3A_1125 = arith.addi %slice3A_1116, %add3A_1124 : vector<128x64xi32>
    %shift_right_logical3A_1126 = arith.constant 16 : i32
    %shift_right_logical3A_1127 = vector.broadcast %shift_right_logical3A_1126 : i32 to vector<128x64xi32>
    %shift_right_logical3A_1128 = arith.shrui %add3A_1125, %shift_right_logical3A_1127 : vector<128x64xi32>
    %or3A_1129 = arith.ori %and3A_1122, %shift_right_logical3A_1128 : vector<128x64xi32>
    %slice3A_1130 = vector.extract_strided_slice %bitcast_convert_type3A_1114 {offsets = [256, 0], sizes = [128, 64], strides = [1, 1]} : vector<512x64xi32> to vector<128x64xi32>
    %slice3A_1131 = vector.extract_strided_slice %bitcast_convert_type3A_1114 {offsets = [384, 0], sizes = [128, 64], strides = [1, 1]} : vector<512x64xi32> to vector<128x64xi32>
    %add3A_1132 = arith.constant 32768 : i32
    %add3A_1133 = vector.broadcast %add3A_1132 : i32 to vector<128x64xi32>
    %add3A_1134 = arith.addi %slice3A_1130, %add3A_1133 : vector<128x64xi32>
    %and3A_1135 = arith.constant -65536 : i32
    %and3A_1136 = vector.broadcast %and3A_1135 : i32 to vector<128x64xi32>
    %and3A_1137 = arith.andi %add3A_1134, %and3A_1136 : vector<128x64xi32>
    %add3A_1138 = arith.constant 32768 : i32
    %add3A_1139 = vector.broadcast %add3A_1138 : i32 to vector<128x64xi32>
    %add3A_1140 = arith.addi %slice3A_1131, %add3A_1139 : vector<128x64xi32>
    %shift_right_logical3A_1141 = arith.constant 16 : i32
    %shift_right_logical3A_1142 = vector.broadcast %shift_right_logical3A_1141 : i32 to vector<128x64xi32>
    %shift_right_logical3A_1143 = arith.shrui %add3A_1140, %shift_right_logical3A_1142 : vector<128x64xi32>
    %or3A_1144 = arith.ori %and3A_1137, %shift_right_logical3A_1143 : vector<128x64xi32>
    %concatenate3A_1145 = tpu.concatenate %or3A_1129, %or3A_1144 in 1 : vector<128x64xi32>, vector<128x64xi32> -> vector<128x128xi32>
    %bitcast_convert_type3A_1146 = tpu.bitcast %concatenate3A_1145 : vector<128x128xi32> -> vector<128x128xf32>
    %swap3A_1147 = arith.constant 3584 : index
    %swap3A_1148 = arith.constant 0 : index
    %swap3A_1149 = vector.load %arg2[%swap3A_1147, %swap3A_1148] : memref<8192x128xf32, #tpu.memory_space<vmem>>, vector<128x128xf32>
    tpu.vector_store %arg2[%swap3A_1147, %swap3A_1148], %bitcast_convert_type3A_1146 {strides = array<i32>} : memref<8192x128xf32, #tpu.memory_space<vmem>>, vector<128x128xf32>,
    %get3A_1150 = arith.constant 0 : index
    %get3A_1151 = arith.constant 14848 : index
    %get3A_1152 = vector.load %arg1[%get3A_1150, %get3A_1151] : memref<64x32768xf32, #tpu.memory_space<vmem>>, vector<64x512xf32>
    %transpose3A_1153 = tpu.transpose %get3A_1152, [1, 0] : vector<64x512xf32> -> vector<512x64xf32>
    %bitcast_convert_type3A_1154 = tpu.bitcast %transpose3A_1153 : vector<512x64xf32> -> vector<512x64xi32>
    %slice3A_1155 = vector.extract_strided_slice %bitcast_convert_type3A_1154 {offsets = [0, 0], sizes = [128, 64], strides = [1, 1]} : vector<512x64xi32> to vector<128x64xi32>
    %slice3A_1156 = vector.extract_strided_slice %bitcast_convert_type3A_1154 {offsets = [128, 0], sizes = [128, 64], strides = [1, 1]} : vector<512x64xi32> to vector<128x64xi32>
    %add3A_1157 = arith.constant 32768 : i32
    %add3A_1158 = vector.broadcast %add3A_1157 : i32 to vector<128x64xi32>
    %add3A_1159 = arith.addi %slice3A_1155, %add3A_1158 : vector<128x64xi32>
    %and3A_1160 = arith.constant -65536 : i32
    %and3A_1161 = vector.broadcast %and3A_1160 : i32 to vector<128x64xi32>
    %and3A_1162 = arith.andi %add3A_1159, %and3A_1161 : vector<128x64xi32>
    %add3A_1163 = arith.constant 32768 : i32
    %add3A_1164 = vector.broadcast %add3A_1163 : i32 to vector<128x64xi32>
    %add3A_1165 = arith.addi %slice3A_1156, %add3A_1164 : vector<128x64xi32>
    %shift_right_logical3A_1166 = arith.constant 16 : i32
    %shift_right_logical3A_1167 = vector.broadcast %shift_right_logical3A_1166 : i32 to vector<128x64xi32>
    %shift_right_logical3A_1168 = arith.shrui %add3A_1165, %shift_right_logical3A_1167 : vector<128x64xi32>
    %or3A_1169 = arith.ori %and3A_1162, %shift_right_logical3A_1168 : vector<128x64xi32>
    %slice3A_1170 = vector.extract_strided_slice %bitcast_convert_type3A_1154 {offsets = [256, 0], sizes = [128, 64], strides = [1, 1]} : vector<512x64xi32> to vector<128x64xi32>
    %slice3A_1171 = vector.extract_strided_slice %bitcast_convert_type3A_1154 {offsets = [384, 0], sizes = [128, 64], strides = [1, 1]} : vector<512x64xi32> to vector<128x64xi32>
    %add3A_1172 = arith.constant 32768 : i32
    %add3A_1173 = vector.broadcast %add3A_1172 : i32 to vector<128x64xi32>
    %add3A_1174 = arith.addi %slice3A_1170, %add3A_1173 : vector<128x64xi32>
    %and3A_1175 = arith.constant -65536 : i32
    %and3A_1176 = vector.broadcast %and3A_1175 : i32 to vector<128x64xi32>
    %and3A_1177 = arith.andi %add3A_1174, %and3A_1176 : vector<128x64xi32>
    %add3A_1178 = arith.constant 32768 : i32
    %add3A_1179 = vector.broadcast %add3A_1178 : i32 to vector<128x64xi32>
    %add3A_1180 = arith.addi %slice3A_1171, %add3A_1179 : vector<128x64xi32>
    %shift_right_logical3A_1181 = arith.constant 16 : i32
    %shift_right_logical3A_1182 = vector.broadcast %shift_right_logical3A_1181 : i32 to vector<128x64xi32>
    %shift_right_logical3A_1183 = arith.shrui %add3A_1180, %shift_right_logical3A_1182 : vector<128x64xi32>
    %or3A_1184 = arith.ori %and3A_1177, %shift_right_logical3A_1183 : vector<128x64xi32>
    %concatenate3A_1185 = tpu.concatenate %or3A_1169, %or3A_1184 in 1 : vector<128x64xi32>, vector<128x64xi32> -> vector<128x128xi32>
    %bitcast_convert_type3A_1186 = tpu.bitcast %concatenate3A_1185 : vector<128x128xi32> -> vector<128x128xf32>
    %swap3A_1187 = arith.constant 3712 : index
    %swap3A_1188 = arith.constant 0 : index
    %swap3A_1189 = vector.load %arg2[%swap3A_1187, %swap3A_1188] : memref<8192x128xf32, #tpu.memory_space<vmem>>, vector<128x128xf32>
    tpu.vector_store %arg2[%swap3A_1187, %swap3A_1188], %bitcast_convert_type3A_1186 {strides = array<i32>} : memref<8192x128xf32, #tpu.memory_space<vmem>>, vector<128x128xf32>,
    %get3A_1190 = arith.constant 0 : index
    %get3A_1191 = arith.constant 15360 : index
    %get3A_1192 = vector.load %arg1[%get3A_1190, %get3A_1191] : memref<64x32768xf32, #tpu.memory_space<vmem>>, vector<64x512xf32>
    %transpose3A_1193 = tpu.transpose %get3A_1192, [1, 0] : vector<64x512xf32> -> vector<512x64xf32>
    %bitcast_convert_type3A_1194 = tpu.bitcast %transpose3A_1193 : vector<512x64xf32> -> vector<512x64xi32>
    %slice3A_1195 = vector.extract_strided_slice %bitcast_convert_type3A_1194 {offsets = [0, 0], sizes = [128, 64], strides = [1, 1]} : vector<512x64xi32> to vector<128x64xi32>
    %slice3A_1196 = vector.extract_strided_slice %bitcast_convert_type3A_1194 {offsets = [128, 0], sizes = [128, 64], strides = [1, 1]} : vector<512x64xi32> to vector<128x64xi32>
    %add3A_1197 = arith.constant 32768 : i32
    %add3A_1198 = vector.broadcast %add3A_1197 : i32 to vector<128x64xi32>
    %add3A_1199 = arith.addi %slice3A_1195, %add3A_1198 : vector<128x64xi32>
    %and3A_1200 = arith.constant -65536 : i32
    %and3A_1201 = vector.broadcast %and3A_1200 : i32 to vector<128x64xi32>
    %and3A_1202 = arith.andi %add3A_1199, %and3A_1201 : vector<128x64xi32>
    %add3A_1203 = arith.constant 32768 : i32
    %add3A_1204 = vector.broadcast %add3A_1203 : i32 to vector<128x64xi32>
    %add3A_1205 = arith.addi %slice3A_1196, %add3A_1204 : vector<128x64xi32>
    %shift_right_logical3A_1206 = arith.constant 16 : i32
    %shift_right_logical3A_1207 = vector.broadcast %shift_right_logical3A_1206 : i32 to vector<128x64xi32>
    %shift_right_logical3A_1208 = arith.shrui %add3A_1205, %shift_right_logical3A_1207 : vector<128x64xi32>
    %or3A_1209 = arith.ori %and3A_1202, %shift_right_logical3A_1208 : vector<128x64xi32>
    %slice3A_1210 = vector.extract_strided_slice %bitcast_convert_type3A_1194 {offsets = [256, 0], sizes = [128, 64], strides = [1, 1]} : vector<512x64xi32> to vector<128x64xi32>
    %slice3A_1211 = vector.extract_strided_slice %bitcast_convert_type3A_1194 {offsets = [384, 0], sizes = [128, 64], strides = [1, 1]} : vector<512x64xi32> to vector<128x64xi32>
    %add3A_1212 = arith.constant 32768 : i32
    %add3A_1213 = vector.broadcast %add3A_1212 : i32 to vector<128x64xi32>
    %add3A_1214 = arith.addi %slice3A_1210, %add3A_1213 : vector<128x64xi32>
    %and3A_1215 = arith.constant -65536 : i32
    %and3A_1216 = vector.broadcast %and3A_1215 : i32 to vector<128x64xi32>
    %and3A_1217 = arith.andi %add3A_1214, %and3A_1216 : vector<128x64xi32>
    %add3A_1218 = arith.constant 32768 : i32
    %add3A_1219 = vector.broadcast %add3A_1218 : i32 to vector<128x64xi32>
    %add3A_1220 = arith.addi %slice3A_1211, %add3A_1219 : vector<128x64xi32>
    %shift_right_logical3A_1221 = arith.constant 16 : i32
    %shift_right_logical3A_1222 = vector.broadcast %shift_right_logical3A_1221 : i32 to vector<128x64xi32>
    %shift_right_logical3A_1223 = arith.shrui %add3A_1220, %shift_right_logical3A_1222 : vector<128x64xi32>
    %or3A_1224 = arith.ori %and3A_1217, %shift_right_logical3A_1223 : vector<128x64xi32>
    %concatenate3A_1225 = tpu.concatenate %or3A_1209, %or3A_1224 in 1 : vector<128x64xi32>, vector<128x64xi32> -> vector<128x128xi32>
    %bitcast_convert_type3A_1226 = tpu.bitcast %concatenate3A_1225 : vector<128x128xi32> -> vector<128x128xf32>
    %swap3A_1227 = arith.constant 3840 : index
    %swap3A_1228 = arith.constant 0 : index
    %swap3A_1229 = vector.load %arg2[%swap3A_1227, %swap3A_1228] : memref<8192x128xf32, #tpu.memory_space<vmem>>, vector<128x128xf32>
    tpu.vector_store %arg2[%swap3A_1227, %swap3A_1228], %bitcast_convert_type3A_1226 {strides = array<i32>} : memref<8192x128xf32, #tpu.memory_space<vmem>>, vector<128x128xf32>,
    %get3A_1230 = arith.constant 0 : index
    %get3A_1231 = arith.constant 15872 : index
    %get3A_1232 = vector.load %arg1[%get3A_1230, %get3A_1231] : memref<64x32768xf32, #tpu.memory_space<vmem>>, vector<64x512xf32>
    %transpose3A_1233 = tpu.transpose %get3A_1232, [1, 0] : vector<64x512xf32> -> vector<512x64xf32>
    %bitcast_convert_type3A_1234 = tpu.bitcast %transpose3A_1233 : vector<512x64xf32> -> vector<512x64xi32>
    %slice3A_1235 = vector.extract_strided_slice %bitcast_convert_type3A_1234 {offsets = [0, 0], sizes = [128, 64], strides = [1, 1]} : vector<512x64xi32> to vector<128x64xi32>
    %slice3A_1236 = vector.extract_strided_slice %bitcast_convert_type3A_1234 {offsets = [128, 0], sizes = [128, 64], strides = [1, 1]} : vector<512x64xi32> to vector<128x64xi32>
    %add3A_1237 = arith.constant 32768 : i32
    %add3A_1238 = vector.broadcast %add3A_1237 : i32 to vector<128x64xi32>
    %add3A_1239 = arith.addi %slice3A_1235, %add3A_1238 : vector<128x64xi32>
    %and3A_1240 = arith.constant -65536 : i32
    %and3A_1241 = vector.broadcast %and3A_1240 : i32 to vector<128x64xi32>
    %and3A_1242 = arith.andi %add3A_1239, %and3A_1241 : vector<128x64xi32>
    %add3A_1243 = arith.constant 32768 : i32
    %add3A_1244 = vector.broadcast %add3A_1243 : i32 to vector<128x64xi32>
    %add3A_1245 = arith.addi %slice3A_1236, %add3A_1244 : vector<128x64xi32>
    %shift_right_logical3A_1246 = arith.constant 16 : i32
    %shift_right_logical3A_1247 = vector.broadcast %shift_right_logical3A_1246 : i32 to vector<128x64xi32>
    %shift_right_logical3A_1248 = arith.shrui %add3A_1245, %shift_right_logical3A_1247 : vector<128x64xi32>
    %or3A_1249 = arith.ori %and3A_1242, %shift_right_logical3A_1248 : vector<128x64xi32>
    %slice3A_1250 = vector.extract_strided_slice %bitcast_convert_type3A_1234 {offsets = [256, 0], sizes = [128, 64], strides = [1, 1]} : vector<512x64xi32> to vector<128x64xi32>
    %slice3A_1251 = vector.extract_strided_slice %bitcast_convert_type3A_1234 {offsets = [384, 0], sizes = [128, 64], strides = [1, 1]} : vector<512x64xi32> to vector<128x64xi32>
    %add3A_1252 = arith.constant 32768 : i32
    %add3A_1253 = vector.broadcast %add3A_1252 : i32 to vector<128x64xi32>
    %add3A_1254 = arith.addi %slice3A_1250, %add3A_1253 : vector<128x64xi32>
    %and3A_1255 = arith.constant -65536 : i32
    %and3A_1256 = vector.broadcast %and3A_1255 : i32 to vector<128x64xi32>
    %and3A_1257 = arith.andi %add3A_1254, %and3A_1256 : vector<128x64xi32>
    %add3A_1258 = arith.constant 32768 : i32
    %add3A_1259 = vector.broadcast %add3A_1258 : i32 to vector<128x64xi32>
    %add3A_1260 = arith.addi %slice3A_1251, %add3A_1259 : vector<128x64xi32>
    %shift_right_logical3A_1261 = arith.constant 16 : i32
    %shift_right_logical3A_1262 = vector.broadcast %shift_right_logical3A_1261 : i32 to vector<128x64xi32>
    %shift_right_logical3A_1263 = arith.shrui %add3A_1260, %shift_right_logical3A_1262 : vector<128x64xi32>
    %or3A_1264 = arith.ori %and3A_1257, %shift_right_logical3A_1263 : vector<128x64xi32>
    %concatenate3A_1265 = tpu.concatenate %or3A_1249, %or3A_1264 in 1 : vector<128x64xi32>, vector<128x64xi32> -> vector<128x128xi32>
    %bitcast_convert_type3A_1266 = tpu.bitcast %concatenate3A_1265 : vector<128x128xi32> -> vector<128x128xf32>
    %swap3A_1267 = arith.constant 3968 : index
    %swap3A_1268 = arith.constant 0 : index
    %swap3A_1269 = vector.load %arg2[%swap3A_1267, %swap3A_1268] : memref<8192x128xf32, #tpu.memory_space<vmem>>, vector<128x128xf32>
    tpu.vector_store %arg2[%swap3A_1267, %swap3A_1268], %bitcast_convert_type3A_1266 {strides = array<i32>} : memref<8192x128xf32, #tpu.memory_space<vmem>>, vector<128x128xf32>,
    %get3A_1270 = arith.constant 0 : index
    %get3A_1271 = arith.constant 16384 : index
    %get3A_1272 = vector.load %arg1[%get3A_1270, %get3A_1271] : memref<64x32768xf32, #tpu.memory_space<vmem>>, vector<64x512xf32>
    %transpose3A_1273 = tpu.transpose %get3A_1272, [1, 0] : vector<64x512xf32> -> vector<512x64xf32>
    %bitcast_convert_type3A_1274 = tpu.bitcast %transpose3A_1273 : vector<512x64xf32> -> vector<512x64xi32>
    %slice3A_1275 = vector.extract_strided_slice %bitcast_convert_type3A_1274 {offsets = [0, 0], sizes = [128, 64], strides = [1, 1]} : vector<512x64xi32> to vector<128x64xi32>
    %slice3A_1276 = vector.extract_strided_slice %bitcast_convert_type3A_1274 {offsets = [128, 0], sizes = [128, 64], strides = [1, 1]} : vector<512x64xi32> to vector<128x64xi32>
    %add3A_1277 = arith.constant 32768 : i32
    %add3A_1278 = vector.broadcast %add3A_1277 : i32 to vector<128x64xi32>
    %add3A_1279 = arith.addi %slice3A_1275, %add3A_1278 : vector<128x64xi32>
    %and3A_1280 = arith.constant -65536 : i32
    %and3A_1281 = vector.broadcast %and3A_1280 : i32 to vector<128x64xi32>
    %and3A_1282 = arith.andi %add3A_1279, %and3A_1281 : vector<128x64xi32>
    %add3A_1283 = arith.constant 32768 : i32
    %add3A_1284 = vector.broadcast %add3A_1283 : i32 to vector<128x64xi32>
    %add3A_1285 = arith.addi %slice3A_1276, %add3A_1284 : vector<128x64xi32>
    %shift_right_logical3A_1286 = arith.constant 16 : i32
    %shift_right_logical3A_1287 = vector.broadcast %shift_right_logical3A_1286 : i32 to vector<128x64xi32>
    %shift_right_logical3A_1288 = arith.shrui %add3A_1285, %shift_right_logical3A_1287 : vector<128x64xi32>
    %or3A_1289 = arith.ori %and3A_1282, %shift_right_logical3A_1288 : vector<128x64xi32>
    %slice3A_1290 = vector.extract_strided_slice %bitcast_convert_type3A_1274 {offsets = [256, 0], sizes = [128, 64], strides = [1, 1]} : vector<512x64xi32> to vector<128x64xi32>
    %slice3A_1291 = vector.extract_strided_slice %bitcast_convert_type3A_1274 {offsets = [384, 0], sizes = [128, 64], strides = [1, 1]} : vector<512x64xi32> to vector<128x64xi32>
    %add3A_1292 = arith.constant 32768 : i32
    %add3A_1293 = vector.broadcast %add3A_1292 : i32 to vector<128x64xi32>
    %add3A_1294 = arith.addi %slice3A_1290, %add3A_1293 : vector<128x64xi32>
    %and3A_1295 = arith.constant -65536 : i32
    %and3A_1296 = vector.broadcast %and3A_1295 : i32 to vector<128x64xi32>
    %and3A_1297 = arith.andi %add3A_1294, %and3A_1296 : vector<128x64xi32>
    %add3A_1298 = arith.constant 32768 : i32
    %add3A_1299 = vector.broadcast %add3A_1298 : i32 to vector<128x64xi32>
    %add3A_1300 = arith.addi %slice3A_1291, %add3A_1299 : vector<128x64xi32>
    %shift_right_logical3A_1301 = arith.constant 16 : i32
    %shift_right_logical3A_1302 = vector.broadcast %shift_right_logical3A_1301 : i32 to vector<128x64xi32>
    %shift_right_logical3A_1303 = arith.shrui %add3A_1300, %shift_right_logical3A_1302 : vector<128x64xi32>
    %or3A_1304 = arith.ori %and3A_1297, %shift_right_logical3A_1303 : vector<128x64xi32>
    %concatenate3A_1305 = tpu.concatenate %or3A_1289, %or3A_1304 in 1 : vector<128x64xi32>, vector<128x64xi32> -> vector<128x128xi32>
    %bitcast_convert_type3A_1306 = tpu.bitcast %concatenate3A_1305 : vector<128x128xi32> -> vector<128x128xf32>
    %swap3A_1307 = arith.constant 4096 : index
    %swap3A_1308 = arith.constant 0 : index
    %swap3A_1309 = vector.load %arg2[%swap3A_1307, %swap3A_1308] : memref<8192x128xf32, #tpu.memory_space<vmem>>, vector<128x128xf32>
    tpu.vector_store %arg2[%swap3A_1307, %swap3A_1308], %bitcast_convert_type3A_1306 {strides = array<i32>} : memref<8192x128xf32, #tpu.memory_space<vmem>>, vector<128x128xf32>,
    %get3A_1310 = arith.constant 0 : index
    %get3A_1311 = arith.constant 16896 : index
    %get3A_1312 = vector.load %arg1[%get3A_1310, %get3A_1311] : memref<64x32768xf32, #tpu.memory_space<vmem>>, vector<64x512xf32>
    %transpose3A_1313 = tpu.transpose %get3A_1312, [1, 0] : vector<64x512xf32> -> vector<512x64xf32>
    %bitcast_convert_type3A_1314 = tpu.bitcast %transpose3A_1313 : vector<512x64xf32> -> vector<512x64xi32>
    %slice3A_1315 = vector.extract_strided_slice %bitcast_convert_type3A_1314 {offsets = [0, 0], sizes = [128, 64], strides = [1, 1]} : vector<512x64xi32> to vector<128x64xi32>
    %slice3A_1316 = vector.extract_strided_slice %bitcast_convert_type3A_1314 {offsets = [128, 0], sizes = [128, 64], strides = [1, 1]} : vector<512x64xi32> to vector<128x64xi32>
    %add3A_1317 = arith.constant 32768 : i32
    %add3A_1318 = vector.broadcast %add3A_1317 : i32 to vector<128x64xi32>
    %add3A_1319 = arith.addi %slice3A_1315, %add3A_1318 : vector<128x64xi32>
    %and3A_1320 = arith.constant -65536 : i32
    %and3A_1321 = vector.broadcast %and3A_1320 : i32 to vector<128x64xi32>
    %and3A_1322 = arith.andi %add3A_1319, %and3A_1321 : vector<128x64xi32>
    %add3A_1323 = arith.constant 32768 : i32
    %add3A_1324 = vector.broadcast %add3A_1323 : i32 to vector<128x64xi32>
    %add3A_1325 = arith.addi %slice3A_1316, %add3A_1324 : vector<128x64xi32>
    %shift_right_logical3A_1326 = arith.constant 16 : i32
    %shift_right_logical3A_1327 = vector.broadcast %shift_right_logical3A_1326 : i32 to vector<128x64xi32>
    %shift_right_logical3A_1328 = arith.shrui %add3A_1325, %shift_right_logical3A_1327 : vector<128x64xi32>
    %or3A_1329 = arith.ori %and3A_1322, %shift_right_logical3A_1328 : vector<128x64xi32>
    %slice3A_1330 = vector.extract_strided_slice %bitcast_convert_type3A_1314 {offsets = [256, 0], sizes = [128, 64], strides = [1, 1]} : vector<512x64xi32> to vector<128x64xi32>
    %slice3A_1331 = vector.extract_strided_slice %bitcast_convert_type3A_1314 {offsets = [384, 0], sizes = [128, 64], strides = [1, 1]} : vector<512x64xi32> to vector<128x64xi32>
    %add3A_1332 = arith.constant 32768 : i32
    %add3A_1333 = vector.broadcast %add3A_1332 : i32 to vector<128x64xi32>
    %add3A_1334 = arith.addi %slice3A_1330, %add3A_1333 : vector<128x64xi32>
    %and3A_1335 = arith.constant -65536 : i32
    %and3A_1336 = vector.broadcast %and3A_1335 : i32 to vector<128x64xi32>
    %and3A_1337 = arith.andi %add3A_1334, %and3A_1336 : vector<128x64xi32>
    %add3A_1338 = arith.constant 32768 : i32
    %add3A_1339 = vector.broadcast %add3A_1338 : i32 to vector<128x64xi32>
    %add3A_1340 = arith.addi %slice3A_1331, %add3A_1339 : vector<128x64xi32>
    %shift_right_logical3A_1341 = arith.constant 16 : i32
    %shift_right_logical3A_1342 = vector.broadcast %shift_right_logical3A_1341 : i32 to vector<128x64xi32>
    %shift_right_logical3A_1343 = arith.shrui %add3A_1340, %shift_right_logical3A_1342 : vector<128x64xi32>
    %or3A_1344 = arith.ori %and3A_1337, %shift_right_logical3A_1343 : vector<128x64xi32>
    %concatenate3A_1345 = tpu.concatenate %or3A_1329, %or3A_1344 in 1 : vector<128x64xi32>, vector<128x64xi32> -> vector<128x128xi32>
    %bitcast_convert_type3A_1346 = tpu.bitcast %concatenate3A_1345 : vector<128x128xi32> -> vector<128x128xf32>
    %swap3A_1347 = arith.constant 4224 : index
    %swap3A_1348 = arith.constant 0 : index
    %swap3A_1349 = vector.load %arg2[%swap3A_1347, %swap3A_1348] : memref<8192x128xf32, #tpu.memory_space<vmem>>, vector<128x128xf32>
    tpu.vector_store %arg2[%swap3A_1347, %swap3A_1348], %bitcast_convert_type3A_1346 {strides = array<i32>} : memref<8192x128xf32, #tpu.memory_space<vmem>>, vector<128x128xf32>,
    %get3A_1350 = arith.constant 0 : index
    %get3A_1351 = arith.constant 17408 : index
    %get3A_1352 = vector.load %arg1[%get3A_1350, %get3A_1351] : memref<64x32768xf32, #tpu.memory_space<vmem>>, vector<64x512xf32>
    %transpose3A_1353 = tpu.transpose %get3A_1352, [1, 0] : vector<64x512xf32> -> vector<512x64xf32>
    %bitcast_convert_type3A_1354 = tpu.bitcast %transpose3A_1353 : vector<512x64xf32> -> vector<512x64xi32>
    %slice3A_1355 = vector.extract_strided_slice %bitcast_convert_type3A_1354 {offsets = [0, 0], sizes = [128, 64], strides = [1, 1]} : vector<512x64xi32> to vector<128x64xi32>
    %slice3A_1356 = vector.extract_strided_slice %bitcast_convert_type3A_1354 {offsets = [128, 0], sizes = [128, 64], strides = [1, 1]} : vector<512x64xi32> to vector<128x64xi32>
    %add3A_1357 = arith.constant 32768 : i32
    %add3A_1358 = vector.broadcast %add3A_1357 : i32 to vector<128x64xi32>
    %add3A_1359 = arith.addi %slice3A_1355, %add3A_1358 : vector<128x64xi32>
    %and3A_1360 = arith.constant -65536 : i32
    %and3A_1361 = vector.broadcast %and3A_1360 : i32 to vector<128x64xi32>
    %and3A_1362 = arith.andi %add3A_1359, %and3A_1361 : vector<128x64xi32>
    %add3A_1363 = arith.constant 32768 : i32
    %add3A_1364 = vector.broadcast %add3A_1363 : i32 to vector<128x64xi32>
    %add3A_1365 = arith.addi %slice3A_1356, %add3A_1364 : vector<128x64xi32>
    %shift_right_logical3A_1366 = arith.constant 16 : i32
    %shift_right_logical3A_1367 = vector.broadcast %shift_right_logical3A_1366 : i32 to vector<128x64xi32>
    %shift_right_logical3A_1368 = arith.shrui %add3A_1365, %shift_right_logical3A_1367 : vector<128x64xi32>
    %or3A_1369 = arith.ori %and3A_1362, %shift_right_logical3A_1368 : vector<128x64xi32>
    %slice3A_1370 = vector.extract_strided_slice %bitcast_convert_type3A_1354 {offsets = [256, 0], sizes = [128, 64], strides = [1, 1]} : vector<512x64xi32> to vector<128x64xi32>
    %slice3A_1371 = vector.extract_strided_slice %bitcast_convert_type3A_1354 {offsets = [384, 0], sizes = [128, 64], strides = [1, 1]} : vector<512x64xi32> to vector<128x64xi32>
    %add3A_1372 = arith.constant 32768 : i32
    %add3A_1373 = vector.broadcast %add3A_1372 : i32 to vector<128x64xi32>
    %add3A_1374 = arith.addi %slice3A_1370, %add3A_1373 : vector<128x64xi32>
    %and3A_1375 = arith.constant -65536 : i32
    %and3A_1376 = vector.broadcast %and3A_1375 : i32 to vector<128x64xi32>
    %and3A_1377 = arith.andi %add3A_1374, %and3A_1376 : vector<128x64xi32>
    %add3A_1378 = arith.constant 32768 : i32
    %add3A_1379 = vector.broadcast %add3A_1378 : i32 to vector<128x64xi32>
    %add3A_1380 = arith.addi %slice3A_1371, %add3A_1379 : vector<128x64xi32>
    %shift_right_logical3A_1381 = arith.constant 16 : i32
    %shift_right_logical3A_1382 = vector.broadcast %shift_right_logical3A_1381 : i32 to vector<128x64xi32>
    %shift_right_logical3A_1383 = arith.shrui %add3A_1380, %shift_right_logical3A_1382 : vector<128x64xi32>
    %or3A_1384 = arith.ori %and3A_1377, %shift_right_logical3A_1383 : vector<128x64xi32>
    %concatenate3A_1385 = tpu.concatenate %or3A_1369, %or3A_1384 in 1 : vector<128x64xi32>, vector<128x64xi32> -> vector<128x128xi32>
    %bitcast_convert_type3A_1386 = tpu.bitcast %concatenate3A_1385 : vector<128x128xi32> -> vector<128x128xf32>
    %swap3A_1387 = arith.constant 4352 : index
    %swap3A_1388 = arith.constant 0 : index
    %swap3A_1389 = vector.load %arg2[%swap3A_1387, %swap3A_1388] : memref<8192x128xf32, #tpu.memory_space<vmem>>, vector<128x128xf32>
    tpu.vector_store %arg2[%swap3A_1387, %swap3A_1388], %bitcast_convert_type3A_1386 {strides = array<i32>} : memref<8192x128xf32, #tpu.memory_space<vmem>>, vector<128x128xf32>,
    %get3A_1390 = arith.constant 0 : index
    %get3A_1391 = arith.constant 17920 : index
    %get3A_1392 = vector.load %arg1[%get3A_1390, %get3A_1391] : memref<64x32768xf32, #tpu.memory_space<vmem>>, vector<64x512xf32>
    %transpose3A_1393 = tpu.transpose %get3A_1392, [1, 0] : vector<64x512xf32> -> vector<512x64xf32>
    %bitcast_convert_type3A_1394 = tpu.bitcast %transpose3A_1393 : vector<512x64xf32> -> vector<512x64xi32>
    %slice3A_1395 = vector.extract_strided_slice %bitcast_convert_type3A_1394 {offsets = [0, 0], sizes = [128, 64], strides = [1, 1]} : vector<512x64xi32> to vector<128x64xi32>
    %slice3A_1396 = vector.extract_strided_slice %bitcast_convert_type3A_1394 {offsets = [128, 0], sizes = [128, 64], strides = [1, 1]} : vector<512x64xi32> to vector<128x64xi32>
    %add3A_1397 = arith.constant 32768 : i32
    %add3A_1398 = vector.broadcast %add3A_1397 : i32 to vector<128x64xi32>
    %add3A_1399 = arith.addi %slice3A_1395, %add3A_1398 : vector<128x64xi32>
    %and3A_1400 = arith.constant -65536 : i32
    %and3A_1401 = vector.broadcast %and3A_1400 : i32 to vector<128x64xi32>
    %and3A_1402 = arith.andi %add3A_1399, %and3A_1401 : vector<128x64xi32>
    %add3A_1403 = arith.constant 32768 : i32
    %add3A_1404 = vector.broadcast %add3A_1403 : i32 to vector<128x64xi32>
    %add3A_1405 = arith.addi %slice3A_1396, %add3A_1404 : vector<128x64xi32>
    %shift_right_logical3A_1406 = arith.constant 16 : i32
    %shift_right_logical3A_1407 = vector.broadcast %shift_right_logical3A_1406 : i32 to vector<128x64xi32>
    %shift_right_logical3A_1408 = arith.shrui %add3A_1405, %shift_right_logical3A_1407 : vector<128x64xi32>
    %or3A_1409 = arith.ori %and3A_1402, %shift_right_logical3A_1408 : vector<128x64xi32>
    %slice3A_1410 = vector.extract_strided_slice %bitcast_convert_type3A_1394 {offsets = [256, 0], sizes = [128, 64], strides = [1, 1]} : vector<512x64xi32> to vector<128x64xi32>
    %slice3A_1411 = vector.extract_strided_slice %bitcast_convert_type3A_1394 {offsets = [384, 0], sizes = [128, 64], strides = [1, 1]} : vector<512x64xi32> to vector<128x64xi32>
    %add3A_1412 = arith.constant 32768 : i32
    %add3A_1413 = vector.broadcast %add3A_1412 : i32 to vector<128x64xi32>
    %add3A_1414 = arith.addi %slice3A_1410, %add3A_1413 : vector<128x64xi32>
    %and3A_1415 = arith.constant -65536 : i32
    %and3A_1416 = vector.broadcast %and3A_1415 : i32 to vector<128x64xi32>
    %and3A_1417 = arith.andi %add3A_1414, %and3A_1416 : vector<128x64xi32>
    %add3A_1418 = arith.constant 32768 : i32
    %add3A_1419 = vector.broadcast %add3A_1418 : i32 to vector<128x64xi32>
    %add3A_1420 = arith.addi %slice3A_1411, %add3A_1419 : vector<128x64xi32>
    %shift_right_logical3A_1421 = arith.constant 16 : i32
    %shift_right_logical3A_1422 = vector.broadcast %shift_right_logical3A_1421 : i32 to vector<128x64xi32>
    %shift_right_logical3A_1423 = arith.shrui %add3A_1420, %shift_right_logical3A_1422 : vector<128x64xi32>
    %or3A_1424 = arith.ori %and3A_1417, %shift_right_logical3A_1423 : vector<128x64xi32>
    %concatenate3A_1425 = tpu.concatenate %or3A_1409, %or3A_1424 in 1 : vector<128x64xi32>, vector<128x64xi32> -> vector<128x128xi32>
    %bitcast_convert_type3A_1426 = tpu.bitcast %concatenate3A_1425 : vector<128x128xi32> -> vector<128x128xf32>
    %swap3A_1427 = arith.constant 4480 : index
    %swap3A_1428 = arith.constant 0 : index
    %swap3A_1429 = vector.load %arg2[%swap3A_1427, %swap3A_1428] : memref<8192x128xf32, #tpu.memory_space<vmem>>, vector<128x128xf32>
    tpu.vector_store %arg2[%swap3A_1427, %swap3A_1428], %bitcast_convert_type3A_1426 {strides = array<i32>} : memref<8192x128xf32, #tpu.memory_space<vmem>>, vector<128x128xf32>,
    %get3A_1430 = arith.constant 0 : index
    %get3A_1431 = arith.constant 18432 : index
    %get3A_1432 = vector.load %arg1[%get3A_1430, %get3A_1431] : memref<64x32768xf32, #tpu.memory_space<vmem>>, vector<64x512xf32>
    %transpose3A_1433 = tpu.transpose %get3A_1432, [1, 0] : vector<64x512xf32> -> vector<512x64xf32>
    %bitcast_convert_type3A_1434 = tpu.bitcast %transpose3A_1433 : vector<512x64xf32> -> vector<512x64xi32>
    %slice3A_1435 = vector.extract_strided_slice %bitcast_convert_type3A_1434 {offsets = [0, 0], sizes = [128, 64], strides = [1, 1]} : vector<512x64xi32> to vector<128x64xi32>
    %slice3A_1436 = vector.extract_strided_slice %bitcast_convert_type3A_1434 {offsets = [128, 0], sizes = [128, 64], strides = [1, 1]} : vector<512x64xi32> to vector<128x64xi32>
    %add3A_1437 = arith.constant 32768 : i32
    %add3A_1438 = vector.broadcast %add3A_1437 : i32 to vector<128x64xi32>
    %add3A_1439 = arith.addi %slice3A_1435, %add3A_1438 : vector<128x64xi32>
    %and3A_1440 = arith.constant -65536 : i32
    %and3A_1441 = vector.broadcast %and3A_1440 : i32 to vector<128x64xi32>
    %and3A_1442 = arith.andi %add3A_1439, %and3A_1441 : vector<128x64xi32>
    %add3A_1443 = arith.constant 32768 : i32
    %add3A_1444 = vector.broadcast %add3A_1443 : i32 to vector<128x64xi32>
    %add3A_1445 = arith.addi %slice3A_1436, %add3A_1444 : vector<128x64xi32>
    %shift_right_logical3A_1446 = arith.constant 16 : i32
    %shift_right_logical3A_1447 = vector.broadcast %shift_right_logical3A_1446 : i32 to vector<128x64xi32>
    %shift_right_logical3A_1448 = arith.shrui %add3A_1445, %shift_right_logical3A_1447 : vector<128x64xi32>
    %or3A_1449 = arith.ori %and3A_1442, %shift_right_logical3A_1448 : vector<128x64xi32>
    %slice3A_1450 = vector.extract_strided_slice %bitcast_convert_type3A_1434 {offsets = [256, 0], sizes = [128, 64], strides = [1, 1]} : vector<512x64xi32> to vector<128x64xi32>
    %slice3A_1451 = vector.extract_strided_slice %bitcast_convert_type3A_1434 {offsets = [384, 0], sizes = [128, 64], strides = [1, 1]} : vector<512x64xi32> to vector<128x64xi32>
    %add3A_1452 = arith.constant 32768 : i32
    %add3A_1453 = vector.broadcast %add3A_1452 : i32 to vector<128x64xi32>
    %add3A_1454 = arith.addi %slice3A_1450, %add3A_1453 : vector<128x64xi32>
    %and3A_1455 = arith.constant -65536 : i32
    %and3A_1456 = vector.broadcast %and3A_1455 : i32 to vector<128x64xi32>
    %and3A_1457 = arith.andi %add3A_1454, %and3A_1456 : vector<128x64xi32>
    %add3A_1458 = arith.constant 32768 : i32
    %add3A_1459 = vector.broadcast %add3A_1458 : i32 to vector<128x64xi32>
    %add3A_1460 = arith.addi %slice3A_1451, %add3A_1459 : vector<128x64xi32>
    %shift_right_logical3A_1461 = arith.constant 16 : i32
    %shift_right_logical3A_1462 = vector.broadcast %shift_right_logical3A_1461 : i32 to vector<128x64xi32>
    %shift_right_logical3A_1463 = arith.shrui %add3A_1460, %shift_right_logical3A_1462 : vector<128x64xi32>
    %or3A_1464 = arith.ori %and3A_1457, %shift_right_logical3A_1463 : vector<128x64xi32>
    %concatenate3A_1465 = tpu.concatenate %or3A_1449, %or3A_1464 in 1 : vector<128x64xi32>, vector<128x64xi32> -> vector<128x128xi32>
    %bitcast_convert_type3A_1466 = tpu.bitcast %concatenate3A_1465 : vector<128x128xi32> -> vector<128x128xf32>
    %swap3A_1467 = arith.constant 4608 : index
    %swap3A_1468 = arith.constant 0 : index
    %swap3A_1469 = vector.load %arg2[%swap3A_1467, %swap3A_1468] : memref<8192x128xf32, #tpu.memory_space<vmem>>, vector<128x128xf32>
    tpu.vector_store %arg2[%swap3A_1467, %swap3A_1468], %bitcast_convert_type3A_1466 {strides = array<i32>} : memref<8192x128xf32, #tpu.memory_space<vmem>>, vector<128x128xf32>,
    %get3A_1470 = arith.constant 0 : index
    %get3A_1471 = arith.constant 18944 : index
    %get3A_1472 = vector.load %arg1[%get3A_1470, %get3A_1471] : memref<64x32768xf32, #tpu.memory_space<vmem>>, vector<64x512xf32>
    %transpose3A_1473 = tpu.transpose %get3A_1472, [1, 0] : vector<64x512xf32> -> vector<512x64xf32>
    %bitcast_convert_type3A_1474 = tpu.bitcast %transpose3A_1473 : vector<512x64xf32> -> vector<512x64xi32>
    %slice3A_1475 = vector.extract_strided_slice %bitcast_convert_type3A_1474 {offsets = [0, 0], sizes = [128, 64], strides = [1, 1]} : vector<512x64xi32> to vector<128x64xi32>
    %slice3A_1476 = vector.extract_strided_slice %bitcast_convert_type3A_1474 {offsets = [128, 0], sizes = [128, 64], strides = [1, 1]} : vector<512x64xi32> to vector<128x64xi32>
    %add3A_1477 = arith.constant 32768 : i32
    %add3A_1478 = vector.broadcast %add3A_1477 : i32 to vector<128x64xi32>
    %add3A_1479 = arith.addi %slice3A_1475, %add3A_1478 : vector<128x64xi32>
    %and3A_1480 = arith.constant -65536 : i32
    %and3A_1481 = vector.broadcast %and3A_1480 : i32 to vector<128x64xi32>
    %and3A_1482 = arith.andi %add3A_1479, %and3A_1481 : vector<128x64xi32>
    %add3A_1483 = arith.constant 32768 : i32
    %add3A_1484 = vector.broadcast %add3A_1483 : i32 to vector<128x64xi32>
    %add3A_1485 = arith.addi %slice3A_1476, %add3A_1484 : vector<128x64xi32>
    %shift_right_logical3A_1486 = arith.constant 16 : i32
    %shift_right_logical3A_1487 = vector.broadcast %shift_right_logical3A_1486 : i32 to vector<128x64xi32>
    %shift_right_logical3A_1488 = arith.shrui %add3A_1485, %shift_right_logical3A_1487 : vector<128x64xi32>
    %or3A_1489 = arith.ori %and3A_1482, %shift_right_logical3A_1488 : vector<128x64xi32>
    %slice3A_1490 = vector.extract_strided_slice %bitcast_convert_type3A_1474 {offsets = [256, 0], sizes = [128, 64], strides = [1, 1]} : vector<512x64xi32> to vector<128x64xi32>
    %slice3A_1491 = vector.extract_strided_slice %bitcast_convert_type3A_1474 {offsets = [384, 0], sizes = [128, 64], strides = [1, 1]} : vector<512x64xi32> to vector<128x64xi32>
    %add3A_1492 = arith.constant 32768 : i32
    %add3A_1493 = vector.broadcast %add3A_1492 : i32 to vector<128x64xi32>
    %add3A_1494 = arith.addi %slice3A_1490, %add3A_1493 : vector<128x64xi32>
    %and3A_1495 = arith.constant -65536 : i32
    %and3A_1496 = vector.broadcast %and3A_1495 : i32 to vector<128x64xi32>
    %and3A_1497 = arith.andi %add3A_1494, %and3A_1496 : vector<128x64xi32>
    %add3A_1498 = arith.constant 32768 : i32
    %add3A_1499 = vector.broadcast %add3A_1498 : i32 to vector<128x64xi32>
    %add3A_1500 = arith.addi %slice3A_1491, %add3A_1499 : vector<128x64xi32>
    %shift_right_logical3A_1501 = arith.constant 16 : i32
    %shift_right_logical3A_1502 = vector.broadcast %shift_right_logical3A_1501 : i32 to vector<128x64xi32>
    %shift_right_logical3A_1503 = arith.shrui %add3A_1500, %shift_right_logical3A_1502 : vector<128x64xi32>
    %or3A_1504 = arith.ori %and3A_1497, %shift_right_logical3A_1503 : vector<128x64xi32>
    %concatenate3A_1505 = tpu.concatenate %or3A_1489, %or3A_1504 in 1 : vector<128x64xi32>, vector<128x64xi32> -> vector<128x128xi32>
    %bitcast_convert_type3A_1506 = tpu.bitcast %concatenate3A_1505 : vector<128x128xi32> -> vector<128x128xf32>
    %swap3A_1507 = arith.constant 4736 : index
    %swap3A_1508 = arith.constant 0 : index
    %swap3A_1509 = vector.load %arg2[%swap3A_1507, %swap3A_1508] : memref<8192x128xf32, #tpu.memory_space<vmem>>, vector<128x128xf32>
    tpu.vector_store %arg2[%swap3A_1507, %swap3A_1508], %bitcast_convert_type3A_1506 {strides = array<i32>} : memref<8192x128xf32, #tpu.memory_space<vmem>>, vector<128x128xf32>,
    %get3A_1510 = arith.constant 0 : index
    %get3A_1511 = arith.constant 19456 : index
    %get3A_1512 = vector.load %arg1[%get3A_1510, %get3A_1511] : memref<64x32768xf32, #tpu.memory_space<vmem>>, vector<64x512xf32>
    %transpose3A_1513 = tpu.transpose %get3A_1512, [1, 0] : vector<64x512xf32> -> vector<512x64xf32>
    %bitcast_convert_type3A_1514 = tpu.bitcast %transpose3A_1513 : vector<512x64xf32> -> vector<512x64xi32>
    %slice3A_1515 = vector.extract_strided_slice %bitcast_convert_type3A_1514 {offsets = [0, 0], sizes = [128, 64], strides = [1, 1]} : vector<512x64xi32> to vector<128x64xi32>
    %slice3A_1516 = vector.extract_strided_slice %bitcast_convert_type3A_1514 {offsets = [128, 0], sizes = [128, 64], strides = [1, 1]} : vector<512x64xi32> to vector<128x64xi32>
    %add3A_1517 = arith.constant 32768 : i32
    %add3A_1518 = vector.broadcast %add3A_1517 : i32 to vector<128x64xi32>
    %add3A_1519 = arith.addi %slice3A_1515, %add3A_1518 : vector<128x64xi32>
    %and3A_1520 = arith.constant -65536 : i32
    %and3A_1521 = vector.broadcast %and3A_1520 : i32 to vector<128x64xi32>
    %and3A_1522 = arith.andi %add3A_1519, %and3A_1521 : vector<128x64xi32>
    %add3A_1523 = arith.constant 32768 : i32
    %add3A_1524 = vector.broadcast %add3A_1523 : i32 to vector<128x64xi32>
    %add3A_1525 = arith.addi %slice3A_1516, %add3A_1524 : vector<128x64xi32>
    %shift_right_logical3A_1526 = arith.constant 16 : i32
    %shift_right_logical3A_1527 = vector.broadcast %shift_right_logical3A_1526 : i32 to vector<128x64xi32>
    %shift_right_logical3A_1528 = arith.shrui %add3A_1525, %shift_right_logical3A_1527 : vector<128x64xi32>
    %or3A_1529 = arith.ori %and3A_1522, %shift_right_logical3A_1528 : vector<128x64xi32>
    %slice3A_1530 = vector.extract_strided_slice %bitcast_convert_type3A_1514 {offsets = [256, 0], sizes = [128, 64], strides = [1, 1]} : vector<512x64xi32> to vector<128x64xi32>
    %slice3A_1531 = vector.extract_strided_slice %bitcast_convert_type3A_1514 {offsets = [384, 0], sizes = [128, 64], strides = [1, 1]} : vector<512x64xi32> to vector<128x64xi32>
    %add3A_1532 = arith.constant 32768 : i32
    %add3A_1533 = vector.broadcast %add3A_1532 : i32 to vector<128x64xi32>
    %add3A_1534 = arith.addi %slice3A_1530, %add3A_1533 : vector<128x64xi32>
    %and3A_1535 = arith.constant -65536 : i32
    %and3A_1536 = vector.broadcast %and3A_1535 : i32 to vector<128x64xi32>
    %and3A_1537 = arith.andi %add3A_1534, %and3A_1536 : vector<128x64xi32>
    %add3A_1538 = arith.constant 32768 : i32
    %add3A_1539 = vector.broadcast %add3A_1538 : i32 to vector<128x64xi32>
    %add3A_1540 = arith.addi %slice3A_1531, %add3A_1539 : vector<128x64xi32>
    %shift_right_logical3A_1541 = arith.constant 16 : i32
    %shift_right_logical3A_1542 = vector.broadcast %shift_right_logical3A_1541 : i32 to vector<128x64xi32>
    %shift_right_logical3A_1543 = arith.shrui %add3A_1540, %shift_right_logical3A_1542 : vector<128x64xi32>
    %or3A_1544 = arith.ori %and3A_1537, %shift_right_logical3A_1543 : vector<128x64xi32>
    %concatenate3A_1545 = tpu.concatenate %or3A_1529, %or3A_1544 in 1 : vector<128x64xi32>, vector<128x64xi32> -> vector<128x128xi32>
    %bitcast_convert_type3A_1546 = tpu.bitcast %concatenate3A_1545 : vector<128x128xi32> -> vector<128x128xf32>
    %swap3A_1547 = arith.constant 4864 : index
    %swap3A_1548 = arith.constant 0 : index
    %swap3A_1549 = vector.load %arg2[%swap3A_1547, %swap3A_1548] : memref<8192x128xf32, #tpu.memory_space<vmem>>, vector<128x128xf32>
    tpu.vector_store %arg2[%swap3A_1547, %swap3A_1548], %bitcast_convert_type3A_1546 {strides = array<i32>} : memref<8192x128xf32, #tpu.memory_space<vmem>>, vector<128x128xf32>,
    %get3A_1550 = arith.constant 0 : index
    %get3A_1551 = arith.constant 19968 : index
    %get3A_1552 = vector.load %arg1[%get3A_1550, %get3A_1551] : memref<64x32768xf32, #tpu.memory_space<vmem>>, vector<64x512xf32>
    %transpose3A_1553 = tpu.transpose %get3A_1552, [1, 0] : vector<64x512xf32> -> vector<512x64xf32>
    %bitcast_convert_type3A_1554 = tpu.bitcast %transpose3A_1553 : vector<512x64xf32> -> vector<512x64xi32>
    %slice3A_1555 = vector.extract_strided_slice %bitcast_convert_type3A_1554 {offsets = [0, 0], sizes = [128, 64], strides = [1, 1]} : vector<512x64xi32> to vector<128x64xi32>
    %slice3A_1556 = vector.extract_strided_slice %bitcast_convert_type3A_1554 {offsets = [128, 0], sizes = [128, 64], strides = [1, 1]} : vector<512x64xi32> to vector<128x64xi32>
    %add3A_1557 = arith.constant 32768 : i32
    %add3A_1558 = vector.broadcast %add3A_1557 : i32 to vector<128x64xi32>
    %add3A_1559 = arith.addi %slice3A_1555, %add3A_1558 : vector<128x64xi32>
    %and3A_1560 = arith.constant -65536 : i32
    %and3A_1561 = vector.broadcast %and3A_1560 : i32 to vector<128x64xi32>
    %and3A_1562 = arith.andi %add3A_1559, %and3A_1561 : vector<128x64xi32>
    %add3A_1563 = arith.constant 32768 : i32
    %add3A_1564 = vector.broadcast %add3A_1563 : i32 to vector<128x64xi32>
    %add3A_1565 = arith.addi %slice3A_1556, %add3A_1564 : vector<128x64xi32>
    %shift_right_logical3A_1566 = arith.constant 16 : i32
    %shift_right_logical3A_1567 = vector.broadcast %shift_right_logical3A_1566 : i32 to vector<128x64xi32>
    %shift_right_logical3A_1568 = arith.shrui %add3A_1565, %shift_right_logical3A_1567 : vector<128x64xi32>
    %or3A_1569 = arith.ori %and3A_1562, %shift_right_logical3A_1568 : vector<128x64xi32>
    %slice3A_1570 = vector.extract_strided_slice %bitcast_convert_type3A_1554 {offsets = [256, 0], sizes = [128, 64], strides = [1, 1]} : vector<512x64xi32> to vector<128x64xi32>
    %slice3A_1571 = vector.extract_strided_slice %bitcast_convert_type3A_1554 {offsets = [384, 0], sizes = [128, 64], strides = [1, 1]} : vector<512x64xi32> to vector<128x64xi32>
    %add3A_1572 = arith.constant 32768 : i32
    %add3A_1573 = vector.broadcast %add3A_1572 : i32 to vector<128x64xi32>
    %add3A_1574 = arith.addi %slice3A_1570, %add3A_1573 : vector<128x64xi32>
    %and3A_1575 = arith.constant -65536 : i32
    %and3A_1576 = vector.broadcast %and3A_1575 : i32 to vector<128x64xi32>
    %and3A_1577 = arith.andi %add3A_1574, %and3A_1576 : vector<128x64xi32>
    %add3A_1578 = arith.constant 32768 : i32
    %add3A_1579 = vector.broadcast %add3A_1578 : i32 to vector<128x64xi32>
    %add3A_1580 = arith.addi %slice3A_1571, %add3A_1579 : vector<128x64xi32>
    %shift_right_logical3A_1581 = arith.constant 16 : i32
    %shift_right_logical3A_1582 = vector.broadcast %shift_right_logical3A_1581 : i32 to vector<128x64xi32>
    %shift_right_logical3A_1583 = arith.shrui %add3A_1580, %shift_right_logical3A_1582 : vector<128x64xi32>
    %or3A_1584 = arith.ori %and3A_1577, %shift_right_logical3A_1583 : vector<128x64xi32>
    %concatenate3A_1585 = tpu.concatenate %or3A_1569, %or3A_1584 in 1 : vector<128x64xi32>, vector<128x64xi32> -> vector<128x128xi32>
    %bitcast_convert_type3A_1586 = tpu.bitcast %concatenate3A_1585 : vector<128x128xi32> -> vector<128x128xf32>
    %swap3A_1587 = arith.constant 4992 : index
    %swap3A_1588 = arith.constant 0 : index
    %swap3A_1589 = vector.load %arg2[%swap3A_1587, %swap3A_1588] : memref<8192x128xf32, #tpu.memory_space<vmem>>, vector<128x128xf32>
    tpu.vector_store %arg2[%swap3A_1587, %swap3A_1588], %bitcast_convert_type3A_1586 {strides = array<i32>} : memref<8192x128xf32, #tpu.memory_space<vmem>>, vector<128x128xf32>,
    %get3A_1590 = arith.constant 0 : index
    %get3A_1591 = arith.constant 20480 : index
    %get3A_1592 = vector.load %arg1[%get3A_1590, %get3A_1591] : memref<64x32768xf32, #tpu.memory_space<vmem>>, vector<64x512xf32>
    %transpose3A_1593 = tpu.transpose %get3A_1592, [1, 0] : vector<64x512xf32> -> vector<512x64xf32>
    %bitcast_convert_type3A_1594 = tpu.bitcast %transpose3A_1593 : vector<512x64xf32> -> vector<512x64xi32>
    %slice3A_1595 = vector.extract_strided_slice %bitcast_convert_type3A_1594 {offsets = [0, 0], sizes = [128, 64], strides = [1, 1]} : vector<512x64xi32> to vector<128x64xi32>
    %slice3A_1596 = vector.extract_strided_slice %bitcast_convert_type3A_1594 {offsets = [128, 0], sizes = [128, 64], strides = [1, 1]} : vector<512x64xi32> to vector<128x64xi32>
    %add3A_1597 = arith.constant 32768 : i32
    %add3A_1598 = vector.broadcast %add3A_1597 : i32 to vector<128x64xi32>
    %add3A_1599 = arith.addi %slice3A_1595, %add3A_1598 : vector<128x64xi32>
    %and3A_1600 = arith.constant -65536 : i32
    %and3A_1601 = vector.broadcast %and3A_1600 : i32 to vector<128x64xi32>
    %and3A_1602 = arith.andi %add3A_1599, %and3A_1601 : vector<128x64xi32>
    %add3A_1603 = arith.constant 32768 : i32
    %add3A_1604 = vector.broadcast %add3A_1603 : i32 to vector<128x64xi32>
    %add3A_1605 = arith.addi %slice3A_1596, %add3A_1604 : vector<128x64xi32>
    %shift_right_logical3A_1606 = arith.constant 16 : i32
    %shift_right_logical3A_1607 = vector.broadcast %shift_right_logical3A_1606 : i32 to vector<128x64xi32>
    %shift_right_logical3A_1608 = arith.shrui %add3A_1605, %shift_right_logical3A_1607 : vector<128x64xi32>
    %or3A_1609 = arith.ori %and3A_1602, %shift_right_logical3A_1608 : vector<128x64xi32>
    %slice3A_1610 = vector.extract_strided_slice %bitcast_convert_type3A_1594 {offsets = [256, 0], sizes = [128, 64], strides = [1, 1]} : vector<512x64xi32> to vector<128x64xi32>
    %slice3A_1611 = vector.extract_strided_slice %bitcast_convert_type3A_1594 {offsets = [384, 0], sizes = [128, 64], strides = [1, 1]} : vector<512x64xi32> to vector<128x64xi32>
    %add3A_1612 = arith.constant 32768 : i32
    %add3A_1613 = vector.broadcast %add3A_1612 : i32 to vector<128x64xi32>
    %add3A_1614 = arith.addi %slice3A_1610, %add3A_1613 : vector<128x64xi32>
    %and3A_1615 = arith.constant -65536 : i32
    %and3A_1616 = vector.broadcast %and3A_1615 : i32 to vector<128x64xi32>
    %and3A_1617 = arith.andi %add3A_1614, %and3A_1616 : vector<128x64xi32>
    %add3A_1618 = arith.constant 32768 : i32
    %add3A_1619 = vector.broadcast %add3A_1618 : i32 to vector<128x64xi32>
    %add3A_1620 = arith.addi %slice3A_1611, %add3A_1619 : vector<128x64xi32>
    %shift_right_logical3A_1621 = arith.constant 16 : i32
    %shift_right_logical3A_1622 = vector.broadcast %shift_right_logical3A_1621 : i32 to vector<128x64xi32>
    %shift_right_logical3A_1623 = arith.shrui %add3A_1620, %shift_right_logical3A_1622 : vector<128x64xi32>
    %or3A_1624 = arith.ori %and3A_1617, %shift_right_logical3A_1623 : vector<128x64xi32>
    %concatenate3A_1625 = tpu.concatenate %or3A_1609, %or3A_1624 in 1 : vector<128x64xi32>, vector<128x64xi32> -> vector<128x128xi32>
    %bitcast_convert_type3A_1626 = tpu.bitcast %concatenate3A_1625 : vector<128x128xi32> -> vector<128x128xf32>
    %swap3A_1627 = arith.constant 5120 : index
    %swap3A_1628 = arith.constant 0 : index
    %swap3A_1629 = vector.load %arg2[%swap3A_1627, %swap3A_1628] : memref<8192x128xf32, #tpu.memory_space<vmem>>, vector<128x128xf32>
    tpu.vector_store %arg2[%swap3A_1627, %swap3A_1628], %bitcast_convert_type3A_1626 {strides = array<i32>} : memref<8192x128xf32, #tpu.memory_space<vmem>>, vector<128x128xf32>,
    %get3A_1630 = arith.constant 0 : index
    %get3A_1631 = arith.constant 20992 : index
    %get3A_1632 = vector.load %arg1[%get3A_1630, %get3A_1631] : memref<64x32768xf32, #tpu.memory_space<vmem>>, vector<64x512xf32>
    %transpose3A_1633 = tpu.transpose %get3A_1632, [1, 0] : vector<64x512xf32> -> vector<512x64xf32>
    %bitcast_convert_type3A_1634 = tpu.bitcast %transpose3A_1633 : vector<512x64xf32> -> vector<512x64xi32>
    %slice3A_1635 = vector.extract_strided_slice %bitcast_convert_type3A_1634 {offsets = [0, 0], sizes = [128, 64], strides = [1, 1]} : vector<512x64xi32> to vector<128x64xi32>
    %slice3A_1636 = vector.extract_strided_slice %bitcast_convert_type3A_1634 {offsets = [128, 0], sizes = [128, 64], strides = [1, 1]} : vector<512x64xi32> to vector<128x64xi32>
    %add3A_1637 = arith.constant 32768 : i32
    %add3A_1638 = vector.broadcast %add3A_1637 : i32 to vector<128x64xi32>
    %add3A_1639 = arith.addi %slice3A_1635, %add3A_1638 : vector<128x64xi32>
    %and3A_1640 = arith.constant -65536 : i32
    %and3A_1641 = vector.broadcast %and3A_1640 : i32 to vector<128x64xi32>
    %and3A_1642 = arith.andi %add3A_1639, %and3A_1641 : vector<128x64xi32>
    %add3A_1643 = arith.constant 32768 : i32
    %add3A_1644 = vector.broadcast %add3A_1643 : i32 to vector<128x64xi32>
    %add3A_1645 = arith.addi %slice3A_1636, %add3A_1644 : vector<128x64xi32>
    %shift_right_logical3A_1646 = arith.constant 16 : i32
    %shift_right_logical3A_1647 = vector.broadcast %shift_right_logical3A_1646 : i32 to vector<128x64xi32>
    %shift_right_logical3A_1648 = arith.shrui %add3A_1645, %shift_right_logical3A_1647 : vector<128x64xi32>
    %or3A_1649 = arith.ori %and3A_1642, %shift_right_logical3A_1648 : vector<128x64xi32>
    %slice3A_1650 = vector.extract_strided_slice %bitcast_convert_type3A_1634 {offsets = [256, 0], sizes = [128, 64], strides = [1, 1]} : vector<512x64xi32> to vector<128x64xi32>
    %slice3A_1651 = vector.extract_strided_slice %bitcast_convert_type3A_1634 {offsets = [384, 0], sizes = [128, 64], strides = [1, 1]} : vector<512x64xi32> to vector<128x64xi32>
    %add3A_1652 = arith.constant 32768 : i32
    %add3A_1653 = vector.broadcast %add3A_1652 : i32 to vector<128x64xi32>
    %add3A_1654 = arith.addi %slice3A_1650, %add3A_1653 : vector<128x64xi32>
    %and3A_1655 = arith.constant -65536 : i32
    %and3A_1656 = vector.broadcast %and3A_1655 : i32 to vector<128x64xi32>
    %and3A_1657 = arith.andi %add3A_1654, %and3A_1656 : vector<128x64xi32>
    %add3A_1658 = arith.constant 32768 : i32
    %add3A_1659 = vector.broadcast %add3A_1658 : i32 to vector<128x64xi32>
    %add3A_1660 = arith.addi %slice3A_1651, %add3A_1659 : vector<128x64xi32>
    %shift_right_logical3A_1661 = arith.constant 16 : i32
    %shift_right_logical3A_1662 = vector.broadcast %shift_right_logical3A_1661 : i32 to vector<128x64xi32>
    %shift_right_logical3A_1663 = arith.shrui %add3A_1660, %shift_right_logical3A_1662 : vector<128x64xi32>
    %or3A_1664 = arith.ori %and3A_1657, %shift_right_logical3A_1663 : vector<128x64xi32>
    %concatenate3A_1665 = tpu.concatenate %or3A_1649, %or3A_1664 in 1 : vector<128x64xi32>, vector<128x64xi32> -> vector<128x128xi32>
    %bitcast_convert_type3A_1666 = tpu.bitcast %concatenate3A_1665 : vector<128x128xi32> -> vector<128x128xf32>
    %swap3A_1667 = arith.constant 5248 : index
    %swap3A_1668 = arith.constant 0 : index
    %swap3A_1669 = vector.load %arg2[%swap3A_1667, %swap3A_1668] : memref<8192x128xf32, #tpu.memory_space<vmem>>, vector<128x128xf32>
    tpu.vector_store %arg2[%swap3A_1667, %swap3A_1668], %bitcast_convert_type3A_1666 {strides = array<i32>} : memref<8192x128xf32, #tpu.memory_space<vmem>>, vector<128x128xf32>,
    %get3A_1670 = arith.constant 0 : index
    %get3A_1671 = arith.constant 21504 : index
    %get3A_1672 = vector.load %arg1[%get3A_1670, %get3A_1671] : memref<64x32768xf32, #tpu.memory_space<vmem>>, vector<64x512xf32>
    %transpose3A_1673 = tpu.transpose %get3A_1672, [1, 0] : vector<64x512xf32> -> vector<512x64xf32>
    %bitcast_convert_type3A_1674 = tpu.bitcast %transpose3A_1673 : vector<512x64xf32> -> vector<512x64xi32>
    %slice3A_1675 = vector.extract_strided_slice %bitcast_convert_type3A_1674 {offsets = [0, 0], sizes = [128, 64], strides = [1, 1]} : vector<512x64xi32> to vector<128x64xi32>
    %slice3A_1676 = vector.extract_strided_slice %bitcast_convert_type3A_1674 {offsets = [128, 0], sizes = [128, 64], strides = [1, 1]} : vector<512x64xi32> to vector<128x64xi32>
    %add3A_1677 = arith.constant 32768 : i32
    %add3A_1678 = vector.broadcast %add3A_1677 : i32 to vector<128x64xi32>
    %add3A_1679 = arith.addi %slice3A_1675, %add3A_1678 : vector<128x64xi32>
    %and3A_1680 = arith.constant -65536 : i32
    %and3A_1681 = vector.broadcast %and3A_1680 : i32 to vector<128x64xi32>
    %and3A_1682 = arith.andi %add3A_1679, %and3A_1681 : vector<128x64xi32>
    %add3A_1683 = arith.constant 32768 : i32
    %add3A_1684 = vector.broadcast %add3A_1683 : i32 to vector<128x64xi32>
    %add3A_1685 = arith.addi %slice3A_1676, %add3A_1684 : vector<128x64xi32>
    %shift_right_logical3A_1686 = arith.constant 16 : i32
    %shift_right_logical3A_1687 = vector.broadcast %shift_right_logical3A_1686 : i32 to vector<128x64xi32>
    %shift_right_logical3A_1688 = arith.shrui %add3A_1685, %shift_right_logical3A_1687 : vector<128x64xi32>
    %or3A_1689 = arith.ori %and3A_1682, %shift_right_logical3A_1688 : vector<128x64xi32>
    %slice3A_1690 = vector.extract_strided_slice %bitcast_convert_type3A_1674 {offsets = [256, 0], sizes = [128, 64], strides = [1, 1]} : vector<512x64xi32> to vector<128x64xi32>
    %slice3A_1691 = vector.extract_strided_slice %bitcast_convert_type3A_1674 {offsets = [384, 0], sizes = [128, 64], strides = [1, 1]} : vector<512x64xi32> to vector<128x64xi32>
    %add3A_1692 = arith.constant 32768 : i32
    %add3A_1693 = vector.broadcast %add3A_1692 : i32 to vector<128x64xi32>
    %add3A_1694 = arith.addi %slice3A_1690, %add3A_1693 : vector<128x64xi32>
    %and3A_1695 = arith.constant -65536 : i32
    %and3A_1696 = vector.broadcast %and3A_1695 : i32 to vector<128x64xi32>
    %and3A_1697 = arith.andi %add3A_1694, %and3A_1696 : vector<128x64xi32>
    %add3A_1698 = arith.constant 32768 : i32
    %add3A_1699 = vector.broadcast %add3A_1698 : i32 to vector<128x64xi32>
    %add3A_1700 = arith.addi %slice3A_1691, %add3A_1699 : vector<128x64xi32>
    %shift_right_logical3A_1701 = arith.constant 16 : i32
    %shift_right_logical3A_1702 = vector.broadcast %shift_right_logical3A_1701 : i32 to vector<128x64xi32>
    %shift_right_logical3A_1703 = arith.shrui %add3A_1700, %shift_right_logical3A_1702 : vector<128x64xi32>
    %or3A_1704 = arith.ori %and3A_1697, %shift_right_logical3A_1703 : vector<128x64xi32>
    %concatenate3A_1705 = tpu.concatenate %or3A_1689, %or3A_1704 in 1 : vector<128x64xi32>, vector<128x64xi32> -> vector<128x128xi32>
    %bitcast_convert_type3A_1706 = tpu.bitcast %concatenate3A_1705 : vector<128x128xi32> -> vector<128x128xf32>
    %swap3A_1707 = arith.constant 5376 : index
    %swap3A_1708 = arith.constant 0 : index
    %swap3A_1709 = vector.load %arg2[%swap3A_1707, %swap3A_1708] : memref<8192x128xf32, #tpu.memory_space<vmem>>, vector<128x128xf32>
    tpu.vector_store %arg2[%swap3A_1707, %swap3A_1708], %bitcast_convert_type3A_1706 {strides = array<i32>} : memref<8192x128xf32, #tpu.memory_space<vmem>>, vector<128x128xf32>,
    %get3A_1710 = arith.constant 0 : index
    %get3A_1711 = arith.constant 22016 : index
    %get3A_1712 = vector.load %arg1[%get3A_1710, %get3A_1711] : memref<64x32768xf32, #tpu.memory_space<vmem>>, vector<64x512xf32>
    %transpose3A_1713 = tpu.transpose %get3A_1712, [1, 0] : vector<64x512xf32> -> vector<512x64xf32>
    %bitcast_convert_type3A_1714 = tpu.bitcast %transpose3A_1713 : vector<512x64xf32> -> vector<512x64xi32>
    %slice3A_1715 = vector.extract_strided_slice %bitcast_convert_type3A_1714 {offsets = [0, 0], sizes = [128, 64], strides = [1, 1]} : vector<512x64xi32> to vector<128x64xi32>
    %slice3A_1716 = vector.extract_strided_slice %bitcast_convert_type3A_1714 {offsets = [128, 0], sizes = [128, 64], strides = [1, 1]} : vector<512x64xi32> to vector<128x64xi32>
    %add3A_1717 = arith.constant 32768 : i32
    %add3A_1718 = vector.broadcast %add3A_1717 : i32 to vector<128x64xi32>
    %add3A_1719 = arith.addi %slice3A_1715, %add3A_1718 : vector<128x64xi32>
    %and3A_1720 = arith.constant -65536 : i32
    %and3A_1721 = vector.broadcast %and3A_1720 : i32 to vector<128x64xi32>
    %and3A_1722 = arith.andi %add3A_1719, %and3A_1721 : vector<128x64xi32>
    %add3A_1723 = arith.constant 32768 : i32
    %add3A_1724 = vector.broadcast %add3A_1723 : i32 to vector<128x64xi32>
    %add3A_1725 = arith.addi %slice3A_1716, %add3A_1724 : vector<128x64xi32>
    %shift_right_logical3A_1726 = arith.constant 16 : i32
    %shift_right_logical3A_1727 = vector.broadcast %shift_right_logical3A_1726 : i32 to vector<128x64xi32>
    %shift_right_logical3A_1728 = arith.shrui %add3A_1725, %shift_right_logical3A_1727 : vector<128x64xi32>
    %or3A_1729 = arith.ori %and3A_1722, %shift_right_logical3A_1728 : vector<128x64xi32>
    %slice3A_1730 = vector.extract_strided_slice %bitcast_convert_type3A_1714 {offsets = [256, 0], sizes = [128, 64], strides = [1, 1]} : vector<512x64xi32> to vector<128x64xi32>
    %slice3A_1731 = vector.extract_strided_slice %bitcast_convert_type3A_1714 {offsets = [384, 0], sizes = [128, 64], strides = [1, 1]} : vector<512x64xi32> to vector<128x64xi32>
    %add3A_1732 = arith.constant 32768 : i32
    %add3A_1733 = vector.broadcast %add3A_1732 : i32 to vector<128x64xi32>
    %add3A_1734 = arith.addi %slice3A_1730, %add3A_1733 : vector<128x64xi32>
    %and3A_1735 = arith.constant -65536 : i32
    %and3A_1736 = vector.broadcast %and3A_1735 : i32 to vector<128x64xi32>
    %and3A_1737 = arith.andi %add3A_1734, %and3A_1736 : vector<128x64xi32>
    %add3A_1738 = arith.constant 32768 : i32
    %add3A_1739 = vector.broadcast %add3A_1738 : i32 to vector<128x64xi32>
    %add3A_1740 = arith.addi %slice3A_1731, %add3A_1739 : vector<128x64xi32>
    %shift_right_logical3A_1741 = arith.constant 16 : i32
    %shift_right_logical3A_1742 = vector.broadcast %shift_right_logical3A_1741 : i32 to vector<128x64xi32>
    %shift_right_logical3A_1743 = arith.shrui %add3A_1740, %shift_right_logical3A_1742 : vector<128x64xi32>
    %or3A_1744 = arith.ori %and3A_1737, %shift_right_logical3A_1743 : vector<128x64xi32>
    %concatenate3A_1745 = tpu.concatenate %or3A_1729, %or3A_1744 in 1 : vector<128x64xi32>, vector<128x64xi32> -> vector<128x128xi32>
    %bitcast_convert_type3A_1746 = tpu.bitcast %concatenate3A_1745 : vector<128x128xi32> -> vector<128x128xf32>
    %swap3A_1747 = arith.constant 5504 : index
    %swap3A_1748 = arith.constant 0 : index
    %swap3A_1749 = vector.load %arg2[%swap3A_1747, %swap3A_1748] : memref<8192x128xf32, #tpu.memory_space<vmem>>, vector<128x128xf32>
    tpu.vector_store %arg2[%swap3A_1747, %swap3A_1748], %bitcast_convert_type3A_1746 {strides = array<i32>} : memref<8192x128xf32, #tpu.memory_space<vmem>>, vector<128x128xf32>,
    %get3A_1750 = arith.constant 0 : index
    %get3A_1751 = arith.constant 22528 : index
    %get3A_1752 = vector.load %arg1[%get3A_1750, %get3A_1751] : memref<64x32768xf32, #tpu.memory_space<vmem>>, vector<64x512xf32>
    %transpose3A_1753 = tpu.transpose %get3A_1752, [1, 0] : vector<64x512xf32> -> vector<512x64xf32>
    %bitcast_convert_type3A_1754 = tpu.bitcast %transpose3A_1753 : vector<512x64xf32> -> vector<512x64xi32>
    %slice3A_1755 = vector.extract_strided_slice %bitcast_convert_type3A_1754 {offsets = [0, 0], sizes = [128, 64], strides = [1, 1]} : vector<512x64xi32> to vector<128x64xi32>
    %slice3A_1756 = vector.extract_strided_slice %bitcast_convert_type3A_1754 {offsets = [128, 0], sizes = [128, 64], strides = [1, 1]} : vector<512x64xi32> to vector<128x64xi32>
    %add3A_1757 = arith.constant 32768 : i32
    %add3A_1758 = vector.broadcast %add3A_1757 : i32 to vector<128x64xi32>
    %add3A_1759 = arith.addi %slice3A_1755, %add3A_1758 : vector<128x64xi32>
    %and3A_1760 = arith.constant -65536 : i32
    %and3A_1761 = vector.broadcast %and3A_1760 : i32 to vector<128x64xi32>
    %and3A_1762 = arith.andi %add3A_1759, %and3A_1761 : vector<128x64xi32>
    %add3A_1763 = arith.constant 32768 : i32
    %add3A_1764 = vector.broadcast %add3A_1763 : i32 to vector<128x64xi32>
    %add3A_1765 = arith.addi %slice3A_1756, %add3A_1764 : vector<128x64xi32>
    %shift_right_logical3A_1766 = arith.constant 16 : i32
    %shift_right_logical3A_1767 = vector.broadcast %shift_right_logical3A_1766 : i32 to vector<128x64xi32>
    %shift_right_logical3A_1768 = arith.shrui %add3A_1765, %shift_right_logical3A_1767 : vector<128x64xi32>
    %or3A_1769 = arith.ori %and3A_1762, %shift_right_logical3A_1768 : vector<128x64xi32>
    %slice3A_1770 = vector.extract_strided_slice %bitcast_convert_type3A_1754 {offsets = [256, 0], sizes = [128, 64], strides = [1, 1]} : vector<512x64xi32> to vector<128x64xi32>
    %slice3A_1771 = vector.extract_strided_slice %bitcast_convert_type3A_1754 {offsets = [384, 0], sizes = [128, 64], strides = [1, 1]} : vector<512x64xi32> to vector<128x64xi32>
    %add3A_1772 = arith.constant 32768 : i32
    %add3A_1773 = vector.broadcast %add3A_1772 : i32 to vector<128x64xi32>
    %add3A_1774 = arith.addi %slice3A_1770, %add3A_1773 : vector<128x64xi32>
    %and3A_1775 = arith.constant -65536 : i32
    %and3A_1776 = vector.broadcast %and3A_1775 : i32 to vector<128x64xi32>
    %and3A_1777 = arith.andi %add3A_1774, %and3A_1776 : vector<128x64xi32>
    %add3A_1778 = arith.constant 32768 : i32
    %add3A_1779 = vector.broadcast %add3A_1778 : i32 to vector<128x64xi32>
    %add3A_1780 = arith.addi %slice3A_1771, %add3A_1779 : vector<128x64xi32>
    %shift_right_logical3A_1781 = arith.constant 16 : i32
    %shift_right_logical3A_1782 = vector.broadcast %shift_right_logical3A_1781 : i32 to vector<128x64xi32>
    %shift_right_logical3A_1783 = arith.shrui %add3A_1780, %shift_right_logical3A_1782 : vector<128x64xi32>
    %or3A_1784 = arith.ori %and3A_1777, %shift_right_logical3A_1783 : vector<128x64xi32>
    %concatenate3A_1785 = tpu.concatenate %or3A_1769, %or3A_1784 in 1 : vector<128x64xi32>, vector<128x64xi32> -> vector<128x128xi32>
    %bitcast_convert_type3A_1786 = tpu.bitcast %concatenate3A_1785 : vector<128x128xi32> -> vector<128x128xf32>
    %swap3A_1787 = arith.constant 5632 : index
    %swap3A_1788 = arith.constant 0 : index
    %swap3A_1789 = vector.load %arg2[%swap3A_1787, %swap3A_1788] : memref<8192x128xf32, #tpu.memory_space<vmem>>, vector<128x128xf32>
    tpu.vector_store %arg2[%swap3A_1787, %swap3A_1788], %bitcast_convert_type3A_1786 {strides = array<i32>} : memref<8192x128xf32, #tpu.memory_space<vmem>>, vector<128x128xf32>,
    %get3A_1790 = arith.constant 0 : index
    %get3A_1791 = arith.constant 23040 : index
    %get3A_1792 = vector.load %arg1[%get3A_1790, %get3A_1791] : memref<64x32768xf32, #tpu.memory_space<vmem>>, vector<64x512xf32>
    %transpose3A_1793 = tpu.transpose %get3A_1792, [1, 0] : vector<64x512xf32> -> vector<512x64xf32>
    %bitcast_convert_type3A_1794 = tpu.bitcast %transpose3A_1793 : vector<512x64xf32> -> vector<512x64xi32>
    %slice3A_1795 = vector.extract_strided_slice %bitcast_convert_type3A_1794 {offsets = [0, 0], sizes = [128, 64], strides = [1, 1]} : vector<512x64xi32> to vector<128x64xi32>
    %slice3A_1796 = vector.extract_strided_slice %bitcast_convert_type3A_1794 {offsets = [128, 0], sizes = [128, 64], strides = [1, 1]} : vector<512x64xi32> to vector<128x64xi32>
    %add3A_1797 = arith.constant 32768 : i32
    %add3A_1798 = vector.broadcast %add3A_1797 : i32 to vector<128x64xi32>
    %add3A_1799 = arith.addi %slice3A_1795, %add3A_1798 : vector<128x64xi32>
    %and3A_1800 = arith.constant -65536 : i32
    %and3A_1801 = vector.broadcast %and3A_1800 : i32 to vector<128x64xi32>
    %and3A_1802 = arith.andi %add3A_1799, %and3A_1801 : vector<128x64xi32>
    %add3A_1803 = arith.constant 32768 : i32
    %add3A_1804 = vector.broadcast %add3A_1803 : i32 to vector<128x64xi32>
    %add3A_1805 = arith.addi %slice3A_1796, %add3A_1804 : vector<128x64xi32>
    %shift_right_logical3A_1806 = arith.constant 16 : i32
    %shift_right_logical3A_1807 = vector.broadcast %shift_right_logical3A_1806 : i32 to vector<128x64xi32>
    %shift_right_logical3A_1808 = arith.shrui %add3A_1805, %shift_right_logical3A_1807 : vector<128x64xi32>
    %or3A_1809 = arith.ori %and3A_1802, %shift_right_logical3A_1808 : vector<128x64xi32>
    %slice3A_1810 = vector.extract_strided_slice %bitcast_convert_type3A_1794 {offsets = [256, 0], sizes = [128, 64], strides = [1, 1]} : vector<512x64xi32> to vector<128x64xi32>
    %slice3A_1811 = vector.extract_strided_slice %bitcast_convert_type3A_1794 {offsets = [384, 0], sizes = [128, 64], strides = [1, 1]} : vector<512x64xi32> to vector<128x64xi32>
    %add3A_1812 = arith.constant 32768 : i32
    %add3A_1813 = vector.broadcast %add3A_1812 : i32 to vector<128x64xi32>
    %add3A_1814 = arith.addi %slice3A_1810, %add3A_1813 : vector<128x64xi32>
    %and3A_1815 = arith.constant -65536 : i32
    %and3A_1816 = vector.broadcast %and3A_1815 : i32 to vector<128x64xi32>
    %and3A_1817 = arith.andi %add3A_1814, %and3A_1816 : vector<128x64xi32>
    %add3A_1818 = arith.constant 32768 : i32
    %add3A_1819 = vector.broadcast %add3A_1818 : i32 to vector<128x64xi32>
    %add3A_1820 = arith.addi %slice3A_1811, %add3A_1819 : vector<128x64xi32>
    %shift_right_logical3A_1821 = arith.constant 16 : i32
    %shift_right_logical3A_1822 = vector.broadcast %shift_right_logical3A_1821 : i32 to vector<128x64xi32>
    %shift_right_logical3A_1823 = arith.shrui %add3A_1820, %shift_right_logical3A_1822 : vector<128x64xi32>
    %or3A_1824 = arith.ori %and3A_1817, %shift_right_logical3A_1823 : vector<128x64xi32>
    %concatenate3A_1825 = tpu.concatenate %or3A_1809, %or3A_1824 in 1 : vector<128x64xi32>, vector<128x64xi32> -> vector<128x128xi32>
    %bitcast_convert_type3A_1826 = tpu.bitcast %concatenate3A_1825 : vector<128x128xi32> -> vector<128x128xf32>
    %swap3A_1827 = arith.constant 5760 : index
    %swap3A_1828 = arith.constant 0 : index
    %swap3A_1829 = vector.load %arg2[%swap3A_1827, %swap3A_1828] : memref<8192x128xf32, #tpu.memory_space<vmem>>, vector<128x128xf32>
    tpu.vector_store %arg2[%swap3A_1827, %swap3A_1828], %bitcast_convert_type3A_1826 {strides = array<i32>} : memref<8192x128xf32, #tpu.memory_space<vmem>>, vector<128x128xf32>,
    %get3A_1830 = arith.constant 0 : index
    %get3A_1831 = arith.constant 23552 : index
    %get3A_1832 = vector.load %arg1[%get3A_1830, %get3A_1831] : memref<64x32768xf32, #tpu.memory_space<vmem>>, vector<64x512xf32>
    %transpose3A_1833 = tpu.transpose %get3A_1832, [1, 0] : vector<64x512xf32> -> vector<512x64xf32>
    %bitcast_convert_type3A_1834 = tpu.bitcast %transpose3A_1833 : vector<512x64xf32> -> vector<512x64xi32>
    %slice3A_1835 = vector.extract_strided_slice %bitcast_convert_type3A_1834 {offsets = [0, 0], sizes = [128, 64], strides = [1, 1]} : vector<512x64xi32> to vector<128x64xi32>
    %slice3A_1836 = vector.extract_strided_slice %bitcast_convert_type3A_1834 {offsets = [128, 0], sizes = [128, 64], strides = [1, 1]} : vector<512x64xi32> to vector<128x64xi32>
    %add3A_1837 = arith.constant 32768 : i32
    %add3A_1838 = vector.broadcast %add3A_1837 : i32 to vector<128x64xi32>
    %add3A_1839 = arith.addi %slice3A_1835, %add3A_1838 : vector<128x64xi32>
    %and3A_1840 = arith.constant -65536 : i32
    %and3A_1841 = vector.broadcast %and3A_1840 : i32 to vector<128x64xi32>
    %and3A_1842 = arith.andi %add3A_1839, %and3A_1841 : vector<128x64xi32>
    %add3A_1843 = arith.constant 32768 : i32
    %add3A_1844 = vector.broadcast %add3A_1843 : i32 to vector<128x64xi32>
    %add3A_1845 = arith.addi %slice3A_1836, %add3A_1844 : vector<128x64xi32>
    %shift_right_logical3A_1846 = arith.constant 16 : i32
    %shift_right_logical3A_1847 = vector.broadcast %shift_right_logical3A_1846 : i32 to vector<128x64xi32>
    %shift_right_logical3A_1848 = arith.shrui %add3A_1845, %shift_right_logical3A_1847 : vector<128x64xi32>
    %or3A_1849 = arith.ori %and3A_1842, %shift_right_logical3A_1848 : vector<128x64xi32>
    %slice3A_1850 = vector.extract_strided_slice %bitcast_convert_type3A_1834 {offsets = [256, 0], sizes = [128, 64], strides = [1, 1]} : vector<512x64xi32> to vector<128x64xi32>
    %slice3A_1851 = vector.extract_strided_slice %bitcast_convert_type3A_1834 {offsets = [384, 0], sizes = [128, 64], strides = [1, 1]} : vector<512x64xi32> to vector<128x64xi32>
    %add3A_1852 = arith.constant 32768 : i32
    %add3A_1853 = vector.broadcast %add3A_1852 : i32 to vector<128x64xi32>
    %add3A_1854 = arith.addi %slice3A_1850, %add3A_1853 : vector<128x64xi32>
    %and3A_1855 = arith.constant -65536 : i32
    %and3A_1856 = vector.broadcast %and3A_1855 : i32 to vector<128x64xi32>
    %and3A_1857 = arith.andi %add3A_1854, %and3A_1856 : vector<128x64xi32>
    %add3A_1858 = arith.constant 32768 : i32
    %add3A_1859 = vector.broadcast %add3A_1858 : i32 to vector<128x64xi32>
    %add3A_1860 = arith.addi %slice3A_1851, %add3A_1859 : vector<128x64xi32>
    %shift_right_logical3A_1861 = arith.constant 16 : i32
    %shift_right_logical3A_1862 = vector.broadcast %shift_right_logical3A_1861 : i32 to vector<128x64xi32>
    %shift_right_logical3A_1863 = arith.shrui %add3A_1860, %shift_right_logical3A_1862 : vector<128x64xi32>
    %or3A_1864 = arith.ori %and3A_1857, %shift_right_logical3A_1863 : vector<128x64xi32>
    %concatenate3A_1865 = tpu.concatenate %or3A_1849, %or3A_1864 in 1 : vector<128x64xi32>, vector<128x64xi32> -> vector<128x128xi32>
    %bitcast_convert_type3A_1866 = tpu.bitcast %concatenate3A_1865 : vector<128x128xi32> -> vector<128x128xf32>
    %swap3A_1867 = arith.constant 5888 : index
    %swap3A_1868 = arith.constant 0 : index
    %swap3A_1869 = vector.load %arg2[%swap3A_1867, %swap3A_1868] : memref<8192x128xf32, #tpu.memory_space<vmem>>, vector<128x128xf32>
    tpu.vector_store %arg2[%swap3A_1867, %swap3A_1868], %bitcast_convert_type3A_1866 {strides = array<i32>} : memref<8192x128xf32, #tpu.memory_space<vmem>>, vector<128x128xf32>,
    %get3A_1870 = arith.constant 0 : index
    %get3A_1871 = arith.constant 24064 : index
    %get3A_1872 = vector.load %arg1[%get3A_1870, %get3A_1871] : memref<64x32768xf32, #tpu.memory_space<vmem>>, vector<64x512xf32>
    %transpose3A_1873 = tpu.transpose %get3A_1872, [1, 0] : vector<64x512xf32> -> vector<512x64xf32>
    %bitcast_convert_type3A_1874 = tpu.bitcast %transpose3A_1873 : vector<512x64xf32> -> vector<512x64xi32>
    %slice3A_1875 = vector.extract_strided_slice %bitcast_convert_type3A_1874 {offsets = [0, 0], sizes = [128, 64], strides = [1, 1]} : vector<512x64xi32> to vector<128x64xi32>
    %slice3A_1876 = vector.extract_strided_slice %bitcast_convert_type3A_1874 {offsets = [128, 0], sizes = [128, 64], strides = [1, 1]} : vector<512x64xi32> to vector<128x64xi32>
    %add3A_1877 = arith.constant 32768 : i32
    %add3A_1878 = vector.broadcast %add3A_1877 : i32 to vector<128x64xi32>
    %add3A_1879 = arith.addi %slice3A_1875, %add3A_1878 : vector<128x64xi32>
    %and3A_1880 = arith.constant -65536 : i32
    %and3A_1881 = vector.broadcast %and3A_1880 : i32 to vector<128x64xi32>
    %and3A_1882 = arith.andi %add3A_1879, %and3A_1881 : vector<128x64xi32>
    %add3A_1883 = arith.constant 32768 : i32
    %add3A_1884 = vector.broadcast %add3A_1883 : i32 to vector<128x64xi32>
    %add3A_1885 = arith.addi %slice3A_1876, %add3A_1884 : vector<128x64xi32>
    %shift_right_logical3A_1886 = arith.constant 16 : i32
    %shift_right_logical3A_1887 = vector.broadcast %shift_right_logical3A_1886 : i32 to vector<128x64xi32>
    %shift_right_logical3A_1888 = arith.shrui %add3A_1885, %shift_right_logical3A_1887 : vector<128x64xi32>
    %or3A_1889 = arith.ori %and3A_1882, %shift_right_logical3A_1888 : vector<128x64xi32>
    %slice3A_1890 = vector.extract_strided_slice %bitcast_convert_type3A_1874 {offsets = [256, 0], sizes = [128, 64], strides = [1, 1]} : vector<512x64xi32> to vector<128x64xi32>
    %slice3A_1891 = vector.extract_strided_slice %bitcast_convert_type3A_1874 {offsets = [384, 0], sizes = [128, 64], strides = [1, 1]} : vector<512x64xi32> to vector<128x64xi32>
    %add3A_1892 = arith.constant 32768 : i32
    %add3A_1893 = vector.broadcast %add3A_1892 : i32 to vector<128x64xi32>
    %add3A_1894 = arith.addi %slice3A_1890, %add3A_1893 : vector<128x64xi32>
    %and3A_1895 = arith.constant -65536 : i32
    %and3A_1896 = vector.broadcast %and3A_1895 : i32 to vector<128x64xi32>
    %and3A_1897 = arith.andi %add3A_1894, %and3A_1896 : vector<128x64xi32>
    %add3A_1898 = arith.constant 32768 : i32
    %add3A_1899 = vector.broadcast %add3A_1898 : i32 to vector<128x64xi32>
    %add3A_1900 = arith.addi %slice3A_1891, %add3A_1899 : vector<128x64xi32>
    %shift_right_logical3A_1901 = arith.constant 16 : i32
    %shift_right_logical3A_1902 = vector.broadcast %shift_right_logical3A_1901 : i32 to vector<128x64xi32>
    %shift_right_logical3A_1903 = arith.shrui %add3A_1900, %shift_right_logical3A_1902 : vector<128x64xi32>
    %or3A_1904 = arith.ori %and3A_1897, %shift_right_logical3A_1903 : vector<128x64xi32>
    %concatenate3A_1905 = tpu.concatenate %or3A_1889, %or3A_1904 in 1 : vector<128x64xi32>, vector<128x64xi32> -> vector<128x128xi32>
    %bitcast_convert_type3A_1906 = tpu.bitcast %concatenate3A_1905 : vector<128x128xi32> -> vector<128x128xf32>
    %swap3A_1907 = arith.constant 6016 : index
    %swap3A_1908 = arith.constant 0 : index
    %swap3A_1909 = vector.load %arg2[%swap3A_1907, %swap3A_1908] : memref<8192x128xf32, #tpu.memory_space<vmem>>, vector<128x128xf32>
    tpu.vector_store %arg2[%swap3A_1907, %swap3A_1908], %bitcast_convert_type3A_1906 {strides = array<i32>} : memref<8192x128xf32, #tpu.memory_space<vmem>>, vector<128x128xf32>,
    %get3A_1910 = arith.constant 0 : index
    %get3A_1911 = arith.constant 24576 : index
    %get3A_1912 = vector.load %arg1[%get3A_1910, %get3A_1911] : memref<64x32768xf32, #tpu.memory_space<vmem>>, vector<64x512xf32>
    %transpose3A_1913 = tpu.transpose %get3A_1912, [1, 0] : vector<64x512xf32> -> vector<512x64xf32>
    %bitcast_convert_type3A_1914 = tpu.bitcast %transpose3A_1913 : vector<512x64xf32> -> vector<512x64xi32>
    %slice3A_1915 = vector.extract_strided_slice %bitcast_convert_type3A_1914 {offsets = [0, 0], sizes = [128, 64], strides = [1, 1]} : vector<512x64xi32> to vector<128x64xi32>
    %slice3A_1916 = vector.extract_strided_slice %bitcast_convert_type3A_1914 {offsets = [128, 0], sizes = [128, 64], strides = [1, 1]} : vector<512x64xi32> to vector<128x64xi32>
    %add3A_1917 = arith.constant 32768 : i32
    %add3A_1918 = vector.broadcast %add3A_1917 : i32 to vector<128x64xi32>
    %add3A_1919 = arith.addi %slice3A_1915, %add3A_1918 : vector<128x64xi32>
    %and3A_1920 = arith.constant -65536 : i32
    %and3A_1921 = vector.broadcast %and3A_1920 : i32 to vector<128x64xi32>
    %and3A_1922 = arith.andi %add3A_1919, %and3A_1921 : vector<128x64xi32>
    %add3A_1923 = arith.constant 32768 : i32
    %add3A_1924 = vector.broadcast %add3A_1923 : i32 to vector<128x64xi32>
    %add3A_1925 = arith.addi %slice3A_1916, %add3A_1924 : vector<128x64xi32>
    %shift_right_logical3A_1926 = arith.constant 16 : i32
    %shift_right_logical3A_1927 = vector.broadcast %shift_right_logical3A_1926 : i32 to vector<128x64xi32>
    %shift_right_logical3A_1928 = arith.shrui %add3A_1925, %shift_right_logical3A_1927 : vector<128x64xi32>
    %or3A_1929 = arith.ori %and3A_1922, %shift_right_logical3A_1928 : vector<128x64xi32>
    %slice3A_1930 = vector.extract_strided_slice %bitcast_convert_type3A_1914 {offsets = [256, 0], sizes = [128, 64], strides = [1, 1]} : vector<512x64xi32> to vector<128x64xi32>
    %slice3A_1931 = vector.extract_strided_slice %bitcast_convert_type3A_1914 {offsets = [384, 0], sizes = [128, 64], strides = [1, 1]} : vector<512x64xi32> to vector<128x64xi32>
    %add3A_1932 = arith.constant 32768 : i32
    %add3A_1933 = vector.broadcast %add3A_1932 : i32 to vector<128x64xi32>
    %add3A_1934 = arith.addi %slice3A_1930, %add3A_1933 : vector<128x64xi32>
    %and3A_1935 = arith.constant -65536 : i32
    %and3A_1936 = vector.broadcast %and3A_1935 : i32 to vector<128x64xi32>
    %and3A_1937 = arith.andi %add3A_1934, %and3A_1936 : vector<128x64xi32>
    %add3A_1938 = arith.constant 32768 : i32
    %add3A_1939 = vector.broadcast %add3A_1938 : i32 to vector<128x64xi32>
    %add3A_1940 = arith.addi %slice3A_1931, %add3A_1939 : vector<128x64xi32>
    %shift_right_logical3A_1941 = arith.constant 16 : i32
    %shift_right_logical3A_1942 = vector.broadcast %shift_right_logical3A_1941 : i32 to vector<128x64xi32>
    %shift_right_logical3A_1943 = arith.shrui %add3A_1940, %shift_right_logical3A_1942 : vector<128x64xi32>
    %or3A_1944 = arith.ori %and3A_1937, %shift_right_logical3A_1943 : vector<128x64xi32>
    %concatenate3A_1945 = tpu.concatenate %or3A_1929, %or3A_1944 in 1 : vector<128x64xi32>, vector<128x64xi32> -> vector<128x128xi32>
    %bitcast_convert_type3A_1946 = tpu.bitcast %concatenate3A_1945 : vector<128x128xi32> -> vector<128x128xf32>
    %swap3A_1947 = arith.constant 6144 : index
    %swap3A_1948 = arith.constant 0 : index
    %swap3A_1949 = vector.load %arg2[%swap3A_1947, %swap3A_1948] : memref<8192x128xf32, #tpu.memory_space<vmem>>, vector<128x128xf32>
    tpu.vector_store %arg2[%swap3A_1947, %swap3A_1948], %bitcast_convert_type3A_1946 {strides = array<i32>} : memref<8192x128xf32, #tpu.memory_space<vmem>>, vector<128x128xf32>,
    %get3A_1950 = arith.constant 0 : index
    %get3A_1951 = arith.constant 25088 : index
    %get3A_1952 = vector.load %arg1[%get3A_1950, %get3A_1951] : memref<64x32768xf32, #tpu.memory_space<vmem>>, vector<64x512xf32>
    %transpose3A_1953 = tpu.transpose %get3A_1952, [1, 0] : vector<64x512xf32> -> vector<512x64xf32>
    %bitcast_convert_type3A_1954 = tpu.bitcast %transpose3A_1953 : vector<512x64xf32> -> vector<512x64xi32>
    %slice3A_1955 = vector.extract_strided_slice %bitcast_convert_type3A_1954 {offsets = [0, 0], sizes = [128, 64], strides = [1, 1]} : vector<512x64xi32> to vector<128x64xi32>
    %slice3A_1956 = vector.extract_strided_slice %bitcast_convert_type3A_1954 {offsets = [128, 0], sizes = [128, 64], strides = [1, 1]} : vector<512x64xi32> to vector<128x64xi32>
    %add3A_1957 = arith.constant 32768 : i32
    %add3A_1958 = vector.broadcast %add3A_1957 : i32 to vector<128x64xi32>
    %add3A_1959 = arith.addi %slice3A_1955, %add3A_1958 : vector<128x64xi32>
    %and3A_1960 = arith.constant -65536 : i32
    %and3A_1961 = vector.broadcast %and3A_1960 : i32 to vector<128x64xi32>
    %and3A_1962 = arith.andi %add3A_1959, %and3A_1961 : vector<128x64xi32>
    %add3A_1963 = arith.constant 32768 : i32
    %add3A_1964 = vector.broadcast %add3A_1963 : i32 to vector<128x64xi32>
    %add3A_1965 = arith.addi %slice3A_1956, %add3A_1964 : vector<128x64xi32>
    %shift_right_logical3A_1966 = arith.constant 16 : i32
    %shift_right_logical3A_1967 = vector.broadcast %shift_right_logical3A_1966 : i32 to vector<128x64xi32>
    %shift_right_logical3A_1968 = arith.shrui %add3A_1965, %shift_right_logical3A_1967 : vector<128x64xi32>
    %or3A_1969 = arith.ori %and3A_1962, %shift_right_logical3A_1968 : vector<128x64xi32>
    %slice3A_1970 = vector.extract_strided_slice %bitcast_convert_type3A_1954 {offsets = [256, 0], sizes = [128, 64], strides = [1, 1]} : vector<512x64xi32> to vector<128x64xi32>
    %slice3A_1971 = vector.extract_strided_slice %bitcast_convert_type3A_1954 {offsets = [384, 0], sizes = [128, 64], strides = [1, 1]} : vector<512x64xi32> to vector<128x64xi32>
    %add3A_1972 = arith.constant 32768 : i32
    %add3A_1973 = vector.broadcast %add3A_1972 : i32 to vector<128x64xi32>
    %add3A_1974 = arith.addi %slice3A_1970, %add3A_1973 : vector<128x64xi32>
    %and3A_1975 = arith.constant -65536 : i32
    %and3A_1976 = vector.broadcast %and3A_1975 : i32 to vector<128x64xi32>
    %and3A_1977 = arith.andi %add3A_1974, %and3A_1976 : vector<128x64xi32>
    %add3A_1978 = arith.constant 32768 : i32
    %add3A_1979 = vector.broadcast %add3A_1978 : i32 to vector<128x64xi32>
    %add3A_1980 = arith.addi %slice3A_1971, %add3A_1979 : vector<128x64xi32>
    %shift_right_logical3A_1981 = arith.constant 16 : i32
    %shift_right_logical3A_1982 = vector.broadcast %shift_right_logical3A_1981 : i32 to vector<128x64xi32>
    %shift_right_logical3A_1983 = arith.shrui %add3A_1980, %shift_right_logical3A_1982 : vector<128x64xi32>
    %or3A_1984 = arith.ori %and3A_1977, %shift_right_logical3A_1983 : vector<128x64xi32>
    %concatenate3A_1985 = tpu.concatenate %or3A_1969, %or3A_1984 in 1 : vector<128x64xi32>, vector<128x64xi32> -> vector<128x128xi32>
    %bitcast_convert_type3A_1986 = tpu.bitcast %concatenate3A_1985 : vector<128x128xi32> -> vector<128x128xf32>
    %swap3A_1987 = arith.constant 6272 : index
    %swap3A_1988 = arith.constant 0 : index
    %swap3A_1989 = vector.load %arg2[%swap3A_1987, %swap3A_1988] : memref<8192x128xf32, #tpu.memory_space<vmem>>, vector<128x128xf32>
    tpu.vector_store %arg2[%swap3A_1987, %swap3A_1988], %bitcast_convert_type3A_1986 {strides = array<i32>} : memref<8192x128xf32, #tpu.memory_space<vmem>>, vector<128x128xf32>,
    %get3A_1990 = arith.constant 0 : index
    %get3A_1991 = arith.constant 25600 : index
    %get3A_1992 = vector.load %arg1[%get3A_1990, %get3A_1991] : memref<64x32768xf32, #tpu.memory_space<vmem>>, vector<64x512xf32>
    %transpose3A_1993 = tpu.transpose %get3A_1992, [1, 0] : vector<64x512xf32> -> vector<512x64xf32>
    %bitcast_convert_type3A_1994 = tpu.bitcast %transpose3A_1993 : vector<512x64xf32> -> vector<512x64xi32>
    %slice3A_1995 = vector.extract_strided_slice %bitcast_convert_type3A_1994 {offsets = [0, 0], sizes = [128, 64], strides = [1, 1]} : vector<512x64xi32> to vector<128x64xi32>
    %slice3A_1996 = vector.extract_strided_slice %bitcast_convert_type3A_1994 {offsets = [128, 0], sizes = [128, 64], strides = [1, 1]} : vector<512x64xi32> to vector<128x64xi32>
    %add3A_1997 = arith.constant 32768 : i32
    %add3A_1998 = vector.broadcast %add3A_1997 : i32 to vector<128x64xi32>
    %add3A_1999 = arith.addi %slice3A_1995, %add3A_1998 : vector<128x64xi32>
    %and3A_2000 = arith.constant -65536 : i32
    %and3A_2001 = vector.broadcast %and3A_2000 : i32 to vector<128x64xi32>
    %and3A_2002 = arith.andi %add3A_1999, %and3A_2001 : vector<128x64xi32>
    %add3A_2003 = arith.constant 32768 : i32
    %add3A_2004 = vector.broadcast %add3A_2003 : i32 to vector<128x64xi32>
    %add3A_2005 = arith.addi %slice3A_1996, %add3A_2004 : vector<128x64xi32>
    %shift_right_logical3A_2006 = arith.constant 16 : i32
    %shift_right_logical3A_2007 = vector.broadcast %shift_right_logical3A_2006 : i32 to vector<128x64xi32>
    %shift_right_logical3A_2008 = arith.shrui %add3A_2005, %shift_right_logical3A_2007 : vector<128x64xi32>
    %or3A_2009 = arith.ori %and3A_2002, %shift_right_logical3A_2008 : vector<128x64xi32>
    %slice3A_2010 = vector.extract_strided_slice %bitcast_convert_type3A_1994 {offsets = [256, 0], sizes = [128, 64], strides = [1, 1]} : vector<512x64xi32> to vector<128x64xi32>
    %slice3A_2011 = vector.extract_strided_slice %bitcast_convert_type3A_1994 {offsets = [384, 0], sizes = [128, 64], strides = [1, 1]} : vector<512x64xi32> to vector<128x64xi32>
    %add3A_2012 = arith.constant 32768 : i32
    %add3A_2013 = vector.broadcast %add3A_2012 : i32 to vector<128x64xi32>
    %add3A_2014 = arith.addi %slice3A_2010, %add3A_2013 : vector<128x64xi32>
    %and3A_2015 = arith.constant -65536 : i32
    %and3A_2016 = vector.broadcast %and3A_2015 : i32 to vector<128x64xi32>
    %and3A_2017 = arith.andi %add3A_2014, %and3A_2016 : vector<128x64xi32>
    %add3A_2018 = arith.constant 32768 : i32
    %add3A_2019 = vector.broadcast %add3A_2018 : i32 to vector<128x64xi32>
    %add3A_2020 = arith.addi %slice3A_2011, %add3A_2019 : vector<128x64xi32>
    %shift_right_logical3A_2021 = arith.constant 16 : i32
    %shift_right_logical3A_2022 = vector.broadcast %shift_right_logical3A_2021 : i32 to vector<128x64xi32>
    %shift_right_logical3A_2023 = arith.shrui %add3A_2020, %shift_right_logical3A_2022 : vector<128x64xi32>
    %or3A_2024 = arith.ori %and3A_2017, %shift_right_logical3A_2023 : vector<128x64xi32>
    %concatenate3A_2025 = tpu.concatenate %or3A_2009, %or3A_2024 in 1 : vector<128x64xi32>, vector<128x64xi32> -> vector<128x128xi32>
    %bitcast_convert_type3A_2026 = tpu.bitcast %concatenate3A_2025 : vector<128x128xi32> -> vector<128x128xf32>
    %swap3A_2027 = arith.constant 6400 : index
    %swap3A_2028 = arith.constant 0 : index
    %swap3A_2029 = vector.load %arg2[%swap3A_2027, %swap3A_2028] : memref<8192x128xf32, #tpu.memory_space<vmem>>, vector<128x128xf32>
    tpu.vector_store %arg2[%swap3A_2027, %swap3A_2028], %bitcast_convert_type3A_2026 {strides = array<i32>} : memref<8192x128xf32, #tpu.memory_space<vmem>>, vector<128x128xf32>,
    %get3A_2030 = arith.constant 0 : index
    %get3A_2031 = arith.constant 26112 : index
    %get3A_2032 = vector.load %arg1[%get3A_2030, %get3A_2031] : memref<64x32768xf32, #tpu.memory_space<vmem>>, vector<64x512xf32>
    %transpose3A_2033 = tpu.transpose %get3A_2032, [1, 0] : vector<64x512xf32> -> vector<512x64xf32>
    %bitcast_convert_type3A_2034 = tpu.bitcast %transpose3A_2033 : vector<512x64xf32> -> vector<512x64xi32>
    %slice3A_2035 = vector.extract_strided_slice %bitcast_convert_type3A_2034 {offsets = [0, 0], sizes = [128, 64], strides = [1, 1]} : vector<512x64xi32> to vector<128x64xi32>
    %slice3A_2036 = vector.extract_strided_slice %bitcast_convert_type3A_2034 {offsets = [128, 0], sizes = [128, 64], strides = [1, 1]} : vector<512x64xi32> to vector<128x64xi32>
    %add3A_2037 = arith.constant 32768 : i32
    %add3A_2038 = vector.broadcast %add3A_2037 : i32 to vector<128x64xi32>
    %add3A_2039 = arith.addi %slice3A_2035, %add3A_2038 : vector<128x64xi32>
    %and3A_2040 = arith.constant -65536 : i32
    %and3A_2041 = vector.broadcast %and3A_2040 : i32 to vector<128x64xi32>
    %and3A_2042 = arith.andi %add3A_2039, %and3A_2041 : vector<128x64xi32>
    %add3A_2043 = arith.constant 32768 : i32
    %add3A_2044 = vector.broadcast %add3A_2043 : i32 to vector<128x64xi32>
    %add3A_2045 = arith.addi %slice3A_2036, %add3A_2044 : vector<128x64xi32>
    %shift_right_logical3A_2046 = arith.constant 16 : i32
    %shift_right_logical3A_2047 = vector.broadcast %shift_right_logical3A_2046 : i32 to vector<128x64xi32>
    %shift_right_logical3A_2048 = arith.shrui %add3A_2045, %shift_right_logical3A_2047 : vector<128x64xi32>
    %or3A_2049 = arith.ori %and3A_2042, %shift_right_logical3A_2048 : vector<128x64xi32>
    %slice3A_2050 = vector.extract_strided_slice %bitcast_convert_type3A_2034 {offsets = [256, 0], sizes = [128, 64], strides = [1, 1]} : vector<512x64xi32> to vector<128x64xi32>
    %slice3A_2051 = vector.extract_strided_slice %bitcast_convert_type3A_2034 {offsets = [384, 0], sizes = [128, 64], strides = [1, 1]} : vector<512x64xi32> to vector<128x64xi32>
    %add3A_2052 = arith.constant 32768 : i32
    %add3A_2053 = vector.broadcast %add3A_2052 : i32 to vector<128x64xi32>
    %add3A_2054 = arith.addi %slice3A_2050, %add3A_2053 : vector<128x64xi32>
    %and3A_2055 = arith.constant -65536 : i32
    %and3A_2056 = vector.broadcast %and3A_2055 : i32 to vector<128x64xi32>
    %and3A_2057 = arith.andi %add3A_2054, %and3A_2056 : vector<128x64xi32>
    %add3A_2058 = arith.constant 32768 : i32
    %add3A_2059 = vector.broadcast %add3A_2058 : i32 to vector<128x64xi32>
    %add3A_2060 = arith.addi %slice3A_2051, %add3A_2059 : vector<128x64xi32>
    %shift_right_logical3A_2061 = arith.constant 16 : i32
    %shift_right_logical3A_2062 = vector.broadcast %shift_right_logical3A_2061 : i32 to vector<128x64xi32>
    %shift_right_logical3A_2063 = arith.shrui %add3A_2060, %shift_right_logical3A_2062 : vector<128x64xi32>
    %or3A_2064 = arith.ori %and3A_2057, %shift_right_logical3A_2063 : vector<128x64xi32>
    %concatenate3A_2065 = tpu.concatenate %or3A_2049, %or3A_2064 in 1 : vector<128x64xi32>, vector<128x64xi32> -> vector<128x128xi32>
    %bitcast_convert_type3A_2066 = tpu.bitcast %concatenate3A_2065 : vector<128x128xi32> -> vector<128x128xf32>
    %swap3A_2067 = arith.constant 6528 : index
    %swap3A_2068 = arith.constant 0 : index
    %swap3A_2069 = vector.load %arg2[%swap3A_2067, %swap3A_2068] : memref<8192x128xf32, #tpu.memory_space<vmem>>, vector<128x128xf32>
    tpu.vector_store %arg2[%swap3A_2067, %swap3A_2068], %bitcast_convert_type3A_2066 {strides = array<i32>} : memref<8192x128xf32, #tpu.memory_space<vmem>>, vector<128x128xf32>,
    %get3A_2070 = arith.constant 0 : index
    %get3A_2071 = arith.constant 26624 : index
    %get3A_2072 = vector.load %arg1[%get3A_2070, %get3A_2071] : memref<64x32768xf32, #tpu.memory_space<vmem>>, vector<64x512xf32>
    %transpose3A_2073 = tpu.transpose %get3A_2072, [1, 0] : vector<64x512xf32> -> vector<512x64xf32>
    %bitcast_convert_type3A_2074 = tpu.bitcast %transpose3A_2073 : vector<512x64xf32> -> vector<512x64xi32>
    %slice3A_2075 = vector.extract_strided_slice %bitcast_convert_type3A_2074 {offsets = [0, 0], sizes = [128, 64], strides = [1, 1]} : vector<512x64xi32> to vector<128x64xi32>
    %slice3A_2076 = vector.extract_strided_slice %bitcast_convert_type3A_2074 {offsets = [128, 0], sizes = [128, 64], strides = [1, 1]} : vector<512x64xi32> to vector<128x64xi32>
    %add3A_2077 = arith.constant 32768 : i32
    %add3A_2078 = vector.broadcast %add3A_2077 : i32 to vector<128x64xi32>
    %add3A_2079 = arith.addi %slice3A_2075, %add3A_2078 : vector<128x64xi32>
    %and3A_2080 = arith.constant -65536 : i32
    %and3A_2081 = vector.broadcast %and3A_2080 : i32 to vector<128x64xi32>
    %and3A_2082 = arith.andi %add3A_2079, %and3A_2081 : vector<128x64xi32>
    %add3A_2083 = arith.constant 32768 : i32
    %add3A_2084 = vector.broadcast %add3A_2083 : i32 to vector<128x64xi32>
    %add3A_2085 = arith.addi %slice3A_2076, %add3A_2084 : vector<128x64xi32>
    %shift_right_logical3A_2086 = arith.constant 16 : i32
    %shift_right_logical3A_2087 = vector.broadcast %shift_right_logical3A_2086 : i32 to vector<128x64xi32>
    %shift_right_logical3A_2088 = arith.shrui %add3A_2085, %shift_right_logical3A_2087 : vector<128x64xi32>
    %or3A_2089 = arith.ori %and3A_2082, %shift_right_logical3A_2088 : vector<128x64xi32>
    %slice3A_2090 = vector.extract_strided_slice %bitcast_convert_type3A_2074 {offsets = [256, 0], sizes = [128, 64], strides = [1, 1]} : vector<512x64xi32> to vector<128x64xi32>
    %slice3A_2091 = vector.extract_strided_slice %bitcast_convert_type3A_2074 {offsets = [384, 0], sizes = [128, 64], strides = [1, 1]} : vector<512x64xi32> to vector<128x64xi32>
    %add3A_2092 = arith.constant 32768 : i32
    %add3A_2093 = vector.broadcast %add3A_2092 : i32 to vector<128x64xi32>
    %add3A_2094 = arith.addi %slice3A_2090, %add3A_2093 : vector<128x64xi32>
    %and3A_2095 = arith.constant -65536 : i32
    %and3A_2096 = vector.broadcast %and3A_2095 : i32 to vector<128x64xi32>
    %and3A_2097 = arith.andi %add3A_2094, %and3A_2096 : vector<128x64xi32>
    %add3A_2098 = arith.constant 32768 : i32
    %add3A_2099 = vector.broadcast %add3A_2098 : i32 to vector<128x64xi32>
    %add3A_2100 = arith.addi %slice3A_2091, %add3A_2099 : vector<128x64xi32>
    %shift_right_logical3A_2101 = arith.constant 16 : i32
    %shift_right_logical3A_2102 = vector.broadcast %shift_right_logical3A_2101 : i32 to vector<128x64xi32>
    %shift_right_logical3A_2103 = arith.shrui %add3A_2100, %shift_right_logical3A_2102 : vector<128x64xi32>
    %or3A_2104 = arith.ori %and3A_2097, %shift_right_logical3A_2103 : vector<128x64xi32>
    %concatenate3A_2105 = tpu.concatenate %or3A_2089, %or3A_2104 in 1 : vector<128x64xi32>, vector<128x64xi32> -> vector<128x128xi32>
    %bitcast_convert_type3A_2106 = tpu.bitcast %concatenate3A_2105 : vector<128x128xi32> -> vector<128x128xf32>
    %swap3A_2107 = arith.constant 6656 : index
    %swap3A_2108 = arith.constant 0 : index
    %swap3A_2109 = vector.load %arg2[%swap3A_2107, %swap3A_2108] : memref<8192x128xf32, #tpu.memory_space<vmem>>, vector<128x128xf32>
    tpu.vector_store %arg2[%swap3A_2107, %swap3A_2108], %bitcast_convert_type3A_2106 {strides = array<i32>} : memref<8192x128xf32, #tpu.memory_space<vmem>>, vector<128x128xf32>,
    %get3A_2110 = arith.constant 0 : index
    %get3A_2111 = arith.constant 27136 : index
    %get3A_2112 = vector.load %arg1[%get3A_2110, %get3A_2111] : memref<64x32768xf32, #tpu.memory_space<vmem>>, vector<64x512xf32>
    %transpose3A_2113 = tpu.transpose %get3A_2112, [1, 0] : vector<64x512xf32> -> vector<512x64xf32>
    %bitcast_convert_type3A_2114 = tpu.bitcast %transpose3A_2113 : vector<512x64xf32> -> vector<512x64xi32>
    %slice3A_2115 = vector.extract_strided_slice %bitcast_convert_type3A_2114 {offsets = [0, 0], sizes = [128, 64], strides = [1, 1]} : vector<512x64xi32> to vector<128x64xi32>
    %slice3A_2116 = vector.extract_strided_slice %bitcast_convert_type3A_2114 {offsets = [128, 0], sizes = [128, 64], strides = [1, 1]} : vector<512x64xi32> to vector<128x64xi32>
    %add3A_2117 = arith.constant 32768 : i32
    %add3A_2118 = vector.broadcast %add3A_2117 : i32 to vector<128x64xi32>
    %add3A_2119 = arith.addi %slice3A_2115, %add3A_2118 : vector<128x64xi32>
    %and3A_2120 = arith.constant -65536 : i32
    %and3A_2121 = vector.broadcast %and3A_2120 : i32 to vector<128x64xi32>
    %and3A_2122 = arith.andi %add3A_2119, %and3A_2121 : vector<128x64xi32>
    %add3A_2123 = arith.constant 32768 : i32
    %add3A_2124 = vector.broadcast %add3A_2123 : i32 to vector<128x64xi32>
    %add3A_2125 = arith.addi %slice3A_2116, %add3A_2124 : vector<128x64xi32>
    %shift_right_logical3A_2126 = arith.constant 16 : i32
    %shift_right_logical3A_2127 = vector.broadcast %shift_right_logical3A_2126 : i32 to vector<128x64xi32>
    %shift_right_logical3A_2128 = arith.shrui %add3A_2125, %shift_right_logical3A_2127 : vector<128x64xi32>
    %or3A_2129 = arith.ori %and3A_2122, %shift_right_logical3A_2128 : vector<128x64xi32>
    %slice3A_2130 = vector.extract_strided_slice %bitcast_convert_type3A_2114 {offsets = [256, 0], sizes = [128, 64], strides = [1, 1]} : vector<512x64xi32> to vector<128x64xi32>
    %slice3A_2131 = vector.extract_strided_slice %bitcast_convert_type3A_2114 {offsets = [384, 0], sizes = [128, 64], strides = [1, 1]} : vector<512x64xi32> to vector<128x64xi32>
    %add3A_2132 = arith.constant 32768 : i32
    %add3A_2133 = vector.broadcast %add3A_2132 : i32 to vector<128x64xi32>
    %add3A_2134 = arith.addi %slice3A_2130, %add3A_2133 : vector<128x64xi32>
    %and3A_2135 = arith.constant -65536 : i32
    %and3A_2136 = vector.broadcast %and3A_2135 : i32 to vector<128x64xi32>
    %and3A_2137 = arith.andi %add3A_2134, %and3A_2136 : vector<128x64xi32>
    %add3A_2138 = arith.constant 32768 : i32
    %add3A_2139 = vector.broadcast %add3A_2138 : i32 to vector<128x64xi32>
    %add3A_2140 = arith.addi %slice3A_2131, %add3A_2139 : vector<128x64xi32>
    %shift_right_logical3A_2141 = arith.constant 16 : i32
    %shift_right_logical3A_2142 = vector.broadcast %shift_right_logical3A_2141 : i32 to vector<128x64xi32>
    %shift_right_logical3A_2143 = arith.shrui %add3A_2140, %shift_right_logical3A_2142 : vector<128x64xi32>
    %or3A_2144 = arith.ori %and3A_2137, %shift_right_logical3A_2143 : vector<128x64xi32>
    %concatenate3A_2145 = tpu.concatenate %or3A_2129, %or3A_2144 in 1 : vector<128x64xi32>, vector<128x64xi32> -> vector<128x128xi32>
    %bitcast_convert_type3A_2146 = tpu.bitcast %concatenate3A_2145 : vector<128x128xi32> -> vector<128x128xf32>
    %swap3A_2147 = arith.constant 6784 : index
    %swap3A_2148 = arith.constant 0 : index
    %swap3A_2149 = vector.load %arg2[%swap3A_2147, %swap3A_2148] : memref<8192x128xf32, #tpu.memory_space<vmem>>, vector<128x128xf32>
    tpu.vector_store %arg2[%swap3A_2147, %swap3A_2148], %bitcast_convert_type3A_2146 {strides = array<i32>} : memref<8192x128xf32, #tpu.memory_space<vmem>>, vector<128x128xf32>,
    %get3A_2150 = arith.constant 0 : index
    %get3A_2151 = arith.constant 27648 : index
    %get3A_2152 = vector.load %arg1[%get3A_2150, %get3A_2151] : memref<64x32768xf32, #tpu.memory_space<vmem>>, vector<64x512xf32>
    %transpose3A_2153 = tpu.transpose %get3A_2152, [1, 0] : vector<64x512xf32> -> vector<512x64xf32>
    %bitcast_convert_type3A_2154 = tpu.bitcast %transpose3A_2153 : vector<512x64xf32> -> vector<512x64xi32>
    %slice3A_2155 = vector.extract_strided_slice %bitcast_convert_type3A_2154 {offsets = [0, 0], sizes = [128, 64], strides = [1, 1]} : vector<512x64xi32> to vector<128x64xi32>
    %slice3A_2156 = vector.extract_strided_slice %bitcast_convert_type3A_2154 {offsets = [128, 0], sizes = [128, 64], strides = [1, 1]} : vector<512x64xi32> to vector<128x64xi32>
    %add3A_2157 = arith.constant 32768 : i32
    %add3A_2158 = vector.broadcast %add3A_2157 : i32 to vector<128x64xi32>
    %add3A_2159 = arith.addi %slice3A_2155, %add3A_2158 : vector<128x64xi32>
    %and3A_2160 = arith.constant -65536 : i32
    %and3A_2161 = vector.broadcast %and3A_2160 : i32 to vector<128x64xi32>
    %and3A_2162 = arith.andi %add3A_2159, %and3A_2161 : vector<128x64xi32>
    %add3A_2163 = arith.constant 32768 : i32
    %add3A_2164 = vector.broadcast %add3A_2163 : i32 to vector<128x64xi32>
    %add3A_2165 = arith.addi %slice3A_2156, %add3A_2164 : vector<128x64xi32>
    %shift_right_logical3A_2166 = arith.constant 16 : i32
    %shift_right_logical3A_2167 = vector.broadcast %shift_right_logical3A_2166 : i32 to vector<128x64xi32>
    %shift_right_logical3A_2168 = arith.shrui %add3A_2165, %shift_right_logical3A_2167 : vector<128x64xi32>
    %or3A_2169 = arith.ori %and3A_2162, %shift_right_logical3A_2168 : vector<128x64xi32>
    %slice3A_2170 = vector.extract_strided_slice %bitcast_convert_type3A_2154 {offsets = [256, 0], sizes = [128, 64], strides = [1, 1]} : vector<512x64xi32> to vector<128x64xi32>
    %slice3A_2171 = vector.extract_strided_slice %bitcast_convert_type3A_2154 {offsets = [384, 0], sizes = [128, 64], strides = [1, 1]} : vector<512x64xi32> to vector<128x64xi32>
    %add3A_2172 = arith.constant 32768 : i32
    %add3A_2173 = vector.broadcast %add3A_2172 : i32 to vector<128x64xi32>
    %add3A_2174 = arith.addi %slice3A_2170, %add3A_2173 : vector<128x64xi32>
    %and3A_2175 = arith.constant -65536 : i32
    %and3A_2176 = vector.broadcast %and3A_2175 : i32 to vector<128x64xi32>
    %and3A_2177 = arith.andi %add3A_2174, %and3A_2176 : vector<128x64xi32>
    %add3A_2178 = arith.constant 32768 : i32
    %add3A_2179 = vector.broadcast %add3A_2178 : i32 to vector<128x64xi32>
    %add3A_2180 = arith.addi %slice3A_2171, %add3A_2179 : vector<128x64xi32>
    %shift_right_logical3A_2181 = arith.constant 16 : i32
    %shift_right_logical3A_2182 = vector.broadcast %shift_right_logical3A_2181 : i32 to vector<128x64xi32>
    %shift_right_logical3A_2183 = arith.shrui %add3A_2180, %shift_right_logical3A_2182 : vector<128x64xi32>
    %or3A_2184 = arith.ori %and3A_2177, %shift_right_logical3A_2183 : vector<128x64xi32>
    %concatenate3A_2185 = tpu.concatenate %or3A_2169, %or3A_2184 in 1 : vector<128x64xi32>, vector<128x64xi32> -> vector<128x128xi32>
    %bitcast_convert_type3A_2186 = tpu.bitcast %concatenate3A_2185 : vector<128x128xi32> -> vector<128x128xf32>
    %swap3A_2187 = arith.constant 6912 : index
    %swap3A_2188 = arith.constant 0 : index
    %swap3A_2189 = vector.load %arg2[%swap3A_2187, %swap3A_2188] : memref<8192x128xf32, #tpu.memory_space<vmem>>, vector<128x128xf32>
    tpu.vector_store %arg2[%swap3A_2187, %swap3A_2188], %bitcast_convert_type3A_2186 {strides = array<i32>} : memref<8192x128xf32, #tpu.memory_space<vmem>>, vector<128x128xf32>,
    %get3A_2190 = arith.constant 0 : index
    %get3A_2191 = arith.constant 28160 : index
    %get3A_2192 = vector.load %arg1[%get3A_2190, %get3A_2191] : memref<64x32768xf32, #tpu.memory_space<vmem>>, vector<64x512xf32>
    %transpose3A_2193 = tpu.transpose %get3A_2192, [1, 0] : vector<64x512xf32> -> vector<512x64xf32>
    %bitcast_convert_type3A_2194 = tpu.bitcast %transpose3A_2193 : vector<512x64xf32> -> vector<512x64xi32>
    %slice3A_2195 = vector.extract_strided_slice %bitcast_convert_type3A_2194 {offsets = [0, 0], sizes = [128, 64], strides = [1, 1]} : vector<512x64xi32> to vector<128x64xi32>
    %slice3A_2196 = vector.extract_strided_slice %bitcast_convert_type3A_2194 {offsets = [128, 0], sizes = [128, 64], strides = [1, 1]} : vector<512x64xi32> to vector<128x64xi32>
    %add3A_2197 = arith.constant 32768 : i32
    %add3A_2198 = vector.broadcast %add3A_2197 : i32 to vector<128x64xi32>
    %add3A_2199 = arith.addi %slice3A_2195, %add3A_2198 : vector<128x64xi32>
    %and3A_2200 = arith.constant -65536 : i32
    %and3A_2201 = vector.broadcast %and3A_2200 : i32 to vector<128x64xi32>
    %and3A_2202 = arith.andi %add3A_2199, %and3A_2201 : vector<128x64xi32>
    %add3A_2203 = arith.constant 32768 : i32
    %add3A_2204 = vector.broadcast %add3A_2203 : i32 to vector<128x64xi32>
    %add3A_2205 = arith.addi %slice3A_2196, %add3A_2204 : vector<128x64xi32>
    %shift_right_logical3A_2206 = arith.constant 16 : i32
    %shift_right_logical3A_2207 = vector.broadcast %shift_right_logical3A_2206 : i32 to vector<128x64xi32>
    %shift_right_logical3A_2208 = arith.shrui %add3A_2205, %shift_right_logical3A_2207 : vector<128x64xi32>
    %or3A_2209 = arith.ori %and3A_2202, %shift_right_logical3A_2208 : vector<128x64xi32>
    %slice3A_2210 = vector.extract_strided_slice %bitcast_convert_type3A_2194 {offsets = [256, 0], sizes = [128, 64], strides = [1, 1]} : vector<512x64xi32> to vector<128x64xi32>
    %slice3A_2211 = vector.extract_strided_slice %bitcast_convert_type3A_2194 {offsets = [384, 0], sizes = [128, 64], strides = [1, 1]} : vector<512x64xi32> to vector<128x64xi32>
    %add3A_2212 = arith.constant 32768 : i32
    %add3A_2213 = vector.broadcast %add3A_2212 : i32 to vector<128x64xi32>
    %add3A_2214 = arith.addi %slice3A_2210, %add3A_2213 : vector<128x64xi32>
    %and3A_2215 = arith.constant -65536 : i32
    %and3A_2216 = vector.broadcast %and3A_2215 : i32 to vector<128x64xi32>
    %and3A_2217 = arith.andi %add3A_2214, %and3A_2216 : vector<128x64xi32>
    %add3A_2218 = arith.constant 32768 : i32
    %add3A_2219 = vector.broadcast %add3A_2218 : i32 to vector<128x64xi32>
    %add3A_2220 = arith.addi %slice3A_2211, %add3A_2219 : vector<128x64xi32>
    %shift_right_logical3A_2221 = arith.constant 16 : i32
    %shift_right_logical3A_2222 = vector.broadcast %shift_right_logical3A_2221 : i32 to vector<128x64xi32>
    %shift_right_logical3A_2223 = arith.shrui %add3A_2220, %shift_right_logical3A_2222 : vector<128x64xi32>
    %or3A_2224 = arith.ori %and3A_2217, %shift_right_logical3A_2223 : vector<128x64xi32>
    %concatenate3A_2225 = tpu.concatenate %or3A_2209, %or3A_2224 in 1 : vector<128x64xi32>, vector<128x64xi32> -> vector<128x128xi32>
    %bitcast_convert_type3A_2226 = tpu.bitcast %concatenate3A_2225 : vector<128x128xi32> -> vector<128x128xf32>
    %swap3A_2227 = arith.constant 7040 : index
    %swap3A_2228 = arith.constant 0 : index
    %swap3A_2229 = vector.load %arg2[%swap3A_2227, %swap3A_2228] : memref<8192x128xf32, #tpu.memory_space<vmem>>, vector<128x128xf32>
    tpu.vector_store %arg2[%swap3A_2227, %swap3A_2228], %bitcast_convert_type3A_2226 {strides = array<i32>} : memref<8192x128xf32, #tpu.memory_space<vmem>>, vector<128x128xf32>,
    %get3A_2230 = arith.constant 0 : index
    %get3A_2231 = arith.constant 28672 : index
    %get3A_2232 = vector.load %arg1[%get3A_2230, %get3A_2231] : memref<64x32768xf32, #tpu.memory_space<vmem>>, vector<64x512xf32>
    %transpose3A_2233 = tpu.transpose %get3A_2232, [1, 0] : vector<64x512xf32> -> vector<512x64xf32>
    %bitcast_convert_type3A_2234 = tpu.bitcast %transpose3A_2233 : vector<512x64xf32> -> vector<512x64xi32>
    %slice3A_2235 = vector.extract_strided_slice %bitcast_convert_type3A_2234 {offsets = [0, 0], sizes = [128, 64], strides = [1, 1]} : vector<512x64xi32> to vector<128x64xi32>
    %slice3A_2236 = vector.extract_strided_slice %bitcast_convert_type3A_2234 {offsets = [128, 0], sizes = [128, 64], strides = [1, 1]} : vector<512x64xi32> to vector<128x64xi32>
    %add3A_2237 = arith.constant 32768 : i32
    %add3A_2238 = vector.broadcast %add3A_2237 : i32 to vector<128x64xi32>
    %add3A_2239 = arith.addi %slice3A_2235, %add3A_2238 : vector<128x64xi32>
    %and3A_2240 = arith.constant -65536 : i32
    %and3A_2241 = vector.broadcast %and3A_2240 : i32 to vector<128x64xi32>
    %and3A_2242 = arith.andi %add3A_2239, %and3A_2241 : vector<128x64xi32>
    %add3A_2243 = arith.constant 32768 : i32
    %add3A_2244 = vector.broadcast %add3A_2243 : i32 to vector<128x64xi32>
    %add3A_2245 = arith.addi %slice3A_2236, %add3A_2244 : vector<128x64xi32>
    %shift_right_logical3A_2246 = arith.constant 16 : i32
    %shift_right_logical3A_2247 = vector.broadcast %shift_right_logical3A_2246 : i32 to vector<128x64xi32>
    %shift_right_logical3A_2248 = arith.shrui %add3A_2245, %shift_right_logical3A_2247 : vector<128x64xi32>
    %or3A_2249 = arith.ori %and3A_2242, %shift_right_logical3A_2248 : vector<128x64xi32>
    %slice3A_2250 = vector.extract_strided_slice %bitcast_convert_type3A_2234 {offsets = [256, 0], sizes = [128, 64], strides = [1, 1]} : vector<512x64xi32> to vector<128x64xi32>
    %slice3A_2251 = vector.extract_strided_slice %bitcast_convert_type3A_2234 {offsets = [384, 0], sizes = [128, 64], strides = [1, 1]} : vector<512x64xi32> to vector<128x64xi32>
    %add3A_2252 = arith.constant 32768 : i32
    %add3A_2253 = vector.broadcast %add3A_2252 : i32 to vector<128x64xi32>
    %add3A_2254 = arith.addi %slice3A_2250, %add3A_2253 : vector<128x64xi32>
    %and3A_2255 = arith.constant -65536 : i32
    %and3A_2256 = vector.broadcast %and3A_2255 : i32 to vector<128x64xi32>
    %and3A_2257 = arith.andi %add3A_2254, %and3A_2256 : vector<128x64xi32>
    %add3A_2258 = arith.constant 32768 : i32
    %add3A_2259 = vector.broadcast %add3A_2258 : i32 to vector<128x64xi32>
    %add3A_2260 = arith.addi %slice3A_2251, %add3A_2259 : vector<128x64xi32>
    %shift_right_logical3A_2261 = arith.constant 16 : i32
    %shift_right_logical3A_2262 = vector.broadcast %shift_right_logical3A_2261 : i32 to vector<128x64xi32>
    %shift_right_logical3A_2263 = arith.shrui %add3A_2260, %shift_right_logical3A_2262 : vector<128x64xi32>
    %or3A_2264 = arith.ori %and3A_2257, %shift_right_logical3A_2263 : vector<128x64xi32>
    %concatenate3A_2265 = tpu.concatenate %or3A_2249, %or3A_2264 in 1 : vector<128x64xi32>, vector<128x64xi32> -> vector<128x128xi32>
    %bitcast_convert_type3A_2266 = tpu.bitcast %concatenate3A_2265 : vector<128x128xi32> -> vector<128x128xf32>
    %swap3A_2267 = arith.constant 7168 : index
    %swap3A_2268 = arith.constant 0 : index
    %swap3A_2269 = vector.load %arg2[%swap3A_2267, %swap3A_2268] : memref<8192x128xf32, #tpu.memory_space<vmem>>, vector<128x128xf32>
    tpu.vector_store %arg2[%swap3A_2267, %swap3A_2268], %bitcast_convert_type3A_2266 {strides = array<i32>} : memref<8192x128xf32, #tpu.memory_space<vmem>>, vector<128x128xf32>,
    %get3A_2270 = arith.constant 0 : index
    %get3A_2271 = arith.constant 29184 : index
    %get3A_2272 = vector.load %arg1[%get3A_2270, %get3A_2271] : memref<64x32768xf32, #tpu.memory_space<vmem>>, vector<64x512xf32>
    %transpose3A_2273 = tpu.transpose %get3A_2272, [1, 0] : vector<64x512xf32> -> vector<512x64xf32>
    %bitcast_convert_type3A_2274 = tpu.bitcast %transpose3A_2273 : vector<512x64xf32> -> vector<512x64xi32>
    %slice3A_2275 = vector.extract_strided_slice %bitcast_convert_type3A_2274 {offsets = [0, 0], sizes = [128, 64], strides = [1, 1]} : vector<512x64xi32> to vector<128x64xi32>
    %slice3A_2276 = vector.extract_strided_slice %bitcast_convert_type3A_2274 {offsets = [128, 0], sizes = [128, 64], strides = [1, 1]} : vector<512x64xi32> to vector<128x64xi32>
    %add3A_2277 = arith.constant 32768 : i32
    %add3A_2278 = vector.broadcast %add3A_2277 : i32 to vector<128x64xi32>
    %add3A_2279 = arith.addi %slice3A_2275, %add3A_2278 : vector<128x64xi32>
    %and3A_2280 = arith.constant -65536 : i32
    %and3A_2281 = vector.broadcast %and3A_2280 : i32 to vector<128x64xi32>
    %and3A_2282 = arith.andi %add3A_2279, %and3A_2281 : vector<128x64xi32>
    %add3A_2283 = arith.constant 32768 : i32
    %add3A_2284 = vector.broadcast %add3A_2283 : i32 to vector<128x64xi32>
    %add3A_2285 = arith.addi %slice3A_2276, %add3A_2284 : vector<128x64xi32>
    %shift_right_logical3A_2286 = arith.constant 16 : i32
    %shift_right_logical3A_2287 = vector.broadcast %shift_right_logical3A_2286 : i32 to vector<128x64xi32>
    %shift_right_logical3A_2288 = arith.shrui %add3A_2285, %shift_right_logical3A_2287 : vector<128x64xi32>
    %or3A_2289 = arith.ori %and3A_2282, %shift_right_logical3A_2288 : vector<128x64xi32>
    %slice3A_2290 = vector.extract_strided_slice %bitcast_convert_type3A_2274 {offsets = [256, 0], sizes = [128, 64], strides = [1, 1]} : vector<512x64xi32> to vector<128x64xi32>
    %slice3A_2291 = vector.extract_strided_slice %bitcast_convert_type3A_2274 {offsets = [384, 0], sizes = [128, 64], strides = [1, 1]} : vector<512x64xi32> to vector<128x64xi32>
    %add3A_2292 = arith.constant 32768 : i32
    %add3A_2293 = vector.broadcast %add3A_2292 : i32 to vector<128x64xi32>
    %add3A_2294 = arith.addi %slice3A_2290, %add3A_2293 : vector<128x64xi32>
    %and3A_2295 = arith.constant -65536 : i32
    %and3A_2296 = vector.broadcast %and3A_2295 : i32 to vector<128x64xi32>
    %and3A_2297 = arith.andi %add3A_2294, %and3A_2296 : vector<128x64xi32>
    %add3A_2298 = arith.constant 32768 : i32
    %add3A_2299 = vector.broadcast %add3A_2298 : i32 to vector<128x64xi32>
    %add3A_2300 = arith.addi %slice3A_2291, %add3A_2299 : vector<128x64xi32>
    %shift_right_logical3A_2301 = arith.constant 16 : i32
    %shift_right_logical3A_2302 = vector.broadcast %shift_right_logical3A_2301 : i32 to vector<128x64xi32>
    %shift_right_logical3A_2303 = arith.shrui %add3A_2300, %shift_right_logical3A_2302 : vector<128x64xi32>
    %or3A_2304 = arith.ori %and3A_2297, %shift_right_logical3A_2303 : vector<128x64xi32>
    %concatenate3A_2305 = tpu.concatenate %or3A_2289, %or3A_2304 in 1 : vector<128x64xi32>, vector<128x64xi32> -> vector<128x128xi32>
    %bitcast_convert_type3A_2306 = tpu.bitcast %concatenate3A_2305 : vector<128x128xi32> -> vector<128x128xf32>
    %swap3A_2307 = arith.constant 7296 : index
    %swap3A_2308 = arith.constant 0 : index
    %swap3A_2309 = vector.load %arg2[%swap3A_2307, %swap3A_2308] : memref<8192x128xf32, #tpu.memory_space<vmem>>, vector<128x128xf32>
    tpu.vector_store %arg2[%swap3A_2307, %swap3A_2308], %bitcast_convert_type3A_2306 {strides = array<i32>} : memref<8192x128xf32, #tpu.memory_space<vmem>>, vector<128x128xf32>,
    %get3A_2310 = arith.constant 0 : index
    %get3A_2311 = arith.constant 29696 : index
    %get3A_2312 = vector.load %arg1[%get3A_2310, %get3A_2311] : memref<64x32768xf32, #tpu.memory_space<vmem>>, vector<64x512xf32>
    %transpose3A_2313 = tpu.transpose %get3A_2312, [1, 0] : vector<64x512xf32> -> vector<512x64xf32>
    %bitcast_convert_type3A_2314 = tpu.bitcast %transpose3A_2313 : vector<512x64xf32> -> vector<512x64xi32>
    %slice3A_2315 = vector.extract_strided_slice %bitcast_convert_type3A_2314 {offsets = [0, 0], sizes = [128, 64], strides = [1, 1]} : vector<512x64xi32> to vector<128x64xi32>
    %slice3A_2316 = vector.extract_strided_slice %bitcast_convert_type3A_2314 {offsets = [128, 0], sizes = [128, 64], strides = [1, 1]} : vector<512x64xi32> to vector<128x64xi32>
    %add3A_2317 = arith.constant 32768 : i32
    %add3A_2318 = vector.broadcast %add3A_2317 : i32 to vector<128x64xi32>
    %add3A_2319 = arith.addi %slice3A_2315, %add3A_2318 : vector<128x64xi32>
    %and3A_2320 = arith.constant -65536 : i32
    %and3A_2321 = vector.broadcast %and3A_2320 : i32 to vector<128x64xi32>
    %and3A_2322 = arith.andi %add3A_2319, %and3A_2321 : vector<128x64xi32>
    %add3A_2323 = arith.constant 32768 : i32
    %add3A_2324 = vector.broadcast %add3A_2323 : i32 to vector<128x64xi32>
    %add3A_2325 = arith.addi %slice3A_2316, %add3A_2324 : vector<128x64xi32>
    %shift_right_logical3A_2326 = arith.constant 16 : i32
    %shift_right_logical3A_2327 = vector.broadcast %shift_right_logical3A_2326 : i32 to vector<128x64xi32>
    %shift_right_logical3A_2328 = arith.shrui %add3A_2325, %shift_right_logical3A_2327 : vector<128x64xi32>
    %or3A_2329 = arith.ori %and3A_2322, %shift_right_logical3A_2328 : vector<128x64xi32>
    %slice3A_2330 = vector.extract_strided_slice %bitcast_convert_type3A_2314 {offsets = [256, 0], sizes = [128, 64], strides = [1, 1]} : vector<512x64xi32> to vector<128x64xi32>
    %slice3A_2331 = vector.extract_strided_slice %bitcast_convert_type3A_2314 {offsets = [384, 0], sizes = [128, 64], strides = [1, 1]} : vector<512x64xi32> to vector<128x64xi32>
    %add3A_2332 = arith.constant 32768 : i32
    %add3A_2333 = vector.broadcast %add3A_2332 : i32 to vector<128x64xi32>
    %add3A_2334 = arith.addi %slice3A_2330, %add3A_2333 : vector<128x64xi32>
    %and3A_2335 = arith.constant -65536 : i32
    %and3A_2336 = vector.broadcast %and3A_2335 : i32 to vector<128x64xi32>
    %and3A_2337 = arith.andi %add3A_2334, %and3A_2336 : vector<128x64xi32>
    %add3A_2338 = arith.constant 32768 : i32
    %add3A_2339 = vector.broadcast %add3A_2338 : i32 to vector<128x64xi32>
    %add3A_2340 = arith.addi %slice3A_2331, %add3A_2339 : vector<128x64xi32>
    %shift_right_logical3A_2341 = arith.constant 16 : i32
    %shift_right_logical3A_2342 = vector.broadcast %shift_right_logical3A_2341 : i32 to vector<128x64xi32>
    %shift_right_logical3A_2343 = arith.shrui %add3A_2340, %shift_right_logical3A_2342 : vector<128x64xi32>
    %or3A_2344 = arith.ori %and3A_2337, %shift_right_logical3A_2343 : vector<128x64xi32>
    %concatenate3A_2345 = tpu.concatenate %or3A_2329, %or3A_2344 in 1 : vector<128x64xi32>, vector<128x64xi32> -> vector<128x128xi32>
    %bitcast_convert_type3A_2346 = tpu.bitcast %concatenate3A_2345 : vector<128x128xi32> -> vector<128x128xf32>
    %swap3A_2347 = arith.constant 7424 : index
    %swap3A_2348 = arith.constant 0 : index
    %swap3A_2349 = vector.load %arg2[%swap3A_2347, %swap3A_2348] : memref<8192x128xf32, #tpu.memory_space<vmem>>, vector<128x128xf32>
    tpu.vector_store %arg2[%swap3A_2347, %swap3A_2348], %bitcast_convert_type3A_2346 {strides = array<i32>} : memref<8192x128xf32, #tpu.memory_space<vmem>>, vector<128x128xf32>,
    %get3A_2350 = arith.constant 0 : index
    %get3A_2351 = arith.constant 30208 : index
    %get3A_2352 = vector.load %arg1[%get3A_2350, %get3A_2351] : memref<64x32768xf32, #tpu.memory_space<vmem>>, vector<64x512xf32>
    %transpose3A_2353 = tpu.transpose %get3A_2352, [1, 0] : vector<64x512xf32> -> vector<512x64xf32>
    %bitcast_convert_type3A_2354 = tpu.bitcast %transpose3A_2353 : vector<512x64xf32> -> vector<512x64xi32>
    %slice3A_2355 = vector.extract_strided_slice %bitcast_convert_type3A_2354 {offsets = [0, 0], sizes = [128, 64], strides = [1, 1]} : vector<512x64xi32> to vector<128x64xi32>
    %slice3A_2356 = vector.extract_strided_slice %bitcast_convert_type3A_2354 {offsets = [128, 0], sizes = [128, 64], strides = [1, 1]} : vector<512x64xi32> to vector<128x64xi32>
    %add3A_2357 = arith.constant 32768 : i32
    %add3A_2358 = vector.broadcast %add3A_2357 : i32 to vector<128x64xi32>
    %add3A_2359 = arith.addi %slice3A_2355, %add3A_2358 : vector<128x64xi32>
    %and3A_2360 = arith.constant -65536 : i32
    %and3A_2361 = vector.broadcast %and3A_2360 : i32 to vector<128x64xi32>
    %and3A_2362 = arith.andi %add3A_2359, %and3A_2361 : vector<128x64xi32>
    %add3A_2363 = arith.constant 32768 : i32
    %add3A_2364 = vector.broadcast %add3A_2363 : i32 to vector<128x64xi32>
    %add3A_2365 = arith.addi %slice3A_2356, %add3A_2364 : vector<128x64xi32>
    %shift_right_logical3A_2366 = arith.constant 16 : i32
    %shift_right_logical3A_2367 = vector.broadcast %shift_right_logical3A_2366 : i32 to vector<128x64xi32>
    %shift_right_logical3A_2368 = arith.shrui %add3A_2365, %shift_right_logical3A_2367 : vector<128x64xi32>
    %or3A_2369 = arith.ori %and3A_2362, %shift_right_logical3A_2368 : vector<128x64xi32>
    %slice3A_2370 = vector.extract_strided_slice %bitcast_convert_type3A_2354 {offsets = [256, 0], sizes = [128, 64], strides = [1, 1]} : vector<512x64xi32> to vector<128x64xi32>
    %slice3A_2371 = vector.extract_strided_slice %bitcast_convert_type3A_2354 {offsets = [384, 0], sizes = [128, 64], strides = [1, 1]} : vector<512x64xi32> to vector<128x64xi32>
    %add3A_2372 = arith.constant 32768 : i32
    %add3A_2373 = vector.broadcast %add3A_2372 : i32 to vector<128x64xi32>
    %add3A_2374 = arith.addi %slice3A_2370, %add3A_2373 : vector<128x64xi32>
    %and3A_2375 = arith.constant -65536 : i32
    %and3A_2376 = vector.broadcast %and3A_2375 : i32 to vector<128x64xi32>
    %and3A_2377 = arith.andi %add3A_2374, %and3A_2376 : vector<128x64xi32>
    %add3A_2378 = arith.constant 32768 : i32
    %add3A_2379 = vector.broadcast %add3A_2378 : i32 to vector<128x64xi32>
    %add3A_2380 = arith.addi %slice3A_2371, %add3A_2379 : vector<128x64xi32>
    %shift_right_logical3A_2381 = arith.constant 16 : i32
    %shift_right_logical3A_2382 = vector.broadcast %shift_right_logical3A_2381 : i32 to vector<128x64xi32>
    %shift_right_logical3A_2383 = arith.shrui %add3A_2380, %shift_right_logical3A_2382 : vector<128x64xi32>
    %or3A_2384 = arith.ori %and3A_2377, %shift_right_logical3A_2383 : vector<128x64xi32>
    %concatenate3A_2385 = tpu.concatenate %or3A_2369, %or3A_2384 in 1 : vector<128x64xi32>, vector<128x64xi32> -> vector<128x128xi32>
    %bitcast_convert_type3A_2386 = tpu.bitcast %concatenate3A_2385 : vector<128x128xi32> -> vector<128x128xf32>
    %swap3A_2387 = arith.constant 7552 : index
    %swap3A_2388 = arith.constant 0 : index
    %swap3A_2389 = vector.load %arg2[%swap3A_2387, %swap3A_2388] : memref<8192x128xf32, #tpu.memory_space<vmem>>, vector<128x128xf32>
    tpu.vector_store %arg2[%swap3A_2387, %swap3A_2388], %bitcast_convert_type3A_2386 {strides = array<i32>} : memref<8192x128xf32, #tpu.memory_space<vmem>>, vector<128x128xf32>,
    %get3A_2390 = arith.constant 0 : index
    %get3A_2391 = arith.constant 30720 : index
    %get3A_2392 = vector.load %arg1[%get3A_2390, %get3A_2391] : memref<64x32768xf32, #tpu.memory_space<vmem>>, vector<64x512xf32>
    %transpose3A_2393 = tpu.transpose %get3A_2392, [1, 0] : vector<64x512xf32> -> vector<512x64xf32>
    %bitcast_convert_type3A_2394 = tpu.bitcast %transpose3A_2393 : vector<512x64xf32> -> vector<512x64xi32>
    %slice3A_2395 = vector.extract_strided_slice %bitcast_convert_type3A_2394 {offsets = [0, 0], sizes = [128, 64], strides = [1, 1]} : vector<512x64xi32> to vector<128x64xi32>
    %slice3A_2396 = vector.extract_strided_slice %bitcast_convert_type3A_2394 {offsets = [128, 0], sizes = [128, 64], strides = [1, 1]} : vector<512x64xi32> to vector<128x64xi32>
    %add3A_2397 = arith.constant 32768 : i32
    %add3A_2398 = vector.broadcast %add3A_2397 : i32 to vector<128x64xi32>
    %add3A_2399 = arith.addi %slice3A_2395, %add3A_2398 : vector<128x64xi32>
    %and3A_2400 = arith.constant -65536 : i32
    %and3A_2401 = vector.broadcast %and3A_2400 : i32 to vector<128x64xi32>
    %and3A_2402 = arith.andi %add3A_2399, %and3A_2401 : vector<128x64xi32>
    %add3A_2403 = arith.constant 32768 : i32
    %add3A_2404 = vector.broadcast %add3A_2403 : i32 to vector<128x64xi32>
    %add3A_2405 = arith.addi %slice3A_2396, %add3A_2404 : vector<128x64xi32>
    %shift_right_logical3A_2406 = arith.constant 16 : i32
    %shift_right_logical3A_2407 = vector.broadcast %shift_right_logical3A_2406 : i32 to vector<128x64xi32>
    %shift_right_logical3A_2408 = arith.shrui %add3A_2405, %shift_right_logical3A_2407 : vector<128x64xi32>
    %or3A_2409 = arith.ori %and3A_2402, %shift_right_logical3A_2408 : vector<128x64xi32>
    %slice3A_2410 = vector.extract_strided_slice %bitcast_convert_type3A_2394 {offsets = [256, 0], sizes = [128, 64], strides = [1, 1]} : vector<512x64xi32> to vector<128x64xi32>
    %slice3A_2411 = vector.extract_strided_slice %bitcast_convert_type3A_2394 {offsets = [384, 0], sizes = [128, 64], strides = [1, 1]} : vector<512x64xi32> to vector<128x64xi32>
    %add3A_2412 = arith.constant 32768 : i32
    %add3A_2413 = vector.broadcast %add3A_2412 : i32 to vector<128x64xi32>
    %add3A_2414 = arith.addi %slice3A_2410, %add3A_2413 : vector<128x64xi32>
    %and3A_2415 = arith.constant -65536 : i32
    %and3A_2416 = vector.broadcast %and3A_2415 : i32 to vector<128x64xi32>
    %and3A_2417 = arith.andi %add3A_2414, %and3A_2416 : vector<128x64xi32>
    %add3A_2418 = arith.constant 32768 : i32
    %add3A_2419 = vector.broadcast %add3A_2418 : i32 to vector<128x64xi32>
    %add3A_2420 = arith.addi %slice3A_2411, %add3A_2419 : vector<128x64xi32>
    %shift_right_logical3A_2421 = arith.constant 16 : i32
    %shift_right_logical3A_2422 = vector.broadcast %shift_right_logical3A_2421 : i32 to vector<128x64xi32>
    %shift_right_logical3A_2423 = arith.shrui %add3A_2420, %shift_right_logical3A_2422 : vector<128x64xi32>
    %or3A_2424 = arith.ori %and3A_2417, %shift_right_logical3A_2423 : vector<128x64xi32>
    %concatenate3A_2425 = tpu.concatenate %or3A_2409, %or3A_2424 in 1 : vector<128x64xi32>, vector<128x64xi32> -> vector<128x128xi32>
    %bitcast_convert_type3A_2426 = tpu.bitcast %concatenate3A_2425 : vector<128x128xi32> -> vector<128x128xf32>
    %swap3A_2427 = arith.constant 7680 : index
    %swap3A_2428 = arith.constant 0 : index
    %swap3A_2429 = vector.load %arg2[%swap3A_2427, %swap3A_2428] : memref<8192x128xf32, #tpu.memory_space<vmem>>, vector<128x128xf32>
    tpu.vector_store %arg2[%swap3A_2427, %swap3A_2428], %bitcast_convert_type3A_2426 {strides = array<i32>} : memref<8192x128xf32, #tpu.memory_space<vmem>>, vector<128x128xf32>,
    %get3A_2430 = arith.constant 0 : index
    %get3A_2431 = arith.constant 31232 : index
    %get3A_2432 = vector.load %arg1[%get3A_2430, %get3A_2431] : memref<64x32768xf32, #tpu.memory_space<vmem>>, vector<64x512xf32>
    %transpose3A_2433 = tpu.transpose %get3A_2432, [1, 0] : vector<64x512xf32> -> vector<512x64xf32>
    %bitcast_convert_type3A_2434 = tpu.bitcast %transpose3A_2433 : vector<512x64xf32> -> vector<512x64xi32>
    %slice3A_2435 = vector.extract_strided_slice %bitcast_convert_type3A_2434 {offsets = [0, 0], sizes = [128, 64], strides = [1, 1]} : vector<512x64xi32> to vector<128x64xi32>
    %slice3A_2436 = vector.extract_strided_slice %bitcast_convert_type3A_2434 {offsets = [128, 0], sizes = [128, 64], strides = [1, 1]} : vector<512x64xi32> to vector<128x64xi32>
    %add3A_2437 = arith.constant 32768 : i32
    %add3A_2438 = vector.broadcast %add3A_2437 : i32 to vector<128x64xi32>
    %add3A_2439 = arith.addi %slice3A_2435, %add3A_2438 : vector<128x64xi32>
    %and3A_2440 = arith.constant -65536 : i32
    %and3A_2441 = vector.broadcast %and3A_2440 : i32 to vector<128x64xi32>
    %and3A_2442 = arith.andi %add3A_2439, %and3A_2441 : vector<128x64xi32>
    %add3A_2443 = arith.constant 32768 : i32
    %add3A_2444 = vector.broadcast %add3A_2443 : i32 to vector<128x64xi32>
    %add3A_2445 = arith.addi %slice3A_2436, %add3A_2444 : vector<128x64xi32>
    %shift_right_logical3A_2446 = arith.constant 16 : i32
    %shift_right_logical3A_2447 = vector.broadcast %shift_right_logical3A_2446 : i32 to vector<128x64xi32>
    %shift_right_logical3A_2448 = arith.shrui %add3A_2445, %shift_right_logical3A_2447 : vector<128x64xi32>
    %or3A_2449 = arith.ori %and3A_2442, %shift_right_logical3A_2448 : vector<128x64xi32>
    %slice3A_2450 = vector.extract_strided_slice %bitcast_convert_type3A_2434 {offsets = [256, 0], sizes = [128, 64], strides = [1, 1]} : vector<512x64xi32> to vector<128x64xi32>
    %slice3A_2451 = vector.extract_strided_slice %bitcast_convert_type3A_2434 {offsets = [384, 0], sizes = [128, 64], strides = [1, 1]} : vector<512x64xi32> to vector<128x64xi32>
    %add3A_2452 = arith.constant 32768 : i32
    %add3A_2453 = vector.broadcast %add3A_2452 : i32 to vector<128x64xi32>
    %add3A_2454 = arith.addi %slice3A_2450, %add3A_2453 : vector<128x64xi32>
    %and3A_2455 = arith.constant -65536 : i32
    %and3A_2456 = vector.broadcast %and3A_2455 : i32 to vector<128x64xi32>
    %and3A_2457 = arith.andi %add3A_2454, %and3A_2456 : vector<128x64xi32>
    %add3A_2458 = arith.constant 32768 : i32
    %add3A_2459 = vector.broadcast %add3A_2458 : i32 to vector<128x64xi32>
    %add3A_2460 = arith.addi %slice3A_2451, %add3A_2459 : vector<128x64xi32>
    %shift_right_logical3A_2461 = arith.constant 16 : i32
    %shift_right_logical3A_2462 = vector.broadcast %shift_right_logical3A_2461 : i32 to vector<128x64xi32>
    %shift_right_logical3A_2463 = arith.shrui %add3A_2460, %shift_right_logical3A_2462 : vector<128x64xi32>
    %or3A_2464 = arith.ori %and3A_2457, %shift_right_logical3A_2463 : vector<128x64xi32>
    %concatenate3A_2465 = tpu.concatenate %or3A_2449, %or3A_2464 in 1 : vector<128x64xi32>, vector<128x64xi32> -> vector<128x128xi32>
    %bitcast_convert_type3A_2466 = tpu.bitcast %concatenate3A_2465 : vector<128x128xi32> -> vector<128x128xf32>
    %swap3A_2467 = arith.constant 7808 : index
    %swap3A_2468 = arith.constant 0 : index
    %swap3A_2469 = vector.load %arg2[%swap3A_2467, %swap3A_2468] : memref<8192x128xf32, #tpu.memory_space<vmem>>, vector<128x128xf32>
    tpu.vector_store %arg2[%swap3A_2467, %swap3A_2468], %bitcast_convert_type3A_2466 {strides = array<i32>} : memref<8192x128xf32, #tpu.memory_space<vmem>>, vector<128x128xf32>,
    %get3A_2470 = arith.constant 0 : index
    %get3A_2471 = arith.constant 31744 : index
    %get3A_2472 = vector.load %arg1[%get3A_2470, %get3A_2471] : memref<64x32768xf32, #tpu.memory_space<vmem>>, vector<64x512xf32>
    %transpose3A_2473 = tpu.transpose %get3A_2472, [1, 0] : vector<64x512xf32> -> vector<512x64xf32>
    %bitcast_convert_type3A_2474 = tpu.bitcast %transpose3A_2473 : vector<512x64xf32> -> vector<512x64xi32>
    %slice3A_2475 = vector.extract_strided_slice %bitcast_convert_type3A_2474 {offsets = [0, 0], sizes = [128, 64], strides = [1, 1]} : vector<512x64xi32> to vector<128x64xi32>
    %slice3A_2476 = vector.extract_strided_slice %bitcast_convert_type3A_2474 {offsets = [128, 0], sizes = [128, 64], strides = [1, 1]} : vector<512x64xi32> to vector<128x64xi32>
    %add3A_2477 = arith.constant 32768 : i32
    %add3A_2478 = vector.broadcast %add3A_2477 : i32 to vector<128x64xi32>
    %add3A_2479 = arith.addi %slice3A_2475, %add3A_2478 : vector<128x64xi32>
    %and3A_2480 = arith.constant -65536 : i32
    %and3A_2481 = vector.broadcast %and3A_2480 : i32 to vector<128x64xi32>
    %and3A_2482 = arith.andi %add3A_2479, %and3A_2481 : vector<128x64xi32>
    %add3A_2483 = arith.constant 32768 : i32
    %add3A_2484 = vector.broadcast %add3A_2483 : i32 to vector<128x64xi32>
    %add3A_2485 = arith.addi %slice3A_2476, %add3A_2484 : vector<128x64xi32>
    %shift_right_logical3A_2486 = arith.constant 16 : i32
    %shift_right_logical3A_2487 = vector.broadcast %shift_right_logical3A_2486 : i32 to vector<128x64xi32>
    %shift_right_logical3A_2488 = arith.shrui %add3A_2485, %shift_right_logical3A_2487 : vector<128x64xi32>
    %or3A_2489 = arith.ori %and3A_2482, %shift_right_logical3A_2488 : vector<128x64xi32>
    %slice3A_2490 = vector.extract_strided_slice %bitcast_convert_type3A_2474 {offsets = [256, 0], sizes = [128, 64], strides = [1, 1]} : vector<512x64xi32> to vector<128x64xi32>
    %slice3A_2491 = vector.extract_strided_slice %bitcast_convert_type3A_2474 {offsets = [384, 0], sizes = [128, 64], strides = [1, 1]} : vector<512x64xi32> to vector<128x64xi32>
    %add3A_2492 = arith.constant 32768 : i32
    %add3A_2493 = vector.broadcast %add3A_2492 : i32 to vector<128x64xi32>
    %add3A_2494 = arith.addi %slice3A_2490, %add3A_2493 : vector<128x64xi32>
    %and3A_2495 = arith.constant -65536 : i32
    %and3A_2496 = vector.broadcast %and3A_2495 : i32 to vector<128x64xi32>
    %and3A_2497 = arith.andi %add3A_2494, %and3A_2496 : vector<128x64xi32>
    %add3A_2498 = arith.constant 32768 : i32
    %add3A_2499 = vector.broadcast %add3A_2498 : i32 to vector<128x64xi32>
    %add3A_2500 = arith.addi %slice3A_2491, %add3A_2499 : vector<128x64xi32>
    %shift_right_logical3A_2501 = arith.constant 16 : i32
    %shift_right_logical3A_2502 = vector.broadcast %shift_right_logical3A_2501 : i32 to vector<128x64xi32>
    %shift_right_logical3A_2503 = arith.shrui %add3A_2500, %shift_right_logical3A_2502 : vector<128x64xi32>
    %or3A_2504 = arith.ori %and3A_2497, %shift_right_logical3A_2503 : vector<128x64xi32>
    %concatenate3A_2505 = tpu.concatenate %or3A_2489, %or3A_2504 in 1 : vector<128x64xi32>, vector<128x64xi32> -> vector<128x128xi32>
    %bitcast_convert_type3A_2506 = tpu.bitcast %concatenate3A_2505 : vector<128x128xi32> -> vector<128x128xf32>
    %swap3A_2507 = arith.constant 7936 : index
    %swap3A_2508 = arith.constant 0 : index
    %swap3A_2509 = vector.load %arg2[%swap3A_2507, %swap3A_2508] : memref<8192x128xf32, #tpu.memory_space<vmem>>, vector<128x128xf32>
    tpu.vector_store %arg2[%swap3A_2507, %swap3A_2508], %bitcast_convert_type3A_2506 {strides = array<i32>} : memref<8192x128xf32, #tpu.memory_space<vmem>>, vector<128x128xf32>,
    %get3A_2510 = arith.constant 0 : index
    %get3A_2511 = arith.constant 32256 : index
    %get3A_2512 = vector.load %arg1[%get3A_2510, %get3A_2511] : memref<64x32768xf32, #tpu.memory_space<vmem>>, vector<64x512xf32>
    %transpose3A_2513 = tpu.transpose %get3A_2512, [1, 0] : vector<64x512xf32> -> vector<512x64xf32>
    %bitcast_convert_type3A_2514 = tpu.bitcast %transpose3A_2513 : vector<512x64xf32> -> vector<512x64xi32>
    %slice3A_2515 = vector.extract_strided_slice %bitcast_convert_type3A_2514 {offsets = [0, 0], sizes = [128, 64], strides = [1, 1]} : vector<512x64xi32> to vector<128x64xi32>
    %slice3A_2516 = vector.extract_strided_slice %bitcast_convert_type3A_2514 {offsets = [128, 0], sizes = [128, 64], strides = [1, 1]} : vector<512x64xi32> to vector<128x64xi32>
    %add3A_2517 = arith.constant 32768 : i32
    %add3A_2518 = vector.broadcast %add3A_2517 : i32 to vector<128x64xi32>
    %add3A_2519 = arith.addi %slice3A_2515, %add3A_2518 : vector<128x64xi32>
    %and3A_2520 = arith.constant -65536 : i32
    %and3A_2521 = vector.broadcast %and3A_2520 : i32 to vector<128x64xi32>
    %and3A_2522 = arith.andi %add3A_2519, %and3A_2521 : vector<128x64xi32>
    %add3A_2523 = arith.constant 32768 : i32
    %add3A_2524 = vector.broadcast %add3A_2523 : i32 to vector<128x64xi32>
    %add3A_2525 = arith.addi %slice3A_2516, %add3A_2524 : vector<128x64xi32>
    %shift_right_logical3A_2526 = arith.constant 16 : i32
    %shift_right_logical3A_2527 = vector.broadcast %shift_right_logical3A_2526 : i32 to vector<128x64xi32>
    %shift_right_logical3A_2528 = arith.shrui %add3A_2525, %shift_right_logical3A_2527 : vector<128x64xi32>
    %or3A_2529 = arith.ori %and3A_2522, %shift_right_logical3A_2528 : vector<128x64xi32>
    %slice3A_2530 = vector.extract_strided_slice %bitcast_convert_type3A_2514 {offsets = [256, 0], sizes = [128, 64], strides = [1, 1]} : vector<512x64xi32> to vector<128x64xi32>
    %slice3A_2531 = vector.extract_strided_slice %bitcast_convert_type3A_2514 {offsets = [384, 0], sizes = [128, 64], strides = [1, 1]} : vector<512x64xi32> to vector<128x64xi32>
    %add3A_2532 = arith.constant 32768 : i32
    %add3A_2533 = vector.broadcast %add3A_2532 : i32 to vector<128x64xi32>
    %add3A_2534 = arith.addi %slice3A_2530, %add3A_2533 : vector<128x64xi32>
    %and3A_2535 = arith.constant -65536 : i32
    %and3A_2536 = vector.broadcast %and3A_2535 : i32 to vector<128x64xi32>
    %and3A_2537 = arith.andi %add3A_2534, %and3A_2536 : vector<128x64xi32>
    %add3A_2538 = arith.constant 32768 : i32
    %add3A_2539 = vector.broadcast %add3A_2538 : i32 to vector<128x64xi32>
    %add3A_2540 = arith.addi %slice3A_2531, %add3A_2539 : vector<128x64xi32>
    %shift_right_logical3A_2541 = arith.constant 16 : i32
    %shift_right_logical3A_2542 = vector.broadcast %shift_right_logical3A_2541 : i32 to vector<128x64xi32>
    %shift_right_logical3A_2543 = arith.shrui %add3A_2540, %shift_right_logical3A_2542 : vector<128x64xi32>
    %or3A_2544 = arith.ori %and3A_2537, %shift_right_logical3A_2543 : vector<128x64xi32>
    %concatenate3A_2545 = tpu.concatenate %or3A_2529, %or3A_2544 in 1 : vector<128x64xi32>, vector<128x64xi32> -> vector<128x128xi32>
    %bitcast_convert_type3A_2546 = tpu.bitcast %concatenate3A_2545 : vector<128x128xi32> -> vector<128x128xf32>
    %swap3A_2547 = arith.constant 8064 : index
    %swap3A_2548 = arith.constant 0 : index
    %swap3A_2549 = vector.load %arg2[%swap3A_2547, %swap3A_2548] : memref<8192x128xf32, #tpu.memory_space<vmem>>, vector<128x128xf32>
    tpu.vector_store %arg2[%swap3A_2547, %swap3A_2548], %bitcast_convert_type3A_2546 {strides = array<i32>} : memref<8192x128xf32, #tpu.memory_space<vmem>>, vector<128x128xf32>,
    return
  }
  func.func @transform_0(%arg0: i32) -> (i32, i32) {
    %c0_i32 = arith.constant 0 : i32
    %c0_i32_0 = arith.constant 0 : i32
    return %c0_i32, %arg0 : i32, i32
  }
  func.func @transform_1(%arg0: i32) -> (i32, i32) {
    %c0_i32 = arith.constant 0 : i32
    %c0_i32_0 = arith.constant 0 : i32
    return %arg0, %c0_i32 : i32, i32
  }
}

</mosaic_0001>

<sc_bundles>
// kernel: kernel.5.cloned.1.call-start
scs
__scs_entry_jumppad:
0x0: {  	(pc) =	sbr.rel $0x88, $3  }
0x1: {  	(tag) =	ssettag $0x0;
	lr =	simm.s32 $0x1  }
0x2: {  	[smem:$0x3F9D] =	sst lr;
	_ =	strace $0xD0000000  }
0x3: {  	_ = 	snop  }
0x4: {  	_ = 	snop  }
0x5: {  	_ = 	snop  }
0x6: {  	_ = 	snop  }
0x7: {  	_ = 	snop  }
__scs_overlays_trampoline_lowered:
0x8: {  	[smem:$0x3FAC] =	sst s0  }
0x9: {  	[smem:$0x3FAD] =	sst s1  }
0xa: {  	[smem:$0x3FAE] =	sst s2  }
0xb: {  	[smem:$0x3FAF] =	sst s3  }
0xc: {  	[smem:$0x3FB0] =	sst s4  }
0xd: {  	[smem:$0x3FB1] =	sst s5  }
0xe: {  	[smem:$0x3FB2] =	sst s6  }
0xf: {  	[smem:$0x3FB3] =	sst s7  }
0x10: {  	[smem:$0x3FB4] =	sst s8  }
0x11: {  	[smem:$0x3FB5] =	sst s9;
	s0 =	simm.s32 @!p0 $0x0  }
0x12: {  	s1 =	sld [smem:$0x3F9B];
	s0 =	simm.s32 @p0 $0x1  }
0x13: {  	[smem:$0x3FB6] =	sst s0;
	s0 =	simm.s32 @!p1 $0x0  }
0x14: {  	s2 =	sld [smem:$0x3F9A];
	s0 =	simm.s32 @p1 $0x1  }
0x15: {  	[smem:$0x3FB7] =	sst s0;
	s0 =	simm.s32 @!p2 $0x0  }
0x16: {  	s3 =	sld [smem:$0x3FDB];
	s0 =	simm.s32 @p2 $0x1  }
0x17: {  	s4 =	simm.s32 $0x1BF5;
	[smem:$0x3FB9] =	sst s0  }
0x18: {  	s0 =	sld [smem:$0x3F9C];
	_ =	swait.ge [sflag:s4], $0x0  }
0x19: {  	s7 =	sld [smem:$0x3F9D]  }
0x1a: {  	s8 =	sadd.s32 $0xFFFFE003, lr  }
0x1b: {  	s9 =	sadd.s32 $0xFFFFFEF7, lr;
	s5 =	simm.s32 $0xFFFFFFFF;
	p2 =	slt.u32 s8, $0xFFFFF086  }
0x1c: {  	p1 =	slt.u32 s9, $0xF7A;
	s5 =	simm.s32 @!p2 $0x0  }
0x1d: {  	s5 =	simm.s32 @p1 $0x1;
	p0 =	seq.s32 s7, s2  }
0x1e: {  	s7 =	smul.u32 @!p0 $0xF7A, s2;
	p2 =	seq.s32 @!p0 s5, $0x0  }
0x1f: {  	s9 =	smul.u32 $0xF7A, s1;
	s8 =	simm.s32 @!p0 $0x1BF5;
	p2 =	por !p2, p0  }
0x20: {  	[sflag:s8] =	ssyncset.s32 @!p0 $0xFFFFF086;
	s6 =	sadd.s32 @!p0 s3, s7;
	s7 =	simm.s32 @!p0 $0x108  }
0x21: {  	s3 =	sadd.s32 s3, s9;
	s6 =	sadd.s32 @!p0 $0x88, s6;
	s7 =	simm.s32 @p2 $0x1082  }
0x22: {  	[simem:s7], [sflag:s8] =	dma.local @!p0 [hbm:s6], $0xF7A  }
0x23: {  	s9 =	sor.u32 $0xD0000000, s2;
	s6 =	simm.s32 $0x108;
	_ =	swait.ge @!p0 [sflag:s8], $0x0  }
0x24: {  	s3 =	sadd.s32 $0x88, s3;
	s6 =	simm.s32 @!p1 $0x1082;
	[sflag:s4] =	ssyncset.s32 $0xFFFFF086  }
0x25: {  	[simem:s6], [sflag:s4] =	dma.local [hbm:s3], $0xF7A  }
0x26: {  	[smem:$0x3F9D] =	sst s1;
	(tag) =	ssettag s2;
	_ =	strace s9  }
0x27: {  	s1 =	sld [smem:$0x3FAD]  }
0x28: {  	s2 =	sld [smem:$0x3FAE]  }
0x29: {  	s4 =	sld [smem:$0x3FB0]  }
0x2a: {  	p0 =	seq.s32 s5, $0x0;
	s5 =	sld [smem:$0x3FB1]  }
0x2b: {  	s6 =	sld [smem:$0x3FB2]  }
0x2c: {  	s7 =	sld [smem:$0x3FB3]  }
0x2d: {  	s3 =	simm.s32 $0x108;
	s8 =	sld [smem:$0x3FB4]  }
0x2e: {  	s3 =	simm.s32 @!p0 $0x1082;
	s9 =	sld [smem:$0x3FB5]  }
0x2f: {  	lr =	sadd.s32 s0, s3;
	s0 =	sld [smem:$0x3FAC]  }
0x30: {  	s3 =	sld [smem:$0x3FAF]  }
0x31: {  	[smem:$0x3FB8] =	sst s10  }
0x32: {  	s10 =	sld [smem:$0x3FB6];
	_ =	sdelay $0x3  }
0x33: {  	p0 =	seq.s32 s10, $0x1;
	s10 =	sld [smem:$0x3FB8];
	_ =	sdelay $0x3  }
0x34: {  	[smem:$0x3FB8] =	sst s10  }
0x35: {  	s10 =	sld [smem:$0x3FB7];
	_ =	sdelay $0x3  }
0x36: {  	p1 =	seq.s32 s10, $0x1;
	s10 =	sld [smem:$0x3FB8];
	_ =	sdelay $0x3  }
0x37: {  	[smem:$0x3FB8] =	sst s10  }
0x38: {  	s10 =	sld [smem:$0x3FB9]  }
0x39: {  	_ = 	snop;
	(pc) =	sbr.ind lr, $3  }
0x3a: {  	_ = 	snop  }
0x3b: {  	_ = 	snop  }
0x3c: {  	p2 =	seq.s32 s10, $0x1;
	s10 =	sld [smem:$0x3FB8]  }
0x3d: {  	_ =	shalt  }
0x3e: {  	_ =	shalt  }
0x3f: {  	_ =	shalt  }
0x40: {  	_ =	shalt  }
0x41: {  	_ =	shalt  }
0x42: {  	_ =	shalt  }
0x43: {  	_ =	shalt  }
0x44: {  	_ =	shalt  }
0x45: {  	_ =	shalt  }
0x46: {  	_ =	shalt  }
0x47: {  	_ =	shalt  }
0x48: {  	_ =	shalt  }
0x49: {  	_ =	shalt  }
0x4a: {  	_ =	shalt  }
0x4b: {  	_ =	shalt  }
0x4c: {  	_ =	shalt  }
0x4d: {  	_ =	shalt  }
0x4e: {  	_ =	shalt  }
0x4f: {  	_ =	shalt  }
0x50: {  	_ =	shalt  }
0x51: {  	_ =	shalt  }
0x52: {  	_ =	shalt  }
0x53: {  	_ =	shalt  }
0x54: {  	_ =	shalt  }
0x55: {  	_ =	shalt  }
0x56: {  	_ =	shalt  }
0x57: {  	_ =	shalt  }
0x58: {  	_ =	shalt  }
0x59: {  	_ =	shalt  }
0x5a: {  	_ =	shalt  }
0x5b: {  	_ =	shalt  }
0x5c: {  	_ =	shalt  }
0x5d: {  	_ =	shalt  }
0x5e: {  	_ =	shalt  }
0x5f: {  	_ =	shalt  }
0x60: {  	_ =	shalt  }
0x61: {  	_ =	shalt  }
0x62: {  	_ =	shalt  }
0x63: {  	_ =	shalt  }
0x64: {  	_ =	shalt  }
0x65: {  	_ =	shalt  }
0x66: {  	_ =	shalt  }
0x67: {  	_ =	shalt  }
0x68: {  	_ =	shalt  }
0x69: {  	_ =	shalt  }
0x6a: {  	_ =	shalt  }
0x6b: {  	_ =	shalt  }
0x6c: {  	_ =	shalt  }
0x6d: {  	_ =	shalt  }
0x6e: {  	_ =	shalt  }
0x6f: {  	_ =	shalt  }
0x70: {  	_ =	shalt  }
0x71: {  	_ =	shalt  }
0x72: {  	_ =	shalt  }
0x73: {  	_ =	shalt  }
0x74: {  	_ =	shalt  }
0x75: {  	_ =	shalt  }
0x76: {  	_ =	shalt  }
0x77: {  	_ =	shalt  }
0x78: {  	_ =	shalt  }
0x79: {  	_ =	shalt  }
0x7a: {  	_ =	shalt  }
0x7b: {  	_ =	shalt  }
0x7c: {  	_ =	shalt  }
0x7d: {  	_ =	shalt  }
0x7e: {  	_ =	shalt  }
0x7f: {  	_ =	shalt  }
0x80: {  	_ =	shalt  }
0x81: {  	_ =	shalt  }
0x82: {  	_ =	shalt  }
0x83: {  	_ =	shalt  }
0x84: {  	_ =	shalt  }
0x85: {  	_ =	shalt  }
0x86: {  	_ =	shalt  }
0x87: {  	_ =	shalt  }
.Lfunc_end0:
.L_simem_size_0:
called_computation_lowered:
.L_overlay_start_0:
0x88: {  	s2 =	sld [smem:$0x3FD9]  }
0x89: {  	s3 =	sld [smem:$0x3FFE];
	_ =	sdelay $0x1  }
0x8a: {  	s1 =	srdreg.scid  }
0x8b: {  	s0 =	sand.u32 $0x1, s1  }
0x8c: {  	s17 =	sshll.u32 s0, $0xA;
	s2 =	sadd.s32 s3, s2  }
0x8d: {  	s2 =	sadd.s32 s2, s17  }
0x8e: {  	[smem:$0x3FC4] =	sst s2  }
0x8f: {  	_ = 	snop  }
0x90: {  	s2 =	sld [smem:$0x3FC9]  }
0x91: {  	s18 =	sld [smem:$0x3FD0];
	(tm) =	ssettm $0x1  }
0x92: {  	s4 =	sld [smem:$0x3FFB];
	_ =	sdelay $0x3  }
0x93: {  	_ =	strace s4  }
0x94: {  	s4 =	sld [smem:$0x3FFC];
	_ =	sdelay $0x3  }
0x95: {  	_ =	strace s4  }
0x96: {  	s4 =	sld [smem:$0x3FFD];
	_ =	sdelay $0x3  }
0x97: {  	_ =	strace s4  }
0x98: {  	_ =	strace $0x8FFFFFFF  }
0x99: {  	s19 =	sld [smem:$0x3FDB];
	_ =	sdelay $0x1  }
0x9a: {  	s5 =	simm.s32 $_scs_section_size  }
0x9b: {  	s6 =	simm.s32 $_size__tile_overlayer_lowered;
	s7 =	simm.s32 $_tile_overlayer_lowered  }
0x9c: {  	s22 =	simm.s32 $0x1BFF;
	s21 =	sshll.u32 s7, $0x1;
	s4 =	sadd.s32 s5, s19  }
0x9d: {  	s8 =	simm.s32 $0x0;
	s20 =	sshll.u32 s6, $0x1;
	s6 =	sadd.s32 s21, s4  }
0x9e: {  	[timem:s8], [sflag:s22] =	dma.local [hbm:s6], s20  }
0x9f: {  	_ =	swait.ge [sflag:s22], s20  }
0xa0: {  	s5 =	ssub.s32 $0x0, s20;
	[sflag:s22] =	ssyncset.done $0x0  }
0xa1: {  	[sflag:s22] =	ssyncadd.s32 s5;
	_ =	sdelay $0x1  }
0xa2: {  	s23 =	simm.s32 $0x1B8B  }
0xa3: {  	_ =	swait.ge [sflag:s23], $0x1  }
0xa4: {  	[sflag:s23] =	ssyncset.done $0x0  }
0xa5: {  	s25 =	simm.s32 $0x1B8E;
	s24 =	sld [smem:$0x3FFE];
	[sflag:s23] =	ssyncadd.s32 $0xFFFFFFFF  }
0xa6: {  	s26 =	simm.s32 $execute0_lowered;
	[smem:$0x3FD2] =	sst s25  }
0xa7: {  	s6 =	sshll.u32 s26, $0x1;
	_ =	strace $0x80000046;
	[dreg:$0x1] =	wrdreg $0xFFFFFFFF  }
0xa8: {  	s28 =	simm.s32 $_size_execute0_lowered;
	s4 =	sadd.s32 s4, s6;
	[dreg:$0x0] =	wrdreg $0x0  }
0xa9: {  	s6 =	sshll.u32 s28, $0x1;
	[dreg:$0x2] =	wrdreg s4  }
0xaa: {  	[dreg:$0x3] =	wrdreg s6  }
0xab: {  	[dreg:$0x4] =	wrdreg $0xC0  }
0xac: {  	_ =	task [dreg:s8], $0x5FFFF  }
0xad: {  	[dreg:$0x1] =	wrdreg $0xFFFFFFFF  }
0xae: {  	[dreg:$0x0] =	wrdreg $0x60  }
0xaf: {  	[dreg:$0x2] =	wrdreg s2  }
0xb0: {  	[dreg:$0x3] =	wrdreg s24  }
0xb1: {  	[dreg:$0x4] =	wrdreg s18  }
0xb2: {  	[dreg:$0x5] =	wrdreg $0x9  }
0xb3: {  	_ =	task.clear_ibuf [dreg:s8], $0x6FFFF;
	_ =	strace $0x90000046  }
0xb4: {  	s29 =	simm.s32 $0x9;
	_ =	strace $0x80000048  }
0xb5: {  	_ =	swait.ge [sflag:s29], $0x1  }
0xb6: {  	[sflag:s29] =	ssyncadd.s32 $0xFFFFFFFF  }
0xb7: {  	_ =	strace $0x90000048  }
0xb8: {  	_ =	sfence  }
0xb9: {  	s30 =	sld [smem:$0x0];
	_ =	sdelay $0x2  }
0xba: {  	s31 =	sshll.u32 s1, $0xD;
	s1 =	sshrl.u32 s1, $0x2  }
0xbb: {  	s3 =	sand.u32 $0x4000, s31;
	s1 =	sadd.s32 s1, s30  }
0xbc: {  	s0 =	sor.u32 s3, s0;
	s1 =	sshll.u32 s1, $0x11  }
0xbd: {  	s0 =	sor.u32 s1, s0  }
0xbe: {  	s0 =	sadd.s32 $0x8F2B, s0  }
0xbf: {  	[sflag:s0] =	ssyncadd.remote.s32 $0x1  }
0xc0: {  	_ =	sfence.sel $0xFFFF  }
0xc1: {  	[dreg:$0x0] =	wrdreg $0xFFFFFFFF;
	(pc) =	sbr.abs _section_cstart, $3  }
0xc2: {  	[dreg:$0x1] =	wrdreg $0xFFFFFFFF  }
0xc3: {  	_ =	task.clear_ibuf [dreg:s8], $0x2FFFF;
	_ =	strace $0x9FFFFFFF  }
0xc4: {  	(tm) =	ssettm $0x7FFFFFFF  }
0xc5: {  	_ =	shalt  }
tec
execute0_lowered:
.L_overlay_start_1:
0x0: {  	(tag) =	ssettag $0x1  }
0x1: {  	s4 =	rddreg [dreg:$0x0]  }
0x2: {  	s3 =	rddreg [dreg:$0x1]  }
0x3: {  	s5 =	rddreg [dreg:$0x2]  }
0x4: {  	s0 =	rddreg [dreg:$0x3];
	s2 =	simm.s32 $0x0;
	s6 =	srdreg.scid  }
0x5: {  	s1 =	stileid.u32;
	s10 =	simm.s32 $0x1;
	s11 =	simm.s32 $0x0  }
0x6: {  	[smem:$0x7FF] =	sst s2;
	s6 =	sand.u32 $0x1, s6;
	s7 =	sshll.u32 s1, $0xA  }
0x7: {  	s3 =	sadd.s32 $0xC00, s3;
	s8 =	sshll.u32 s6, $0x9;
	s6 =	ssub.s32 $0x2, s6  }
0x8: {  	_ =	strace $0x80000047;
	s7 =	sor.u32 s8, s7;
	s31 =	sshrl.u32 s6, $0x1  }
0x9: {  	s8 =	simm.s32 $0x200;
	s9 =	sshrl.u32 s7, $0x3;
	s7 =	sshll.u32 s7, $0x4  }
0xa: {  	s6 =	ssub.s32 s6, s31;
	s4 =	sadd.s32 s4, s9;
	s5 =	sadd.s32 s5, s7  }
0xb: {  	s6 =	smax.u32 s6, $0x1;
	s7 =	simm.s32 $0x2;
	s9 =	simm.s32 $0x400  }
.LBB2_1:
0xc: {  	[tilespmem:s2], [sflag:$0x2] =	stream.linear.gather [hbm4b:s4+s2], $0x200, $0x38;
	[tilespmem:$0x10400] =	vst v63  }
0xd: {  	_ =	swait.ge [sflag:s7], $0x200  }
0xe: {  	[sflag:s7] =	ssyncset.done $0x0  }
0xf: {  	s12 =	simm.s32 $0x0;
	[sflag:s7] =	ssyncadd.s32 $0xFFFFFE00  }
0x10: {  	s13 =	simm.s32 $0x40;
	v0 =	vld [tilespmem:s12+$0x0]  }
.LBB2_2:
0x11: {  	_ =	sdelay $0x1  }
0x12: {  	p0 =	sne.s32 s13, $0x7C0  }
.Ltmp0:
0x13: {  	_ = 	snop;
	(pc) =	sbr.rel @p0 .LBB2_2-.Ltmp0, $4  }
0x14: {  	v1 =	vshra.s32 v0, $0x2  }
0x15: {  	v2 =	vand.u32 $0x7F, v0;
	v1 =	vand.u32 $0xFFFFFF80, v1  }
0x16: {  	s14 =	sshra.s32 s13, $0x2;
	v1 =	vor.u32 v2, v1  }
0x17: {  	s13 =	sadd.s32 $0x40, s13;
	v0 =	vld [tilespmem:s14+$0x0];
	[tilespmem:s12+$0x200] =	vst v1;
	s12 =	smov.u32 s14  }
0x18: {  	_ =	sdelay $0x3  }
0x19: {  	v1 =	vshra.s32 v0, $0x2  }
0x1a: {  	v63 =	vand.u32 $0x7F, v0;
	v1 =	vand.u32 $0xFFFFFF80, v1  }
0x1b: {  	v0 =	vor.u32 v63, v1  }
0x1c: {  	[tilespmem:s12+$0x200] =	vst v0  }
0x1d: {  	[tilespmem:s9], [sflag:$0x1] =	stream.indirect.gather [hbm4b:s3+s8], $0x80, s8, s8, $0xb8;
	[tilespmem:$0x10400] =	vst v63  }
0x1e: {  	s11 =	sadd.s32 $0x1, s11;
	_ =	swait.ge [sflag:s10], $0x10000  }
0x1f: {  	p0 =	sne.s32 s11, s6;
	[sflag:s10] =	ssyncset.done $0x0  }
.Ltmp1:
0x20: {  	[sflag:s10] =	ssyncadd.s32 $0xFFFF0000;
	(pc) =	sbr.rel @p0 .LBB2_1-.Ltmp1, $4  }
0x21: {  	[hbm4b:s5+s2] =	stream.linear.scatter [tilespmem:s9], [sflag:$0x2], $0x10000, $0x38;
	[tilespmem:$0x10400] =	vst v63  }
0x22: {  	_ =	swait.ge [sflag:s7], $0x10000  }
0x23: {  	[sflag:s7] =	ssyncset.done $0x0  }
0x24: {  	[sflag:s7] =	ssyncadd.s32 $0xFFFF0000  }
0x25: {  	_ =	sfence.sel $0x180000  }
0x26: {  	[bflag:$0x0] =	sbarrier.arrive $0xFFFF  }
0x27: {  	p0 =	sne.s32 s1, $0x0;
	_ =	strace $0x90000047  }
0x28: {  	s0 =	sadd.s32 @!p0 $0x100000, s0;
	[bflag:$0x2] =	sbarrier.arrive $0xFFFF  }
0x29: {  	[sflag:s0] =	ssyncadd.tile.s32 @!p0 $0x1;
	_ =	shalt  }
.Lfunc_end2:
_tile_overlayer_lowered:
.L_overlay_start_2:
0x2a: {  	(tag) =	ssettag $0x2  }
0x2b: {  	s0 =	rddreg [dreg:$0x0];
	s2 =	stileid.u32  }
0x2c: {  	s1 =	rddreg [dreg:$0x1];
	p0 =	sne.s32 s2, $0x0  }
0x2d: {  	s3 =	rddreg [dreg:$0x2];
	[bflag:$0x3] =	sbarrier.arrive $0xFFFF;
	s2 =	simm.s32 @!p0 $0x1C02  }
0x2e: {  	[timem:s3], [sflag:s2] =	dma.local @!p0 [hbm:s0], s1  }
0x2f: {  	s0 =	simm.s32 @!p0 $0x2  }
0x30: {  	_ =	swait.ge @!p0 [sflag:s0], s1  }
0x31: {  	s1 =	ssub.s32 @!p0 $0x0, s1;
	[sflag:s0] =	ssyncset.done @!p0 $0x0  }
0x32: {  	[sflag:s0] =	ssyncadd.s32 @!p0 s1  }
0x33: {  	[bflag:$0x3] =	sbarrier.arrive $0xFFFF  }
0x34: {  	_ =	shalt  }

</sc_bundles>
